<compile_context>
chip_gen: v7x
topology: tpu7x:2x2x1
jax: 0.10.2.dev20260603
libtpu: 0.0.44.dev20260713+nightly
codegen_flags: <defaults>
</compile_context>

<pallas_src>
import functools

import jax
import jax.numpy as jnp
from jax import lax
from jax.experimental import pallas as pl
from jax.experimental.pallas import tpu as pltpu
from jax.experimental.pallas import tpu_sc as plsc

N_NODES = 10000
N_HALF = 5000
N_PAD = 5120
COORD_DIM = 64
FEAT_DIM = 256
M = 16

_NC = 2
_NS = 16
_NW = _NC * _NS
_ROWS_PER_W = N_PAD // _NW


def _sc_gather_feats(h):
    mesh = plsc.VectorSubcoreMesh(core_axis_name="c", subcore_axis_name="s")

    @functools.partial(
        pl.kernel,
        mesh=mesh,
        out_type=jax.ShapeDtypeStruct((N_PAD, FEAT_DIM), jnp.float32),
        scratch_types=[
            pltpu.VMEM((_ROWS_PER_W,), jnp.int32),
            pltpu.VMEM((_ROWS_PER_W, FEAT_DIM), jnp.float32),
            pltpu.SemaphoreType.DMA,
        ],
    )
    def k(h_hbm, out_hbm, idx_v, buf, sem):
        wid = lax.axis_index("s") * _NC + lax.axis_index("c")
        base = wid * _ROWS_PER_W
        for c in range(_ROWS_PER_W // 16):
            lane = lax.iota(jnp.int32, 16)
            ev = jnp.minimum((base + c * 16 + lane) * 2, N_NODES - 2)
            idx_v[pl.ds(c * 16, 16)] = ev
        pltpu.async_copy(h_hbm.at[idx_v], buf, sem).wait()
        pltpu.sync_copy(buf, out_hbm.at[pl.ds(base, _ROWS_PER_W)])

    return k(h)


_RB = 256
_KT = 512
_NKT = N_PAD // _KT
_CHUNK = 256


def _knn_body(s2_ref, j_ref, i_ref, sh_ref, d2_ref):
    b = pl.program_id(0)
    blk = s2_ref[pl.ds(b * _RB, _RB), :]
    q = blk[:, COORD_DIM:]
    sh_ref[...] = blk[:, :COORD_DIM]
    qs = jnp.sum(q * q, axis=1, keepdims=True)
    for kt in range(_NKT):
        keys_t = s2_ref[pl.ds(kt * _KT, _KT), :COORD_DIM]
        dp = lax.dot_general(
            q, keys_t, dimension_numbers=(((1,), (1,)), ((), ())),
            preferred_element_type=jnp.float32,
        )
        ks_col = jnp.sum(keys_t * keys_t, axis=1, keepdims=True)
        ks_row = lax.transpose(ks_col, (1, 0))
        d2 = qs - 2.0 * dp + ks_row
        if (kt + 1) * _KT > N_HALF:
            col = kt * _KT + lax.broadcasted_iota(jnp.int32, (_RB, _KT), 1)
            d2 = jnp.where(col >= N_HALF, jnp.inf, d2)
        d2_ref[:, pl.ds(kt * _KT, _KT)] = d2

    def chunk(c, carry):
        rows = pl.ds(c * _CHUNK, _CHUNK)
        lane = lax.broadcasted_iota(jnp.int32, (_CHUNK, 128), 1)
        big = jnp.int32(1 << 30)
        inf = jnp.float32(jnp.inf)
        v1 = jnp.full((_CHUNK, 128), inf)
        v2 = jnp.full((_CHUNK, 128), inf)
        v3 = jnp.full((_CHUNK, 128), inf)
        v4 = jnp.full((_CHUNK, 128), inf)
        i1 = jnp.full((_CHUNK, 128), big)
        i2 = jnp.full((_CHUNK, 128), big)
        i3 = jnp.full((_CHUNK, 128), big)
        i4 = jnp.full((_CHUNK, 128), big)
        for t in range(N_PAD // 128):
            x = d2_ref[rows, pl.ds(t * 128, 128)]
            ix = lane + t * 128
            c1 = x < v1
            c2 = x < v2
            c3 = x < v3
            c4 = x < v4
            v4 = jnp.where(c3, v3, jnp.where(c4, x, v4))
            i4 = jnp.where(c3, i3, jnp.where(c4, ix, i4))
            v3 = jnp.where(c2, v2, jnp.where(c3, x, v3))
            i3 = jnp.where(c2, i2, jnp.where(c3, ix, i3))
            v2 = jnp.where(c1, v1, jnp.where(c2, x, v2))
            i2 = jnp.where(c1, i1, jnp.where(c2, ix, i2))
            v1 = jnp.where(c1, x, v1)
            i1 = jnp.where(c1, ix, i1)
        cols = []
        vmin = v1
        am = i1
        for m in range(M):
            vmin = jnp.min(v1, axis=1, keepdims=True)
            eqm = v1 == vmin
            am = jnp.min(jnp.where(eqm, i1, big), axis=1, keepdims=True)
            cols.append(am)
            if m < M - 1:
                win = eqm & (i1 == am)
                v1 = jnp.where(win, v2, v1)
                i1 = jnp.where(win, i2, i1)
                v2 = jnp.where(win, v3, v2)
                i2 = jnp.where(win, i3, i2)
                v3 = jnp.where(win, v4, v3)
                i3 = jnp.where(win, i4, i3)
                v4 = jnp.where(win, inf, v4)
        nbr = jnp.concatenate(cols, axis=1)
        j_ref[rows, :] = nbr * 2
        acc_lt = jnp.zeros((_CHUNK, 128), jnp.int32)
        acc_eq = jnp.zeros((_CHUNK, 128), jnp.int32)
        for t in range(N_PAD // 128):
            x = d2_ref[rows, pl.ds(t * 128, 128)]
            acc_lt = acc_lt + (x < vmin).astype(jnp.int32)
            acc_eq = acc_eq + (x == vmin).astype(jnp.int32)
        cnt_lt = jnp.sum(acc_lt, axis=1, keepdims=True)
        cnt_eq = jnp.sum(acc_eq, axis=1, keepdims=True)
        bad = jnp.max(jnp.abs(cnt_lt - (M - 1)) + jnp.abs(cnt_eq - 1)) > 0

        @pl.when(bad)
        def _fallback():
            d = d2_ref[rows, :]
            ci = lax.broadcasted_iota(jnp.int32, (_CHUNK, N_PAD), 1)
            fcols = []
            for m in range(M):
                fvmin = jnp.min(d, axis=1, keepdims=True)
                fam = jnp.min(jnp.where(d == fvmin, ci, N_PAD), axis=1,
                              keepdims=True)
                fcols.append(fam)
                if m < M - 1:
                    d = jnp.where(ci == fam, inf, d)
            j_ref[rows, :] = jnp.concatenate(fcols, axis=1) * 2

        return carry

    lax.fori_loop(0, _RB // _CHUNK, chunk, 0)
    rowid = lax.broadcasted_iota(jnp.int32, (_RB, M), 0)
    i_ref[...] = 2 * (b * _RB + rowid) + 1


def _tc_knn(s2p):
    grid = N_PAD // _RB
    return pl.pallas_call(
        _knn_body,
        grid=(grid,),
        in_specs=[pl.BlockSpec((N_PAD, 2 * COORD_DIM), lambda i: (0, 0))],
        out_specs=[
            pl.BlockSpec((_RB, M), lambda i: (i, 0)),
            pl.BlockSpec((_RB, M), lambda i: (i, 0)),
            pl.BlockSpec((_RB, COORD_DIM), lambda i: (i, 0)),
        ],
        out_shape=[
            jax.ShapeDtypeStruct((N_PAD, M), jnp.int32),
            jax.ShapeDtypeStruct((N_PAD, M), jnp.int32),
            jax.ShapeDtypeStruct((N_PAD, COORD_DIM), jnp.float32),
        ],
        scratch_shapes=[pltpu.VMEM((_RB, N_PAD), jnp.float32)],
    )(s2p)


def kernel(s_l, h):
    h_hor_pad = _sc_gather_feats(h)
    s2 = s_l.reshape(N_HALF, 2 * COORD_DIM)
    s2p = jnp.pad(s2, ((0, N_PAD - N_HALF), (0, 0)))
    j_pad, i_pad, s_hor_pad = _tc_knn(s2p)
    i = i_pad[:N_HALF].reshape(-1)
    j = j_pad[:N_HALF].reshape(-1)
    return (i, j, h_hor_pad[:N_HALF], s_hor_pad[:N_HALF])

# --- scband reference (transcript-rebuilt; emitter-appended) ---
"""Pipeline reference for scband-contract-graph-base-18760417149104 (READ-ONLY COPY).

The authoritative reference and input builder live on the scoring server;
editing this copy changes nothing except your own understanding.
"""

import jax, jax.numpy as jnp
import numpy as np

VERTICAL_K = 16
N_NODES = 10000
COORD_DIM = 64
FEAT_DIM = 256


def setup_inputs(seed: int = 0) -> dict:
    key = jax.random.key(seed)
    k1, k2 = jax.random.split(key)
    s_l = jax.random.normal(k1, (N_NODES, COORD_DIM), dtype=jnp.float32)
    h = jax.random.normal(k2, (N_NODES, FEAT_DIM), dtype=jnp.float32)
    return {"s_l": s_l, "h": h}


def reference(s_l, h):
    # select_points: even node indices are the 'down' points (p == True)
    N = s_l.shape[0]
    M = VERTICAL_K
    down_idx = jnp.arange(0, N, 2)  # nodes where p is True (contracted / kept points)
    up_idx = jnp.arange(1, N, 2)    # nodes where p is False (queries)

    # directional kNN: for every up point, find M nearest down points in s_l space
    q = s_l[up_idx]        # [N_up, D]
    keys = s_l[down_idx]   # [N_down, D]
    d2 = (jnp.sum(q * q, axis=1, keepdims=True)
          - 2.0 * (q @ keys.T)
          + jnp.sum(keys * keys, axis=1)[None, :])  # [N_up, N_down]
    _, nbr = jax.lax.top_k(-d2, M)  # indices of M nearest down points per up point

    # create_edges: i = up node ids tiled, j = down node ids gathered via knn indices
    j = down_idx[nbr].reshape(-1)
    i = jnp.tile(up_idx[:, None], (1, M)).reshape(-1)

    # vertical graph keeps all node features (h, s_l unchanged, edges i->j)
    # horizontal graph: features of selected (down) points only
    h_hor = h[down_idx]
    s_hor = s_l[down_idx]
    return (i, j, h_hor, s_hor)

if __name__ == "__main__":
    import jax
    _d = setup_inputs()
    print(jax.jit(kernel)(*tuple(_d.values())))

</pallas_src>

<mosaic_0001>
#map = affine_map<(d0, d1) -> (0, 0)>
module attributes {stable_mosaic.version = 14 : i64} {
  func.func @k(%arg0: i32, %arg1: i32, %arg2: memref<10000x256xf32, #tpu.memory_space<hbm>>, %arg3: memref<5120x256xf32, #tpu.memory_space<hbm>>, %arg4: memref<160xi32, #tpu.memory_space<vmem>>, %arg5: memref<160x256xf32, #tpu.memory_space<vmem>>, %arg6: memref<!tpu.dma_semaphore, #tpu.memory_space<semaphore_mem>>) attributes {dimension_semantics = [#tpu.dimension_semantics<core_parallel>, #tpu.dimension_semantics<subcore_parallel>], iteration_bounds = array<i64: 2, 16>, scalar_prefetch = 0 : i64, scratch_operands = 3 : i64, tpu.core_type = #tpu.core_type<sc_vector_subcore>, window_params = [{transform_indices = #map}, {transform_indices = #map}]} {
    %mul3A = arith.constant 2 : i32
    %mul3A_0 = arith.muli %arg1, %mul3A : i32
    %add3A = arith.addi %mul3A_0, %arg0 : i32
    %mul3A_1 = arith.constant 160 : i32
    %mul3A_2 = arith.muli %add3A, %mul3A_1 : i32
    %iota3A = tpu.iota {dimensions = array<i32: 0>} : vector<16xi32>
    %add3A_3 = arith.constant 0 : i32
    %add3A_4 = arith.addi %mul3A_2, %add3A_3 : i32
    %add3A_5 = vector.broadcast %add3A_4 : i32 to vector<16xi32>
    %add3A_6 = arith.addi %add3A_5, %iota3A : vector<16xi32>
    %mul3A_7 = arith.constant 2 : i32
    %mul3A_8 = vector.broadcast %mul3A_7 : i32 to vector<16xi32>
    %mul3A_9 = arith.muli %add3A_6, %mul3A_8 : vector<16xi32>
    %min3A = arith.constant 9998 : i32
    %min3A_10 = vector.broadcast %min3A : i32 to vector<16xi32>
    %min3A_11 = arith.minsi %mul3A_9, %min3A_10 : vector<16xi32>
    %swap3A = arith.constant 0 : index
    %swap3A_12 = tpu.vector_load %arg4[%swap3A] {strides = array<i32>} : memref<160xi32, #tpu.memory_space<vmem>>, vector<16xi32>,
    %swap3A_13 = vector.shape_cast %swap3A_12 : vector<16xi32> to vector<16xi32>
    %swap3A_14 = vector.shape_cast %min3A_11 : vector<16xi32> to vector<16xi32>
    tpu.vector_store %arg4[%swap3A], %swap3A_14 {strides = array<i32>} : memref<160xi32, #tpu.memory_space<vmem>>, vector<16xi32>,
    %iota3A_15 = tpu.iota {dimensions = array<i32: 0>} : vector<16xi32>
    %add3A_16 = arith.constant 16 : i32
    %add3A_17 = arith.addi %mul3A_2, %add3A_16 : i32
    %add3A_18 = vector.broadcast %add3A_17 : i32 to vector<16xi32>
    %add3A_19 = arith.addi %add3A_18, %iota3A_15 : vector<16xi32>
    %mul3A_20 = arith.constant 2 : i32
    %mul3A_21 = vector.broadcast %mul3A_20 : i32 to vector<16xi32>
    %mul3A_22 = arith.muli %add3A_19, %mul3A_21 : vector<16xi32>
    %min3A_23 = arith.constant 9998 : i32
    %min3A_24 = vector.broadcast %min3A_23 : i32 to vector<16xi32>
    %min3A_25 = arith.minsi %mul3A_22, %min3A_24 : vector<16xi32>
    %swap3A_26 = arith.constant 16 : index
    %swap3A_27 = tpu.vector_load %arg4[%swap3A_26] {strides = array<i32>} : memref<160xi32, #tpu.memory_space<vmem>>, vector<16xi32>,
    %swap3A_28 = vector.shape_cast %swap3A_27 : vector<16xi32> to vector<16xi32>
    %swap3A_29 = vector.shape_cast %min3A_25 : vector<16xi32> to vector<16xi32>
    tpu.vector_store %arg4[%swap3A_26], %swap3A_29 {strides = array<i32>} : memref<160xi32, #tpu.memory_space<vmem>>, vector<16xi32>,
    %iota3A_30 = tpu.iota {dimensions = array<i32: 0>} : vector<16xi32>
    %add3A_31 = arith.constant 32 : i32
    %add3A_32 = arith.addi %mul3A_2, %add3A_31 : i32
    %add3A_33 = vector.broadcast %add3A_32 : i32 to vector<16xi32>
    %add3A_34 = arith.addi %add3A_33, %iota3A_30 : vector<16xi32>
    %mul3A_35 = arith.constant 2 : i32
    %mul3A_36 = vector.broadcast %mul3A_35 : i32 to vector<16xi32>
    %mul3A_37 = arith.muli %add3A_34, %mul3A_36 : vector<16xi32>
    %min3A_38 = arith.constant 9998 : i32
    %min3A_39 = vector.broadcast %min3A_38 : i32 to vector<16xi32>
    %min3A_40 = arith.minsi %mul3A_37, %min3A_39 : vector<16xi32>
    %swap3A_41 = arith.constant 32 : index
    %swap3A_42 = tpu.vector_load %arg4[%swap3A_41] {strides = array<i32>} : memref<160xi32, #tpu.memory_space<vmem>>, vector<16xi32>,
    %swap3A_43 = vector.shape_cast %swap3A_42 : vector<16xi32> to vector<16xi32>
    %swap3A_44 = vector.shape_cast %min3A_40 : vector<16xi32> to vector<16xi32>
    tpu.vector_store %arg4[%swap3A_41], %swap3A_44 {strides = array<i32>} : memref<160xi32, #tpu.memory_space<vmem>>, vector<16xi32>,
    %iota3A_45 = tpu.iota {dimensions = array<i32: 0>} : vector<16xi32>
    %add3A_46 = arith.constant 48 : i32
    %add3A_47 = arith.addi %mul3A_2, %add3A_46 : i32
    %add3A_48 = vector.broadcast %add3A_47 : i32 to vector<16xi32>
    %add3A_49 = arith.addi %add3A_48, %iota3A_45 : vector<16xi32>
    %mul3A_50 = arith.constant 2 : i32
    %mul3A_51 = vector.broadcast %mul3A_50 : i32 to vector<16xi32>
    %mul3A_52 = arith.muli %add3A_49, %mul3A_51 : vector<16xi32>
    %min3A_53 = arith.constant 9998 : i32
    %min3A_54 = vector.broadcast %min3A_53 : i32 to vector<16xi32>
    %min3A_55 = arith.minsi %mul3A_52, %min3A_54 : vector<16xi32>
    %swap3A_56 = arith.constant 48 : index
    %swap3A_57 = tpu.vector_load %arg4[%swap3A_56] {strides = array<i32>} : memref<160xi32, #tpu.memory_space<vmem>>, vector<16xi32>,
    %swap3A_58 = vector.shape_cast %swap3A_57 : vector<16xi32> to vector<16xi32>
    %swap3A_59 = vector.shape_cast %min3A_55 : vector<16xi32> to vector<16xi32>
    tpu.vector_store %arg4[%swap3A_56], %swap3A_59 {strides = array<i32>} : memref<160xi32, #tpu.memory_space<vmem>>, vector<16xi32>,
    %iota3A_60 = tpu.iota {dimensions = array<i32: 0>} : vector<16xi32>
    %add3A_61 = arith.constant 64 : i32
    %add3A_62 = arith.addi %mul3A_2, %add3A_61 : i32
    %add3A_63 = vector.broadcast %add3A_62 : i32 to vector<16xi32>
    %add3A_64 = arith.addi %add3A_63, %iota3A_60 : vector<16xi32>
    %mul3A_65 = arith.constant 2 : i32
    %mul3A_66 = vector.broadcast %mul3A_65 : i32 to vector<16xi32>
    %mul3A_67 = arith.muli %add3A_64, %mul3A_66 : vector<16xi32>
    %min3A_68 = arith.constant 9998 : i32
    %min3A_69 = vector.broadcast %min3A_68 : i32 to vector<16xi32>
    %min3A_70 = arith.minsi %mul3A_67, %min3A_69 : vector<16xi32>
    %swap3A_71 = arith.constant 64 : index
    %swap3A_72 = tpu.vector_load %arg4[%swap3A_71] {strides = array<i32>} : memref<160xi32, #tpu.memory_space<vmem>>, vector<16xi32>,
    %swap3A_73 = vector.shape_cast %swap3A_72 : vector<16xi32> to vector<16xi32>
    %swap3A_74 = vector.shape_cast %min3A_70 : vector<16xi32> to vector<16xi32>
    tpu.vector_store %arg4[%swap3A_71], %swap3A_74 {strides = array<i32>} : memref<160xi32, #tpu.memory_space<vmem>>, vector<16xi32>,
    %iota3A_75 = tpu.iota {dimensions = array<i32: 0>} : vector<16xi32>
    %add3A_76 = arith.constant 80 : i32
    %add3A_77 = arith.addi %mul3A_2, %add3A_76 : i32
    %add3A_78 = vector.broadcast %add3A_77 : i32 to vector<16xi32>
    %add3A_79 = arith.addi %add3A_78, %iota3A_75 : vector<16xi32>
    %mul3A_80 = arith.constant 2 : i32
    %mul3A_81 = vector.broadcast %mul3A_80 : i32 to vector<16xi32>
    %mul3A_82 = arith.muli %add3A_79, %mul3A_81 : vector<16xi32>
    %min3A_83 = arith.constant 9998 : i32
    %min3A_84 = vector.broadcast %min3A_83 : i32 to vector<16xi32>
    %min3A_85 = arith.minsi %mul3A_82, %min3A_84 : vector<16xi32>
    %swap3A_86 = arith.constant 80 : index
    %swap3A_87 = tpu.vector_load %arg4[%swap3A_86] {strides = array<i32>} : memref<160xi32, #tpu.memory_space<vmem>>, vector<16xi32>,
    %swap3A_88 = vector.shape_cast %swap3A_87 : vector<16xi32> to vector<16xi32>
    %swap3A_89 = vector.shape_cast %min3A_85 : vector<16xi32> to vector<16xi32>
    tpu.vector_store %arg4[%swap3A_86], %swap3A_89 {strides = array<i32>} : memref<160xi32, #tpu.memory_space<vmem>>, vector<16xi32>,
    %iota3A_90 = tpu.iota {dimensions = array<i32: 0>} : vector<16xi32>
    %add3A_91 = arith.constant 96 : i32
    %add3A_92 = arith.addi %mul3A_2, %add3A_91 : i32
    %add3A_93 = vector.broadcast %add3A_92 : i32 to vector<16xi32>
    %add3A_94 = arith.addi %add3A_93, %iota3A_90 : vector<16xi32>
    %mul3A_95 = arith.constant 2 : i32
    %mul3A_96 = vector.broadcast %mul3A_95 : i32 to vector<16xi32>
    %mul3A_97 = arith.muli %add3A_94, %mul3A_96 : vector<16xi32>
    %min3A_98 = arith.constant 9998 : i32
    %min3A_99 = vector.broadcast %min3A_98 : i32 to vector<16xi32>
    %min3A_100 = arith.minsi %mul3A_97, %min3A_99 : vector<16xi32>
    %swap3A_101 = arith.constant 96 : index
    %swap3A_102 = tpu.vector_load %arg4[%swap3A_101] {strides = array<i32>} : memref<160xi32, #tpu.memory_space<vmem>>, vector<16xi32>,
    %swap3A_103 = vector.shape_cast %swap3A_102 : vector<16xi32> to vector<16xi32>
    %swap3A_104 = vector.shape_cast %min3A_100 : vector<16xi32> to vector<16xi32>
    tpu.vector_store %arg4[%swap3A_101], %swap3A_104 {strides = array<i32>} : memref<160xi32, #tpu.memory_space<vmem>>, vector<16xi32>,
    %iota3A_105 = tpu.iota {dimensions = array<i32: 0>} : vector<16xi32>
    %add3A_106 = arith.constant 112 : i32
    %add3A_107 = arith.addi %mul3A_2, %add3A_106 : i32
    %add3A_108 = vector.broadcast %add3A_107 : i32 to vector<16xi32>
    %add3A_109 = arith.addi %add3A_108, %iota3A_105 : vector<16xi32>
    %mul3A_110 = arith.constant 2 : i32
    %mul3A_111 = vector.broadcast %mul3A_110 : i32 to vector<16xi32>
    %mul3A_112 = arith.muli %add3A_109, %mul3A_111 : vector<16xi32>
    %min3A_113 = arith.constant 9998 : i32
    %min3A_114 = vector.broadcast %min3A_113 : i32 to vector<16xi32>
    %min3A_115 = arith.minsi %mul3A_112, %min3A_114 : vector<16xi32>
    %swap3A_116 = arith.constant 112 : index
    %swap3A_117 = tpu.vector_load %arg4[%swap3A_116] {strides = array<i32>} : memref<160xi32, #tpu.memory_space<vmem>>, vector<16xi32>,
    %swap3A_118 = vector.shape_cast %swap3A_117 : vector<16xi32> to vector<16xi32>
    %swap3A_119 = vector.shape_cast %min3A_115 : vector<16xi32> to vector<16xi32>
    tpu.vector_store %arg4[%swap3A_116], %swap3A_119 {strides = array<i32>} : memref<160xi32, #tpu.memory_space<vmem>>, vector<16xi32>,
    %iota3A_120 = tpu.iota {dimensions = array<i32: 0>} : vector<16xi32>
    %add3A_121 = arith.constant 128 : i32
    %add3A_122 = arith.addi %mul3A_2, %add3A_121 : i32
    %add3A_123 = vector.broadcast %add3A_122 : i32 to vector<16xi32>
    %add3A_124 = arith.addi %add3A_123, %iota3A_120 : vector<16xi32>
    %mul3A_125 = arith.constant 2 : i32
    %mul3A_126 = vector.broadcast %mul3A_125 : i32 to vector<16xi32>
    %mul3A_127 = arith.muli %add3A_124, %mul3A_126 : vector<16xi32>
    %min3A_128 = arith.constant 9998 : i32
    %min3A_129 = vector.broadcast %min3A_128 : i32 to vector<16xi32>
    %min3A_130 = arith.minsi %mul3A_127, %min3A_129 : vector<16xi32>
    %swap3A_131 = arith.constant 128 : index
    %swap3A_132 = tpu.vector_load %arg4[%swap3A_131] {strides = array<i32>} : memref<160xi32, #tpu.memory_space<vmem>>, vector<16xi32>,
    %swap3A_133 = vector.shape_cast %swap3A_132 : vector<16xi32> to vector<16xi32>
    %swap3A_134 = vector.shape_cast %min3A_130 : vector<16xi32> to vector<16xi32>
    tpu.vector_store %arg4[%swap3A_131], %swap3A_134 {strides = array<i32>} : memref<160xi32, #tpu.memory_space<vmem>>, vector<16xi32>,
    %iota3A_135 = tpu.iota {dimensions = array<i32: 0>} : vector<16xi32>
    %add3A_136 = arith.constant 144 : i32
    %add3A_137 = arith.addi %mul3A_2, %add3A_136 : i32
    %add3A_138 = vector.broadcast %add3A_137 : i32 to vector<16xi32>
    %add3A_139 = arith.addi %add3A_138, %iota3A_135 : vector<16xi32>
    %mul3A_140 = arith.constant 2 : i32
    %mul3A_141 = vector.broadcast %mul3A_140 : i32 to vector<16xi32>
    %mul3A_142 = arith.muli %add3A_139, %mul3A_141 : vector<16xi32>
    %min3A_143 = arith.constant 9998 : i32
    %min3A_144 = vector.broadcast %min3A_143 : i32 to vector<16xi32>
    %min3A_145 = arith.minsi %mul3A_142, %min3A_144 : vector<16xi32>
    %swap3A_146 = arith.constant 144 : index
    %swap3A_147 = tpu.vector_load %arg4[%swap3A_146] {strides = array<i32>} : memref<160xi32, #tpu.memory_space<vmem>>, vector<16xi32>,
    %swap3A_148 = vector.shape_cast %swap3A_147 : vector<16xi32> to vector<16xi32>
    %swap3A_149 = vector.shape_cast %min3A_145 : vector<16xi32> to vector<16xi32>
    tpu.vector_store %arg4[%swap3A_146], %swap3A_149 {strides = array<i32>} : memref<160xi32, #tpu.memory_space<vmem>>, vector<16xi32>,
    %dma_start3A = arith.constant 0 : i32
    %dma_start3A_150 = arith.constant 0 : i32
    %dma_start3A_151 = tpu.memref_slice %arg2[%dma_start3A, %dma_start3A_150] : memref<10000x256xf32, #tpu.memory_space<hbm>> -> memref<10000x256xf32, #tpu.memory_space<hbm>>
    tpu.enqueue_indirect_dma source(%dma_start3A_151 : memref<10000x256xf32, #tpu.memory_space<hbm>>) target(%arg5 : memref<160x256xf32, #tpu.memory_space<vmem>>) offsets(%arg4 : memref<160xi32, #tpu.memory_space<vmem>>) semaphore(%arg6 : memref<!tpu.dma_semaphore, #tpu.memory_space<semaphore_mem>>)
    %dma_wait3A = arith.constant 0 : i32
    %dma_wait3A_152 = arith.constant 0 : i32
    %dma_wait3A_153 = tpu.memref_slice %arg2[%dma_wait3A, %dma_wait3A_152] : memref<10000x256xf32, #tpu.memory_space<hbm>> -> memref<10000x256xf32, #tpu.memory_space<hbm>>
    tpu.wait_indirect_dma semaphore(%arg6 : memref<!tpu.dma_semaphore, #tpu.memory_space<semaphore_mem>>) src(%dma_wait3A_153 : memref<10000x256xf32, #tpu.memory_space<hbm>>) dst(%arg5 : memref<160x256xf32, #tpu.memory_space<vmem>>)
    "tpu.region"() ({
      %run_scoped3A = tpu.sem_alloc : memref<!tpu.dma_semaphore, #tpu.memory_space<semaphore_mem>>
      %dma_start3A_154 = arith.constant 0 : i32
      %dma_start3A_155 = tpu.memref_slice %arg3[%mul3A_2, %dma_start3A_154] : memref<5120x256xf32, #tpu.memory_space<hbm>> -> memref<160x256xf32, #tpu.memory_space<hbm>>
      %dma_start3A_156 = arith.constant 0 : i32
      %dma_start3A_157 = tpu.memref_slice %arg3[%mul3A_2, %dma_start3A_156] : memref<5120x256xf32, #tpu.memory_space<hbm>> -> memref<160x256xf32, #tpu.memory_space<hbm>>
      tpu.enqueue_dma source(%arg5 : memref<160x256xf32, #tpu.memory_space<vmem>>) target(%dma_start3A_157 : memref<160x256xf32, #tpu.memory_space<hbm>>) target_semaphore(%run_scoped3A : memref<!tpu.dma_semaphore, #tpu.memory_space<semaphore_mem>>)
      %dma_wait3A_158 = arith.constant 0 : i32
      %dma_wait3A_159 = tpu.memref_slice %arg3[%mul3A_2, %dma_wait3A_158] : memref<5120x256xf32, #tpu.memory_space<hbm>> -> memref<160x256xf32, #tpu.memory_space<hbm>>
      %dma_wait3A_160 = arith.constant 0 : i32
      %dma_wait3A_161 = tpu.memref_slice %arg3[%mul3A_2, %dma_wait3A_160] : memref<5120x256xf32, #tpu.memory_space<hbm>> -> memref<160x256xf32, #tpu.memory_space<hbm>>
      tpu.wait_dma2 semaphore(%run_scoped3A : memref<!tpu.dma_semaphore, #tpu.memory_space<semaphore_mem>>) src(%arg5 : memref<160x256xf32, #tpu.memory_space<vmem>>) dst(%dma_wait3A_161 : memref<160x256xf32, #tpu.memory_space<hbm>>)
      tpu.yield
    }) : () -> ()
    return
  }
}

module attributes {stable_mosaic.version = 14 : i64} {
  func.func @_knn_body(%arg0: i32, %arg1: memref<5120x128xf32, #tpu.memory_space<vmem>>, %arg2: memref<256x16xi32, #tpu.memory_space<vmem>>, %arg3: memref<256x16xi32, #tpu.memory_space<vmem>>, %arg4: memref<256x64xf32, #tpu.memory_space<vmem>>, %arg5: memref<256x5120xf32, #tpu.memory_space<vmem>>) attributes {dimension_semantics = [#tpu.dimension_semantics<arbitrary>], iteration_bounds = array<i64: 20>, scalar_prefetch = 0 : i64, scratch_operands = 1 : i64, tpu.core_type = #tpu.core_type<tc>, window_params = [{pipeline_mode = #tpu.pipeline_mode<synchronous>, transform_indices = @transform_0, window_bounds = array<i64: 5120, 128>}, {transform_indices = @transform_1, window_bounds = array<i64: 256, 16>}, {transform_indices = @transform_2, window_bounds = array<i64: 256, 16>}, {transform_indices = @transform_3, window_bounds = array<i64: 256, 64>}]} {
    %mul3A = arith.constant 256 : i32
    %mul3A_0 = arith.muli %arg0, %mul3A : i32
    %get3A = arith.index_cast %mul3A_0 : i32 to index
    %get3A_1 = arith.constant 0 : index
    %get3A_2 = vector.load %arg1[%get3A, %get3A_1] : memref<5120x128xf32, #tpu.memory_space<vmem>>, vector<256x128xf32>
    %slice3A = vector.extract_strided_slice %get3A_2 {offsets = [0, 64], sizes = [256, 64], strides = [1, 1]} : vector<256x128xf32> to vector<256x64xf32>
    %slice3A_3 = vector.extract_strided_slice %get3A_2 {offsets = [0, 0], sizes = [256, 64], strides = [1, 1]} : vector<256x128xf32> to vector<256x64xf32>
    %swap3A = arith.constant 0 : index
    %swap3A_4 = arith.constant 0 : index
    %swap3A_5 = vector.load %arg4[%swap3A, %swap3A_4] : memref<256x64xf32, #tpu.memory_space<vmem>>, vector<256x64xf32>
    tpu.vector_store %arg4[%swap3A, %swap3A_4], %slice3A_3 {strides = array<i32>} : memref<256x64xf32, #tpu.memory_space<vmem>>, vector<256x64xf32>,
    %mul3A_6 = arith.mulf %slice3A, %slice3A : vector<256x64xf32>
    %reduce_sum3A = arith.constant dense<0.000000e+00> : vector<256xf32>
    %reduce_sum3A_7 = vector.multi_reduction <add>, %mul3A_6, %reduce_sum3A [1] : vector<256x64xf32> to vector<256xf32>
    %broadcast_in_dim3A = vector.shape_cast %reduce_sum3A_7 : vector<256xf32> to vector<256x1xf32>
    %get3A_8 = arith.constant 0 : index
    %get3A_9 = arith.constant 0 : index
    %get3A_10 = vector.load %arg1[%get3A_8, %get3A_9] : memref<5120x128xf32, #tpu.memory_space<vmem>>, vector<512x64xf32>
    %dot_general3A = arith.constant dense<0.000000e+00> : vector<256x512xf32>
    %dot_general3A_11 = tpu.matmul %slice3A, %get3A_10, %dot_general3A {dimension_numbers = #tpu.dot_dimension_numbers<[1], [1], [0], [0], [0, 0, 1, 0], [], []>, transpose_lhs_hint = false} : vector<256x64xf32>, vector<512x64xf32>, vector<256x512xf32> -> vector<256x512xf32>
    %mul3A_12 = arith.mulf %get3A_10, %get3A_10 : vector<512x64xf32>
    %reduce_sum3A_13 = arith.constant dense<0.000000e+00> : vector<512xf32>
    %reduce_sum3A_14 = vector.multi_reduction <add>, %mul3A_12, %reduce_sum3A_13 [1] : vector<512x64xf32> to vector<512xf32>
    %broadcast_in_dim3A_15 = vector.shape_cast %reduce_sum3A_14 : vector<512xf32> to vector<512x1xf32>
    %transpose3A = tpu.transpose %broadcast_in_dim3A_15, [1, 0] : vector<512x1xf32> -> vector<1x512xf32>
    %mul3A_16 = arith.constant 2.000000e+00 : f32
    %mul3A_17 = vector.broadcast %mul3A_16 : f32 to vector<256x512xf32>
    %mul3A_18 = arith.mulf %mul3A_17, %dot_general3A_11 : vector<256x512xf32>
    %sub3A = vector.broadcast %broadcast_in_dim3A : vector<256x1xf32> to vector<256x512xf32>
    %sub3A_19 = arith.subf %sub3A, %mul3A_18 : vector<256x512xf32>
    %add3A = vector.broadcast %transpose3A : vector<1x512xf32> to vector<256x512xf32>
    %add3A_20 = arith.addf %sub3A_19, %add3A : vector<256x512xf32>
    %swap3A_21 = arith.constant 0 : index
    %swap3A_22 = arith.constant 0 : index
    %swap3A_23 = vector.load %arg5[%swap3A_21, %swap3A_22] : memref<256x5120xf32, #tpu.memory_space<vmem>>, vector<256x512xf32>
    tpu.vector_store %arg5[%swap3A_21, %swap3A_22], %add3A_20 {strides = array<i32>} : memref<256x5120xf32, #tpu.memory_space<vmem>>, vector<256x512xf32>,
    %get3A_24 = arith.constant 512 : index
    %get3A_25 = arith.constant 0 : index
    %get3A_26 = vector.load %arg1[%get3A_24, %get3A_25] : memref<5120x128xf32, #tpu.memory_space<vmem>>, vector<512x64xf32>
    %dot_general3A_27 = arith.constant dense<0.000000e+00> : vector<256x512xf32>
    %dot_general3A_28 = tpu.matmul %slice3A, %get3A_26, %dot_general3A_27 {dimension_numbers = #tpu.dot_dimension_numbers<[1], [1], [0], [0], [0, 0, 1, 0], [], []>, transpose_lhs_hint = false} : vector<256x64xf32>, vector<512x64xf32>, vector<256x512xf32> -> vector<256x512xf32>
    %mul3A_29 = arith.mulf %get3A_26, %get3A_26 : vector<512x64xf32>
    %reduce_sum3A_30 = arith.constant dense<0.000000e+00> : vector<512xf32>
    %reduce_sum3A_31 = vector.multi_reduction <add>, %mul3A_29, %reduce_sum3A_30 [1] : vector<512x64xf32> to vector<512xf32>
    %broadcast_in_dim3A_32 = vector.shape_cast %reduce_sum3A_31 : vector<512xf32> to vector<512x1xf32>
    %transpose3A_33 = tpu.transpose %broadcast_in_dim3A_32, [1, 0] : vector<512x1xf32> -> vector<1x512xf32>
    %mul3A_34 = arith.constant 2.000000e+00 : f32
    %mul3A_35 = vector.broadcast %mul3A_34 : f32 to vector<256x512xf32>
    %mul3A_36 = arith.mulf %mul3A_35, %dot_general3A_28 : vector<256x512xf32>
    %sub3A_37 = vector.broadcast %broadcast_in_dim3A : vector<256x1xf32> to vector<256x512xf32>
    %sub3A_38 = arith.subf %sub3A_37, %mul3A_36 : vector<256x512xf32>
    %add3A_39 = vector.broadcast %transpose3A_33 : vector<1x512xf32> to vector<256x512xf32>
    %add3A_40 = arith.addf %sub3A_38, %add3A_39 : vector<256x512xf32>
    %swap3A_41 = arith.constant 0 : index
    %swap3A_42 = arith.constant 512 : index
    %swap3A_43 = vector.load %arg5[%swap3A_41, %swap3A_42] : memref<256x5120xf32, #tpu.memory_space<vmem>>, vector<256x512xf32>
    tpu.vector_store %arg5[%swap3A_41, %swap3A_42], %add3A_40 {strides = array<i32>} : memref<256x5120xf32, #tpu.memory_space<vmem>>, vector<256x512xf32>,
    %get3A_44 = arith.constant 1024 : index
    %get3A_45 = arith.constant 0 : index
    %get3A_46 = vector.load %arg1[%get3A_44, %get3A_45] : memref<5120x128xf32, #tpu.memory_space<vmem>>, vector<512x64xf32>
    %dot_general3A_47 = arith.constant dense<0.000000e+00> : vector<256x512xf32>
    %dot_general3A_48 = tpu.matmul %slice3A, %get3A_46, %dot_general3A_47 {dimension_numbers = #tpu.dot_dimension_numbers<[1], [1], [0], [0], [0, 0, 1, 0], [], []>, transpose_lhs_hint = false} : vector<256x64xf32>, vector<512x64xf32>, vector<256x512xf32> -> vector<256x512xf32>
    %mul3A_49 = arith.mulf %get3A_46, %get3A_46 : vector<512x64xf32>
    %reduce_sum3A_50 = arith.constant dense<0.000000e+00> : vector<512xf32>
    %reduce_sum3A_51 = vector.multi_reduction <add>, %mul3A_49, %reduce_sum3A_50 [1] : vector<512x64xf32> to vector<512xf32>
    %broadcast_in_dim3A_52 = vector.shape_cast %reduce_sum3A_51 : vector<512xf32> to vector<512x1xf32>
    %transpose3A_53 = tpu.transpose %broadcast_in_dim3A_52, [1, 0] : vector<512x1xf32> -> vector<1x512xf32>
    %mul3A_54 = arith.constant 2.000000e+00 : f32
    %mul3A_55 = vector.broadcast %mul3A_54 : f32 to vector<256x512xf32>
    %mul3A_56 = arith.mulf %mul3A_55, %dot_general3A_48 : vector<256x512xf32>
    %sub3A_57 = vector.broadcast %broadcast_in_dim3A : vector<256x1xf32> to vector<256x512xf32>
    %sub3A_58 = arith.subf %sub3A_57, %mul3A_56 : vector<256x512xf32>
    %add3A_59 = vector.broadcast %transpose3A_53 : vector<1x512xf32> to vector<256x512xf32>
    %add3A_60 = arith.addf %sub3A_58, %add3A_59 : vector<256x512xf32>
    %swap3A_61 = arith.constant 0 : index
    %swap3A_62 = arith.constant 1024 : index
    %swap3A_63 = vector.load %arg5[%swap3A_61, %swap3A_62] : memref<256x5120xf32, #tpu.memory_space<vmem>>, vector<256x512xf32>
    tpu.vector_store %arg5[%swap3A_61, %swap3A_62], %add3A_60 {strides = array<i32>} : memref<256x5120xf32, #tpu.memory_space<vmem>>, vector<256x512xf32>,
    %get3A_64 = arith.constant 1536 : index
    %get3A_65 = arith.constant 0 : index
    %get3A_66 = vector.load %arg1[%get3A_64, %get3A_65] : memref<5120x128xf32, #tpu.memory_space<vmem>>, vector<512x64xf32>
    %dot_general3A_67 = arith.constant dense<0.000000e+00> : vector<256x512xf32>
    %dot_general3A_68 = tpu.matmul %slice3A, %get3A_66, %dot_general3A_67 {dimension_numbers = #tpu.dot_dimension_numbers<[1], [1], [0], [0], [0, 0, 1, 0], [], []>, transpose_lhs_hint = false} : vector<256x64xf32>, vector<512x64xf32>, vector<256x512xf32> -> vector<256x512xf32>
    %mul3A_69 = arith.mulf %get3A_66, %get3A_66 : vector<512x64xf32>
    %reduce_sum3A_70 = arith.constant dense<0.000000e+00> : vector<512xf32>
    %reduce_sum3A_71 = vector.multi_reduction <add>, %mul3A_69, %reduce_sum3A_70 [1] : vector<512x64xf32> to vector<512xf32>
    %broadcast_in_dim3A_72 = vector.shape_cast %reduce_sum3A_71 : vector<512xf32> to vector<512x1xf32>
    %transpose3A_73 = tpu.transpose %broadcast_in_dim3A_72, [1, 0] : vector<512x1xf32> -> vector<1x512xf32>
    %mul3A_74 = arith.constant 2.000000e+00 : f32
    %mul3A_75 = vector.broadcast %mul3A_74 : f32 to vector<256x512xf32>
    %mul3A_76 = arith.mulf %mul3A_75, %dot_general3A_68 : vector<256x512xf32>
    %sub3A_77 = vector.broadcast %broadcast_in_dim3A : vector<256x1xf32> to vector<256x512xf32>
    %sub3A_78 = arith.subf %sub3A_77, %mul3A_76 : vector<256x512xf32>
    %add3A_79 = vector.broadcast %transpose3A_73 : vector<1x512xf32> to vector<256x512xf32>
    %add3A_80 = arith.addf %sub3A_78, %add3A_79 : vector<256x512xf32>
    %swap3A_81 = arith.constant 0 : index
    %swap3A_82 = arith.constant 1536 : index
    %swap3A_83 = vector.load %arg5[%swap3A_81, %swap3A_82] : memref<256x5120xf32, #tpu.memory_space<vmem>>, vector<256x512xf32>
    tpu.vector_store %arg5[%swap3A_81, %swap3A_82], %add3A_80 {strides = array<i32>} : memref<256x5120xf32, #tpu.memory_space<vmem>>, vector<256x512xf32>,
    %get3A_84 = arith.constant 2048 : index
    %get3A_85 = arith.constant 0 : index
    %get3A_86 = vector.load %arg1[%get3A_84, %get3A_85] : memref<5120x128xf32, #tpu.memory_space<vmem>>, vector<512x64xf32>
    %dot_general3A_87 = arith.constant dense<0.000000e+00> : vector<256x512xf32>
    %dot_general3A_88 = tpu.matmul %slice3A, %get3A_86, %dot_general3A_87 {dimension_numbers = #tpu.dot_dimension_numbers<[1], [1], [0], [0], [0, 0, 1, 0], [], []>, transpose_lhs_hint = false} : vector<256x64xf32>, vector<512x64xf32>, vector<256x512xf32> -> vector<256x512xf32>
    %mul3A_89 = arith.mulf %get3A_86, %get3A_86 : vector<512x64xf32>
    %reduce_sum3A_90 = arith.constant dense<0.000000e+00> : vector<512xf32>
    %reduce_sum3A_91 = vector.multi_reduction <add>, %mul3A_89, %reduce_sum3A_90 [1] : vector<512x64xf32> to vector<512xf32>
    %broadcast_in_dim3A_92 = vector.shape_cast %reduce_sum3A_91 : vector<512xf32> to vector<512x1xf32>
    %transpose3A_93 = tpu.transpose %broadcast_in_dim3A_92, [1, 0] : vector<512x1xf32> -> vector<1x512xf32>
    %mul3A_94 = arith.constant 2.000000e+00 : f32
    %mul3A_95 = vector.broadcast %mul3A_94 : f32 to vector<256x512xf32>
    %mul3A_96 = arith.mulf %mul3A_95, %dot_general3A_88 : vector<256x512xf32>
    %sub3A_97 = vector.broadcast %broadcast_in_dim3A : vector<256x1xf32> to vector<256x512xf32>
    %sub3A_98 = arith.subf %sub3A_97, %mul3A_96 : vector<256x512xf32>
    %add3A_99 = vector.broadcast %transpose3A_93 : vector<1x512xf32> to vector<256x512xf32>
    %add3A_100 = arith.addf %sub3A_98, %add3A_99 : vector<256x512xf32>
    %swap3A_101 = arith.constant 0 : index
    %swap3A_102 = arith.constant 2048 : index
    %swap3A_103 = vector.load %arg5[%swap3A_101, %swap3A_102] : memref<256x5120xf32, #tpu.memory_space<vmem>>, vector<256x512xf32>
    tpu.vector_store %arg5[%swap3A_101, %swap3A_102], %add3A_100 {strides = array<i32>} : memref<256x5120xf32, #tpu.memory_space<vmem>>, vector<256x512xf32>,
    %get3A_104 = arith.constant 2560 : index
    %get3A_105 = arith.constant 0 : index
    %get3A_106 = vector.load %arg1[%get3A_104, %get3A_105] : memref<5120x128xf32, #tpu.memory_space<vmem>>, vector<512x64xf32>
    %dot_general3A_107 = arith.constant dense<0.000000e+00> : vector<256x512xf32>
    %dot_general3A_108 = tpu.matmul %slice3A, %get3A_106, %dot_general3A_107 {dimension_numbers = #tpu.dot_dimension_numbers<[1], [1], [0], [0], [0, 0, 1, 0], [], []>, transpose_lhs_hint = false} : vector<256x64xf32>, vector<512x64xf32>, vector<256x512xf32> -> vector<256x512xf32>
    %mul3A_109 = arith.mulf %get3A_106, %get3A_106 : vector<512x64xf32>
    %reduce_sum3A_110 = arith.constant dense<0.000000e+00> : vector<512xf32>
    %reduce_sum3A_111 = vector.multi_reduction <add>, %mul3A_109, %reduce_sum3A_110 [1] : vector<512x64xf32> to vector<512xf32>
    %broadcast_in_dim3A_112 = vector.shape_cast %reduce_sum3A_111 : vector<512xf32> to vector<512x1xf32>
    %transpose3A_113 = tpu.transpose %broadcast_in_dim3A_112, [1, 0] : vector<512x1xf32> -> vector<1x512xf32>
    %mul3A_114 = arith.constant 2.000000e+00 : f32
    %mul3A_115 = vector.broadcast %mul3A_114 : f32 to vector<256x512xf32>
    %mul3A_116 = arith.mulf %mul3A_115, %dot_general3A_108 : vector<256x512xf32>
    %sub3A_117 = vector.broadcast %broadcast_in_dim3A : vector<256x1xf32> to vector<256x512xf32>
    %sub3A_118 = arith.subf %sub3A_117, %mul3A_116 : vector<256x512xf32>
    %add3A_119 = vector.broadcast %transpose3A_113 : vector<1x512xf32> to vector<256x512xf32>
    %add3A_120 = arith.addf %sub3A_118, %add3A_119 : vector<256x512xf32>
    %swap3A_121 = arith.constant 0 : index
    %swap3A_122 = arith.constant 2560 : index
    %swap3A_123 = vector.load %arg5[%swap3A_121, %swap3A_122] : memref<256x5120xf32, #tpu.memory_space<vmem>>, vector<256x512xf32>
    tpu.vector_store %arg5[%swap3A_121, %swap3A_122], %add3A_120 {strides = array<i32>} : memref<256x5120xf32, #tpu.memory_space<vmem>>, vector<256x512xf32>,
    %get3A_124 = arith.constant 3072 : index
    %get3A_125 = arith.constant 0 : index
    %get3A_126 = vector.load %arg1[%get3A_124, %get3A_125] : memref<5120x128xf32, #tpu.memory_space<vmem>>, vector<512x64xf32>
    %dot_general3A_127 = arith.constant dense<0.000000e+00> : vector<256x512xf32>
    %dot_general3A_128 = tpu.matmul %slice3A, %get3A_126, %dot_general3A_127 {dimension_numbers = #tpu.dot_dimension_numbers<[1], [1], [0], [0], [0, 0, 1, 0], [], []>, transpose_lhs_hint = false} : vector<256x64xf32>, vector<512x64xf32>, vector<256x512xf32> -> vector<256x512xf32>
    %mul3A_129 = arith.mulf %get3A_126, %get3A_126 : vector<512x64xf32>
    %reduce_sum3A_130 = arith.constant dense<0.000000e+00> : vector<512xf32>
    %reduce_sum3A_131 = vector.multi_reduction <add>, %mul3A_129, %reduce_sum3A_130 [1] : vector<512x64xf32> to vector<512xf32>
    %broadcast_in_dim3A_132 = vector.shape_cast %reduce_sum3A_131 : vector<512xf32> to vector<512x1xf32>
    %transpose3A_133 = tpu.transpose %broadcast_in_dim3A_132, [1, 0] : vector<512x1xf32> -> vector<1x512xf32>
    %mul3A_134 = arith.constant 2.000000e+00 : f32
    %mul3A_135 = vector.broadcast %mul3A_134 : f32 to vector<256x512xf32>
    %mul3A_136 = arith.mulf %mul3A_135, %dot_general3A_128 : vector<256x512xf32>
    %sub3A_137 = vector.broadcast %broadcast_in_dim3A : vector<256x1xf32> to vector<256x512xf32>
    %sub3A_138 = arith.subf %sub3A_137, %mul3A_136 : vector<256x512xf32>
    %add3A_139 = vector.broadcast %transpose3A_133 : vector<1x512xf32> to vector<256x512xf32>
    %add3A_140 = arith.addf %sub3A_138, %add3A_139 : vector<256x512xf32>
    %swap3A_141 = arith.constant 0 : index
    %swap3A_142 = arith.constant 3072 : index
    %swap3A_143 = vector.load %arg5[%swap3A_141, %swap3A_142] : memref<256x5120xf32, #tpu.memory_space<vmem>>, vector<256x512xf32>
    tpu.vector_store %arg5[%swap3A_141, %swap3A_142], %add3A_140 {strides = array<i32>} : memref<256x5120xf32, #tpu.memory_space<vmem>>, vector<256x512xf32>,
    %get3A_144 = arith.constant 3584 : index
    %get3A_145 = arith.constant 0 : index
    %get3A_146 = vector.load %arg1[%get3A_144, %get3A_145] : memref<5120x128xf32, #tpu.memory_space<vmem>>, vector<512x64xf32>
    %dot_general3A_147 = arith.constant dense<0.000000e+00> : vector<256x512xf32>
    %dot_general3A_148 = tpu.matmul %slice3A, %get3A_146, %dot_general3A_147 {dimension_numbers = #tpu.dot_dimension_numbers<[1], [1], [0], [0], [0, 0, 1, 0], [], []>, transpose_lhs_hint = false} : vector<256x64xf32>, vector<512x64xf32>, vector<256x512xf32> -> vector<256x512xf32>
    %mul3A_149 = arith.mulf %get3A_146, %get3A_146 : vector<512x64xf32>
    %reduce_sum3A_150 = arith.constant dense<0.000000e+00> : vector<512xf32>
    %reduce_sum3A_151 = vector.multi_reduction <add>, %mul3A_149, %reduce_sum3A_150 [1] : vector<512x64xf32> to vector<512xf32>
    %broadcast_in_dim3A_152 = vector.shape_cast %reduce_sum3A_151 : vector<512xf32> to vector<512x1xf32>
    %transpose3A_153 = tpu.transpose %broadcast_in_dim3A_152, [1, 0] : vector<512x1xf32> -> vector<1x512xf32>
    %mul3A_154 = arith.constant 2.000000e+00 : f32
    %mul3A_155 = vector.broadcast %mul3A_154 : f32 to vector<256x512xf32>
    %mul3A_156 = arith.mulf %mul3A_155, %dot_general3A_148 : vector<256x512xf32>
    %sub3A_157 = vector.broadcast %broadcast_in_dim3A : vector<256x1xf32> to vector<256x512xf32>
    %sub3A_158 = arith.subf %sub3A_157, %mul3A_156 : vector<256x512xf32>
    %add3A_159 = vector.broadcast %transpose3A_153 : vector<1x512xf32> to vector<256x512xf32>
    %add3A_160 = arith.addf %sub3A_158, %add3A_159 : vector<256x512xf32>
    %swap3A_161 = arith.constant 0 : index
    %swap3A_162 = arith.constant 3584 : index
    %swap3A_163 = vector.load %arg5[%swap3A_161, %swap3A_162] : memref<256x5120xf32, #tpu.memory_space<vmem>>, vector<256x512xf32>
    tpu.vector_store %arg5[%swap3A_161, %swap3A_162], %add3A_160 {strides = array<i32>} : memref<256x5120xf32, #tpu.memory_space<vmem>>, vector<256x512xf32>,
    %get3A_164 = arith.constant 4096 : index
    %get3A_165 = arith.constant 0 : index
    %get3A_166 = vector.load %arg1[%get3A_164, %get3A_165] : memref<5120x128xf32, #tpu.memory_space<vmem>>, vector<512x64xf32>
    %dot_general3A_167 = arith.constant dense<0.000000e+00> : vector<256x512xf32>
    %dot_general3A_168 = tpu.matmul %slice3A, %get3A_166, %dot_general3A_167 {dimension_numbers = #tpu.dot_dimension_numbers<[1], [1], [0], [0], [0, 0, 1, 0], [], []>, transpose_lhs_hint = false} : vector<256x64xf32>, vector<512x64xf32>, vector<256x512xf32> -> vector<256x512xf32>
    %mul3A_169 = arith.mulf %get3A_166, %get3A_166 : vector<512x64xf32>
    %reduce_sum3A_170 = arith.constant dense<0.000000e+00> : vector<512xf32>
    %reduce_sum3A_171 = vector.multi_reduction <add>, %mul3A_169, %reduce_sum3A_170 [1] : vector<512x64xf32> to vector<512xf32>
    %broadcast_in_dim3A_172 = vector.shape_cast %reduce_sum3A_171 : vector<512xf32> to vector<512x1xf32>
    %transpose3A_173 = tpu.transpose %broadcast_in_dim3A_172, [1, 0] : vector<512x1xf32> -> vector<1x512xf32>
    %mul3A_174 = arith.constant 2.000000e+00 : f32
    %mul3A_175 = vector.broadcast %mul3A_174 : f32 to vector<256x512xf32>
    %mul3A_176 = arith.mulf %mul3A_175, %dot_general3A_168 : vector<256x512xf32>
    %sub3A_177 = vector.broadcast %broadcast_in_dim3A : vector<256x1xf32> to vector<256x512xf32>
    %sub3A_178 = arith.subf %sub3A_177, %mul3A_176 : vector<256x512xf32>
    %add3A_179 = vector.broadcast %transpose3A_173 : vector<1x512xf32> to vector<256x512xf32>
    %add3A_180 = arith.addf %sub3A_178, %add3A_179 : vector<256x512xf32>
    %swap3A_181 = arith.constant 0 : index
    %swap3A_182 = arith.constant 4096 : index
    %swap3A_183 = vector.load %arg5[%swap3A_181, %swap3A_182] : memref<256x5120xf32, #tpu.memory_space<vmem>>, vector<256x512xf32>
    tpu.vector_store %arg5[%swap3A_181, %swap3A_182], %add3A_180 {strides = array<i32>} : memref<256x5120xf32, #tpu.memory_space<vmem>>, vector<256x512xf32>,
    %get3A_184 = arith.constant 4608 : index
    %get3A_185 = arith.constant 0 : index
    %get3A_186 = vector.load %arg1[%get3A_184, %get3A_185] : memref<5120x128xf32, #tpu.memory_space<vmem>>, vector<512x64xf32>
    %dot_general3A_187 = arith.constant dense<0.000000e+00> : vector<256x512xf32>
    %dot_general3A_188 = tpu.matmul %slice3A, %get3A_186, %dot_general3A_187 {dimension_numbers = #tpu.dot_dimension_numbers<[1], [1], [0], [0], [0, 0, 1, 0], [], []>, transpose_lhs_hint = false} : vector<256x64xf32>, vector<512x64xf32>, vector<256x512xf32> -> vector<256x512xf32>
    %mul3A_189 = arith.mulf %get3A_186, %get3A_186 : vector<512x64xf32>
    %reduce_sum3A_190 = arith.constant dense<0.000000e+00> : vector<512xf32>
    %reduce_sum3A_191 = vector.multi_reduction <add>, %mul3A_189, %reduce_sum3A_190 [1] : vector<512x64xf32> to vector<512xf32>
    %broadcast_in_dim3A_192 = vector.shape_cast %reduce_sum3A_191 : vector<512xf32> to vector<512x1xf32>
    %transpose3A_193 = tpu.transpose %broadcast_in_dim3A_192, [1, 0] : vector<512x1xf32> -> vector<1x512xf32>
    %mul3A_194 = arith.constant 2.000000e+00 : f32
    %mul3A_195 = vector.broadcast %mul3A_194 : f32 to vector<256x512xf32>
    %mul3A_196 = arith.mulf %mul3A_195, %dot_general3A_188 : vector<256x512xf32>
    %sub3A_197 = vector.broadcast %broadcast_in_dim3A : vector<256x1xf32> to vector<256x512xf32>
    %sub3A_198 = arith.subf %sub3A_197, %mul3A_196 : vector<256x512xf32>
    %add3A_199 = vector.broadcast %transpose3A_193 : vector<1x512xf32> to vector<256x512xf32>
    %add3A_200 = arith.addf %sub3A_198, %add3A_199 : vector<256x512xf32>
    %iota3A = tpu.iota {dimensions = array<i32: 1>} : vector<256x512xi32>
    %add3A_201 = arith.constant 4608 : i32
    %add3A_202 = vector.broadcast %add3A_201 : i32 to vector<256x512xi32>
    %add3A_203 = arith.addi %add3A_202, %iota3A : vector<256x512xi32>
    %ge3A = arith.constant 5000 : i32
    %ge3A_204 = vector.broadcast %ge3A : i32 to vector<256x512xi32>
    %ge3A_205 = arith.cmpi sge, %add3A_203, %ge3A_204 : vector<256x512xi32>
    %jit3A = arith.constant 0x7F800000 : f32
    %broadcast_in_dim3A_206 = vector.broadcast %jit3A : f32 to vector<256x512xf32>
    %select_n3A = arith.select %ge3A_205, %broadcast_in_dim3A_206, %add3A_200 : vector<256x512xi1>, vector<256x512xf32>
    %swap3A_207 = arith.constant 0 : index
    %swap3A_208 = arith.constant 4608 : index
    %swap3A_209 = vector.load %arg5[%swap3A_207, %swap3A_208] : memref<256x5120xf32, #tpu.memory_space<vmem>>, vector<256x512xf32>
    tpu.vector_store %arg5[%swap3A_207, %swap3A_208], %select_n3A {strides = array<i32>} : memref<256x5120xf32, #tpu.memory_space<vmem>>, vector<256x512xf32>,
    %scan3A = arith.constant 0 : i32
    %mul3A_210 = arith.constant 256 : i32
    %mul3A_211 = arith.muli %scan3A, %mul3A_210 : i32
    %iota3A_212 = tpu.iota {dimensions = array<i32: 1>} : vector<256x128xi32>
    %broadcast_in_dim3A_213 = arith.constant 0x7F800000 : f32
    %broadcast_in_dim3A_214 = vector.broadcast %broadcast_in_dim3A_213 : f32 to vector<256x128xf32>
    %broadcast_in_dim3A_215 = arith.constant 0x7F800000 : f32
    %broadcast_in_dim3A_216 = vector.broadcast %broadcast_in_dim3A_215 : f32 to vector<256x128xf32>
    %broadcast_in_dim3A_217 = arith.constant 0x7F800000 : f32
    %broadcast_in_dim3A_218 = vector.broadcast %broadcast_in_dim3A_217 : f32 to vector<256x128xf32>
    %broadcast_in_dim3A_219 = arith.constant 0x7F800000 : f32
    %broadcast_in_dim3A_220 = vector.broadcast %broadcast_in_dim3A_219 : f32 to vector<256x128xf32>
    %broadcast_in_dim3A_221 = arith.constant 1073741824 : i32
    %broadcast_in_dim3A_222 = vector.broadcast %broadcast_in_dim3A_221 : i32 to vector<256x128xi32>
    %broadcast_in_dim3A_223 = arith.constant 1073741824 : i32
    %broadcast_in_dim3A_224 = vector.broadcast %broadcast_in_dim3A_223 : i32 to vector<256x128xi32>
    %broadcast_in_dim3A_225 = arith.constant 1073741824 : i32
    %broadcast_in_dim3A_226 = vector.broadcast %broadcast_in_dim3A_225 : i32 to vector<256x128xi32>
    %broadcast_in_dim3A_227 = arith.constant 1073741824 : i32
    %broadcast_in_dim3A_228 = vector.broadcast %broadcast_in_dim3A_227 : i32 to vector<256x128xi32>
    %get3A_229 = arith.index_cast %mul3A_211 : i32 to index
    %get3A_230 = arith.constant 0 : index
    %get3A_231 = vector.load %arg5[%get3A_229, %get3A_230] : memref<256x5120xf32, #tpu.memory_space<vmem>>, vector<256x128xf32>
    %add3A_232 = arith.constant 0 : i32
    %add3A_233 = vector.broadcast %add3A_232 : i32 to vector<256x128xi32>
    %add3A_234 = arith.addi %iota3A_212, %add3A_233 : vector<256x128xi32>
    %lt3A = arith.cmpf olt, %get3A_231, %broadcast_in_dim3A_214 : vector<256x128xf32>
    %lt3A_235 = arith.cmpf olt, %get3A_231, %broadcast_in_dim3A_216 : vector<256x128xf32>
    %lt3A_236 = arith.cmpf olt, %get3A_231, %broadcast_in_dim3A_218 : vector<256x128xf32>
    %lt3A_237 = arith.cmpf olt, %get3A_231, %broadcast_in_dim3A_220 : vector<256x128xf32>
    %select_n3A_238 = arith.select %lt3A_237, %get3A_231, %broadcast_in_dim3A_220 : vector<256x128xi1>, vector<256x128xf32>
    %select_n3A_239 = arith.select %lt3A_236, %broadcast_in_dim3A_218, %select_n3A_238 : vector<256x128xi1>, vector<256x128xf32>
    %select_n3A_240 = arith.select %lt3A_237, %add3A_234, %broadcast_in_dim3A_228 : vector<256x128xi1>, vector<256x128xi32>
    %select_n3A_241 = arith.select %lt3A_236, %broadcast_in_dim3A_226, %select_n3A_240 : vector<256x128xi1>, vector<256x128xi32>
    %select_n3A_242 = arith.select %lt3A_236, %get3A_231, %broadcast_in_dim3A_218 : vector<256x128xi1>, vector<256x128xf32>
    %select_n3A_243 = arith.select %lt3A_235, %broadcast_in_dim3A_216, %select_n3A_242 : vector<256x128xi1>, vector<256x128xf32>
    %select_n3A_244 = arith.select %lt3A_236, %add3A_234, %broadcast_in_dim3A_226 : vector<256x128xi1>, vector<256x128xi32>
    %select_n3A_245 = arith.select %lt3A_235, %broadcast_in_dim3A_224, %select_n3A_244 : vector<256x128xi1>, vector<256x128xi32>
    %select_n3A_246 = arith.select %lt3A_235, %get3A_231, %broadcast_in_dim3A_216 : vector<256x128xi1>, vector<256x128xf32>
    %select_n3A_247 = arith.select %lt3A, %broadcast_in_dim3A_214, %select_n3A_246 : vector<256x128xi1>, vector<256x128xf32>
    %select_n3A_248 = arith.select %lt3A_235, %add3A_234, %broadcast_in_dim3A_224 : vector<256x128xi1>, vector<256x128xi32>
    %select_n3A_249 = arith.select %lt3A, %broadcast_in_dim3A_222, %select_n3A_248 : vector<256x128xi1>, vector<256x128xi32>
    %select_n3A_250 = arith.select %lt3A, %get3A_231, %broadcast_in_dim3A_214 : vector<256x128xi1>, vector<256x128xf32>
    %select_n3A_251 = arith.select %lt3A, %add3A_234, %broadcast_in_dim3A_222 : vector<256x128xi1>, vector<256x128xi32>
    %get3A_252 = arith.index_cast %mul3A_211 : i32 to index
    %get3A_253 = arith.constant 128 : index
    %get3A_254 = vector.load %arg5[%get3A_252, %get3A_253] : memref<256x5120xf32, #tpu.memory_space<vmem>>, vector<256x128xf32>
    %add3A_255 = arith.constant 128 : i32
    %add3A_256 = vector.broadcast %add3A_255 : i32 to vector<256x128xi32>
    %add3A_257 = arith.addi %iota3A_212, %add3A_256 : vector<256x128xi32>
    %lt3A_258 = arith.cmpf olt, %get3A_254, %select_n3A_250 : vector<256x128xf32>
    %lt3A_259 = arith.cmpf olt, %get3A_254, %select_n3A_247 : vector<256x128xf32>
    %lt3A_260 = arith.cmpf olt, %get3A_254, %select_n3A_243 : vector<256x128xf32>
    %lt3A_261 = arith.cmpf olt, %get3A_254, %select_n3A_239 : vector<256x128xf32>
    %select_n3A_262 = arith.select %lt3A_261, %get3A_254, %select_n3A_239 : vector<256x128xi1>, vector<256x128xf32>
    %select_n3A_263 = arith.select %lt3A_260, %select_n3A_243, %select_n3A_262 : vector<256x128xi1>, vector<256x128xf32>
    %select_n3A_264 = arith.select %lt3A_261, %add3A_257, %select_n3A_241 : vector<256x128xi1>, vector<256x128xi32>
    %select_n3A_265 = arith.select %lt3A_260, %select_n3A_245, %select_n3A_264 : vector<256x128xi1>, vector<256x128xi32>
    %select_n3A_266 = arith.select %lt3A_260, %get3A_254, %select_n3A_243 : vector<256x128xi1>, vector<256x128xf32>
    %select_n3A_267 = arith.select %lt3A_259, %select_n3A_247, %select_n3A_266 : vector<256x128xi1>, vector<256x128xf32>
    %select_n3A_268 = arith.select %lt3A_260, %add3A_257, %select_n3A_245 : vector<256x128xi1>, vector<256x128xi32>
    %select_n3A_269 = arith.select %lt3A_259, %select_n3A_249, %select_n3A_268 : vector<256x128xi1>, vector<256x128xi32>
    %select_n3A_270 = arith.select %lt3A_259, %get3A_254, %select_n3A_247 : vector<256x128xi1>, vector<256x128xf32>
    %select_n3A_271 = arith.select %lt3A_258, %select_n3A_250, %select_n3A_270 : vector<256x128xi1>, vector<256x128xf32>
    %select_n3A_272 = arith.select %lt3A_259, %add3A_257, %select_n3A_249 : vector<256x128xi1>, vector<256x128xi32>
    %select_n3A_273 = arith.select %lt3A_258, %select_n3A_251, %select_n3A_272 : vector<256x128xi1>, vector<256x128xi32>
    %select_n3A_274 = arith.select %lt3A_258, %get3A_254, %select_n3A_250 : vector<256x128xi1>, vector<256x128xf32>
    %select_n3A_275 = arith.select %lt3A_258, %add3A_257, %select_n3A_251 : vector<256x128xi1>, vector<256x128xi32>
    %get3A_276 = arith.index_cast %mul3A_211 : i32 to index
    %get3A_277 = arith.constant 256 : index
    %get3A_278 = vector.load %arg5[%get3A_276, %get3A_277] : memref<256x5120xf32, #tpu.memory_space<vmem>>, vector<256x128xf32>
    %add3A_279 = arith.constant 256 : i32
    %add3A_280 = vector.broadcast %add3A_279 : i32 to vector<256x128xi32>
    %add3A_281 = arith.addi %iota3A_212, %add3A_280 : vector<256x128xi32>
    %lt3A_282 = arith.cmpf olt, %get3A_278, %select_n3A_274 : vector<256x128xf32>
    %lt3A_283 = arith.cmpf olt, %get3A_278, %select_n3A_271 : vector<256x128xf32>
    %lt3A_284 = arith.cmpf olt, %get3A_278, %select_n3A_267 : vector<256x128xf32>
    %lt3A_285 = arith.cmpf olt, %get3A_278, %select_n3A_263 : vector<256x128xf32>
    %select_n3A_286 = arith.select %lt3A_285, %get3A_278, %select_n3A_263 : vector<256x128xi1>, vector<256x128xf32>
    %select_n3A_287 = arith.select %lt3A_284, %select_n3A_267, %select_n3A_286 : vector<256x128xi1>, vector<256x128xf32>
    %select_n3A_288 = arith.select %lt3A_285, %add3A_281, %select_n3A_265 : vector<256x128xi1>, vector<256x128xi32>
    %select_n3A_289 = arith.select %lt3A_284, %select_n3A_269, %select_n3A_288 : vector<256x128xi1>, vector<256x128xi32>
    %select_n3A_290 = arith.select %lt3A_284, %get3A_278, %select_n3A_267 : vector<256x128xi1>, vector<256x128xf32>
    %select_n3A_291 = arith.select %lt3A_283, %select_n3A_271, %select_n3A_290 : vector<256x128xi1>, vector<256x128xf32>
    %select_n3A_292 = arith.select %lt3A_284, %add3A_281, %select_n3A_269 : vector<256x128xi1>, vector<256x128xi32>
    %select_n3A_293 = arith.select %lt3A_283, %select_n3A_273, %select_n3A_292 : vector<256x128xi1>, vector<256x128xi32>
    %select_n3A_294 = arith.select %lt3A_283, %get3A_278, %select_n3A_271 : vector<256x128xi1>, vector<256x128xf32>
    %select_n3A_295 = arith.select %lt3A_282, %select_n3A_274, %select_n3A_294 : vector<256x128xi1>, vector<256x128xf32>
    %select_n3A_296 = arith.select %lt3A_283, %add3A_281, %select_n3A_273 : vector<256x128xi1>, vector<256x128xi32>
    %select_n3A_297 = arith.select %lt3A_282, %select_n3A_275, %select_n3A_296 : vector<256x128xi1>, vector<256x128xi32>
    %select_n3A_298 = arith.select %lt3A_282, %get3A_278, %select_n3A_274 : vector<256x128xi1>, vector<256x128xf32>
    %select_n3A_299 = arith.select %lt3A_282, %add3A_281, %select_n3A_275 : vector<256x128xi1>, vector<256x128xi32>
    %get3A_300 = arith.index_cast %mul3A_211 : i32 to index
    %get3A_301 = arith.constant 384 : index
    %get3A_302 = vector.load %arg5[%get3A_300, %get3A_301] : memref<256x5120xf32, #tpu.memory_space<vmem>>, vector<256x128xf32>
    %add3A_303 = arith.constant 384 : i32
    %add3A_304 = vector.broadcast %add3A_303 : i32 to vector<256x128xi32>
    %add3A_305 = arith.addi %iota3A_212, %add3A_304 : vector<256x128xi32>
    %lt3A_306 = arith.cmpf olt, %get3A_302, %select_n3A_298 : vector<256x128xf32>
    %lt3A_307 = arith.cmpf olt, %get3A_302, %select_n3A_295 : vector<256x128xf32>
    %lt3A_308 = arith.cmpf olt, %get3A_302, %select_n3A_291 : vector<256x128xf32>
    %lt3A_309 = arith.cmpf olt, %get3A_302, %select_n3A_287 : vector<256x128xf32>
    %select_n3A_310 = arith.select %lt3A_309, %get3A_302, %select_n3A_287 : vector<256x128xi1>, vector<256x128xf32>
    %select_n3A_311 = arith.select %lt3A_308, %select_n3A_291, %select_n3A_310 : vector<256x128xi1>, vector<256x128xf32>
    %select_n3A_312 = arith.select %lt3A_309, %add3A_305, %select_n3A_289 : vector<256x128xi1>, vector<256x128xi32>
    %select_n3A_313 = arith.select %lt3A_308, %select_n3A_293, %select_n3A_312 : vector<256x128xi1>, vector<256x128xi32>
    %select_n3A_314 = arith.select %lt3A_308, %get3A_302, %select_n3A_291 : vector<256x128xi1>, vector<256x128xf32>
    %select_n3A_315 = arith.select %lt3A_307, %select_n3A_295, %select_n3A_314 : vector<256x128xi1>, vector<256x128xf32>
    %select_n3A_316 = arith.select %lt3A_308, %add3A_305, %select_n3A_293 : vector<256x128xi1>, vector<256x128xi32>
    %select_n3A_317 = arith.select %lt3A_307, %select_n3A_297, %select_n3A_316 : vector<256x128xi1>, vector<256x128xi32>
    %select_n3A_318 = arith.select %lt3A_307, %get3A_302, %select_n3A_295 : vector<256x128xi1>, vector<256x128xf32>
    %select_n3A_319 = arith.select %lt3A_306, %select_n3A_298, %select_n3A_318 : vector<256x128xi1>, vector<256x128xf32>
    %select_n3A_320 = arith.select %lt3A_307, %add3A_305, %select_n3A_297 : vector<256x128xi1>, vector<256x128xi32>
    %select_n3A_321 = arith.select %lt3A_306, %select_n3A_299, %select_n3A_320 : vector<256x128xi1>, vector<256x128xi32>
    %select_n3A_322 = arith.select %lt3A_306, %get3A_302, %select_n3A_298 : vector<256x128xi1>, vector<256x128xf32>
    %select_n3A_323 = arith.select %lt3A_306, %add3A_305, %select_n3A_299 : vector<256x128xi1>, vector<256x128xi32>
    %get3A_324 = arith.index_cast %mul3A_211 : i32 to index
    %get3A_325 = arith.constant 512 : index
    %get3A_326 = vector.load %arg5[%get3A_324, %get3A_325] : memref<256x5120xf32, #tpu.memory_space<vmem>>, vector<256x128xf32>
    %add3A_327 = arith.constant 512 : i32
    %add3A_328 = vector.broadcast %add3A_327 : i32 to vector<256x128xi32>
    %add3A_329 = arith.addi %iota3A_212, %add3A_328 : vector<256x128xi32>
    %lt3A_330 = arith.cmpf olt, %get3A_326, %select_n3A_322 : vector<256x128xf32>
    %lt3A_331 = arith.cmpf olt, %get3A_326, %select_n3A_319 : vector<256x128xf32>
    %lt3A_332 = arith.cmpf olt, %get3A_326, %select_n3A_315 : vector<256x128xf32>
    %lt3A_333 = arith.cmpf olt, %get3A_326, %select_n3A_311 : vector<256x128xf32>
    %select_n3A_334 = arith.select %lt3A_333, %get3A_326, %select_n3A_311 : vector<256x128xi1>, vector<256x128xf32>
    %select_n3A_335 = arith.select %lt3A_332, %select_n3A_315, %select_n3A_334 : vector<256x128xi1>, vector<256x128xf32>
    %select_n3A_336 = arith.select %lt3A_333, %add3A_329, %select_n3A_313 : vector<256x128xi1>, vector<256x128xi32>
    %select_n3A_337 = arith.select %lt3A_332, %select_n3A_317, %select_n3A_336 : vector<256x128xi1>, vector<256x128xi32>
    %select_n3A_338 = arith.select %lt3A_332, %get3A_326, %select_n3A_315 : vector<256x128xi1>, vector<256x128xf32>
    %select_n3A_339 = arith.select %lt3A_331, %select_n3A_319, %select_n3A_338 : vector<256x128xi1>, vector<256x128xf32>
    %select_n3A_340 = arith.select %lt3A_332, %add3A_329, %select_n3A_317 : vector<256x128xi1>, vector<256x128xi32>
    %select_n3A_341 = arith.select %lt3A_331, %select_n3A_321, %select_n3A_340 : vector<256x128xi1>, vector<256x128xi32>
    %select_n3A_342 = arith.select %lt3A_331, %get3A_326, %select_n3A_319 : vector<256x128xi1>, vector<256x128xf32>
    %select_n3A_343 = arith.select %lt3A_330, %select_n3A_322, %select_n3A_342 : vector<256x128xi1>, vector<256x128xf32>
    %select_n3A_344 = arith.select %lt3A_331, %add3A_329, %select_n3A_321 : vector<256x128xi1>, vector<256x128xi32>
    %select_n3A_345 = arith.select %lt3A_330, %select_n3A_323, %select_n3A_344 : vector<256x128xi1>, vector<256x128xi32>
    %select_n3A_346 = arith.select %lt3A_330, %get3A_326, %select_n3A_322 : vector<256x128xi1>, vector<256x128xf32>
    %select_n3A_347 = arith.select %lt3A_330, %add3A_329, %select_n3A_323 : vector<256x128xi1>, vector<256x128xi32>
    %get3A_348 = arith.index_cast %mul3A_211 : i32 to index
    %get3A_349 = arith.constant 640 : index
    %get3A_350 = vector.load %arg5[%get3A_348, %get3A_349] : memref<256x5120xf32, #tpu.memory_space<vmem>>, vector<256x128xf32>
    %add3A_351 = arith.constant 640 : i32
    %add3A_352 = vector.broadcast %add3A_351 : i32 to vector<256x128xi32>
    %add3A_353 = arith.addi %iota3A_212, %add3A_352 : vector<256x128xi32>
    %lt3A_354 = arith.cmpf olt, %get3A_350, %select_n3A_346 : vector<256x128xf32>
    %lt3A_355 = arith.cmpf olt, %get3A_350, %select_n3A_343 : vector<256x128xf32>
    %lt3A_356 = arith.cmpf olt, %get3A_350, %select_n3A_339 : vector<256x128xf32>
    %lt3A_357 = arith.cmpf olt, %get3A_350, %select_n3A_335 : vector<256x128xf32>
    %select_n3A_358 = arith.select %lt3A_357, %get3A_350, %select_n3A_335 : vector<256x128xi1>, vector<256x128xf32>
    %select_n3A_359 = arith.select %lt3A_356, %select_n3A_339, %select_n3A_358 : vector<256x128xi1>, vector<256x128xf32>
    %select_n3A_360 = arith.select %lt3A_357, %add3A_353, %select_n3A_337 : vector<256x128xi1>, vector<256x128xi32>
    %select_n3A_361 = arith.select %lt3A_356, %select_n3A_341, %select_n3A_360 : vector<256x128xi1>, vector<256x128xi32>
    %select_n3A_362 = arith.select %lt3A_356, %get3A_350, %select_n3A_339 : vector<256x128xi1>, vector<256x128xf32>
    %select_n3A_363 = arith.select %lt3A_355, %select_n3A_343, %select_n3A_362 : vector<256x128xi1>, vector<256x128xf32>
    %select_n3A_364 = arith.select %lt3A_356, %add3A_353, %select_n3A_341 : vector<256x128xi1>, vector<256x128xi32>
    %select_n3A_365 = arith.select %lt3A_355, %select_n3A_345, %select_n3A_364 : vector<256x128xi1>, vector<256x128xi32>
    %select_n3A_366 = arith.select %lt3A_355, %get3A_350, %select_n3A_343 : vector<256x128xi1>, vector<256x128xf32>
    %select_n3A_367 = arith.select %lt3A_354, %select_n3A_346, %select_n3A_366 : vector<256x128xi1>, vector<256x128xf32>
    %select_n3A_368 = arith.select %lt3A_355, %add3A_353, %select_n3A_345 : vector<256x128xi1>, vector<256x128xi32>
    %select_n3A_369 = arith.select %lt3A_354, %select_n3A_347, %select_n3A_368 : vector<256x128xi1>, vector<256x128xi32>
    %select_n3A_370 = arith.select %lt3A_354, %get3A_350, %select_n3A_346 : vector<256x128xi1>, vector<256x128xf32>
    %select_n3A_371 = arith.select %lt3A_354, %add3A_353, %select_n3A_347 : vector<256x128xi1>, vector<256x128xi32>
    %get3A_372 = arith.index_cast %mul3A_211 : i32 to index
    %get3A_373 = arith.constant 768 : index
    %get3A_374 = vector.load %arg5[%get3A_372, %get3A_373] : memref<256x5120xf32, #tpu.memory_space<vmem>>, vector<256x128xf32>
    %add3A_375 = arith.constant 768 : i32
    %add3A_376 = vector.broadcast %add3A_375 : i32 to vector<256x128xi32>
    %add3A_377 = arith.addi %iota3A_212, %add3A_376 : vector<256x128xi32>
    %lt3A_378 = arith.cmpf olt, %get3A_374, %select_n3A_370 : vector<256x128xf32>
    %lt3A_379 = arith.cmpf olt, %get3A_374, %select_n3A_367 : vector<256x128xf32>
    %lt3A_380 = arith.cmpf olt, %get3A_374, %select_n3A_363 : vector<256x128xf32>
    %lt3A_381 = arith.cmpf olt, %get3A_374, %select_n3A_359 : vector<256x128xf32>
    %select_n3A_382 = arith.select %lt3A_381, %get3A_374, %select_n3A_359 : vector<256x128xi1>, vector<256x128xf32>
    %select_n3A_383 = arith.select %lt3A_380, %select_n3A_363, %select_n3A_382 : vector<256x128xi1>, vector<256x128xf32>
    %select_n3A_384 = arith.select %lt3A_381, %add3A_377, %select_n3A_361 : vector<256x128xi1>, vector<256x128xi32>
    %select_n3A_385 = arith.select %lt3A_380, %select_n3A_365, %select_n3A_384 : vector<256x128xi1>, vector<256x128xi32>
    %select_n3A_386 = arith.select %lt3A_380, %get3A_374, %select_n3A_363 : vector<256x128xi1>, vector<256x128xf32>
    %select_n3A_387 = arith.select %lt3A_379, %select_n3A_367, %select_n3A_386 : vector<256x128xi1>, vector<256x128xf32>
    %select_n3A_388 = arith.select %lt3A_380, %add3A_377, %select_n3A_365 : vector<256x128xi1>, vector<256x128xi32>
    %select_n3A_389 = arith.select %lt3A_379, %select_n3A_369, %select_n3A_388 : vector<256x128xi1>, vector<256x128xi32>
    %select_n3A_390 = arith.select %lt3A_379, %get3A_374, %select_n3A_367 : vector<256x128xi1>, vector<256x128xf32>
    %select_n3A_391 = arith.select %lt3A_378, %select_n3A_370, %select_n3A_390 : vector<256x128xi1>, vector<256x128xf32>
    %select_n3A_392 = arith.select %lt3A_379, %add3A_377, %select_n3A_369 : vector<256x128xi1>, vector<256x128xi32>
    %select_n3A_393 = arith.select %lt3A_378, %select_n3A_371, %select_n3A_392 : vector<256x128xi1>, vector<256x128xi32>
    %select_n3A_394 = arith.select %lt3A_378, %get3A_374, %select_n3A_370 : vector<256x128xi1>, vector<256x128xf32>
    %select_n3A_395 = arith.select %lt3A_378, %add3A_377, %select_n3A_371 : vector<256x128xi1>, vector<256x128xi32>
    %get3A_396 = arith.index_cast %mul3A_211 : i32 to index
    %get3A_397 = arith.constant 896 : index
    %get3A_398 = vector.load %arg5[%get3A_396, %get3A_397] : memref<256x5120xf32, #tpu.memory_space<vmem>>, vector<256x128xf32>
    %add3A_399 = arith.constant 896 : i32
    %add3A_400 = vector.broadcast %add3A_399 : i32 to vector<256x128xi32>
    %add3A_401 = arith.addi %iota3A_212, %add3A_400 : vector<256x128xi32>
    %lt3A_402 = arith.cmpf olt, %get3A_398, %select_n3A_394 : vector<256x128xf32>
    %lt3A_403 = arith.cmpf olt, %get3A_398, %select_n3A_391 : vector<256x128xf32>
    %lt3A_404 = arith.cmpf olt, %get3A_398, %select_n3A_387 : vector<256x128xf32>
    %lt3A_405 = arith.cmpf olt, %get3A_398, %select_n3A_383 : vector<256x128xf32>
    %select_n3A_406 = arith.select %lt3A_405, %get3A_398, %select_n3A_383 : vector<256x128xi1>, vector<256x128xf32>
    %select_n3A_407 = arith.select %lt3A_404, %select_n3A_387, %select_n3A_406 : vector<256x128xi1>, vector<256x128xf32>
    %select_n3A_408 = arith.select %lt3A_405, %add3A_401, %select_n3A_385 : vector<256x128xi1>, vector<256x128xi32>
    %select_n3A_409 = arith.select %lt3A_404, %select_n3A_389, %select_n3A_408 : vector<256x128xi1>, vector<256x128xi32>
    %select_n3A_410 = arith.select %lt3A_404, %get3A_398, %select_n3A_387 : vector<256x128xi1>, vector<256x128xf32>
    %select_n3A_411 = arith.select %lt3A_403, %select_n3A_391, %select_n3A_410 : vector<256x128xi1>, vector<256x128xf32>
    %select_n3A_412 = arith.select %lt3A_404, %add3A_401, %select_n3A_389 : vector<256x128xi1>, vector<256x128xi32>
    %select_n3A_413 = arith.select %lt3A_403, %select_n3A_393, %select_n3A_412 : vector<256x128xi1>, vector<256x128xi32>
    %select_n3A_414 = arith.select %lt3A_403, %get3A_398, %select_n3A_391 : vector<256x128xi1>, vector<256x128xf32>
    %select_n3A_415 = arith.select %lt3A_402, %select_n3A_394, %select_n3A_414 : vector<256x128xi1>, vector<256x128xf32>
    %select_n3A_416 = arith.select %lt3A_403, %add3A_401, %select_n3A_393 : vector<256x128xi1>, vector<256x128xi32>
    %select_n3A_417 = arith.select %lt3A_402, %select_n3A_395, %select_n3A_416 : vector<256x128xi1>, vector<256x128xi32>
    %select_n3A_418 = arith.select %lt3A_402, %get3A_398, %select_n3A_394 : vector<256x128xi1>, vector<256x128xf32>
    %select_n3A_419 = arith.select %lt3A_402, %add3A_401, %select_n3A_395 : vector<256x128xi1>, vector<256x128xi32>
    %get3A_420 = arith.index_cast %mul3A_211 : i32 to index
    %get3A_421 = arith.constant 1024 : index
    %get3A_422 = vector.load %arg5[%get3A_420, %get3A_421] : memref<256x5120xf32, #tpu.memory_space<vmem>>, vector<256x128xf32>
    %add3A_423 = arith.constant 1024 : i32
    %add3A_424 = vector.broadcast %add3A_423 : i32 to vector<256x128xi32>
    %add3A_425 = arith.addi %iota3A_212, %add3A_424 : vector<256x128xi32>
    %lt3A_426 = arith.cmpf olt, %get3A_422, %select_n3A_418 : vector<256x128xf32>
    %lt3A_427 = arith.cmpf olt, %get3A_422, %select_n3A_415 : vector<256x128xf32>
    %lt3A_428 = arith.cmpf olt, %get3A_422, %select_n3A_411 : vector<256x128xf32>
    %lt3A_429 = arith.cmpf olt, %get3A_422, %select_n3A_407 : vector<256x128xf32>
    %select_n3A_430 = arith.select %lt3A_429, %get3A_422, %select_n3A_407 : vector<256x128xi1>, vector<256x128xf32>
    %select_n3A_431 = arith.select %lt3A_428, %select_n3A_411, %select_n3A_430 : vector<256x128xi1>, vector<256x128xf32>
    %select_n3A_432 = arith.select %lt3A_429, %add3A_425, %select_n3A_409 : vector<256x128xi1>, vector<256x128xi32>
    %select_n3A_433 = arith.select %lt3A_428, %select_n3A_413, %select_n3A_432 : vector<256x128xi1>, vector<256x128xi32>
    %select_n3A_434 = arith.select %lt3A_428, %get3A_422, %select_n3A_411 : vector<256x128xi1>, vector<256x128xf32>
    %select_n3A_435 = arith.select %lt3A_427, %select_n3A_415, %select_n3A_434 : vector<256x128xi1>, vector<256x128xf32>
    %select_n3A_436 = arith.select %lt3A_428, %add3A_425, %select_n3A_413 : vector<256x128xi1>, vector<256x128xi32>
    %select_n3A_437 = arith.select %lt3A_427, %select_n3A_417, %select_n3A_436 : vector<256x128xi1>, vector<256x128xi32>
    %select_n3A_438 = arith.select %lt3A_427, %get3A_422, %select_n3A_415 : vector<256x128xi1>, vector<256x128xf32>
    %select_n3A_439 = arith.select %lt3A_426, %select_n3A_418, %select_n3A_438 : vector<256x128xi1>, vector<256x128xf32>
    %select_n3A_440 = arith.select %lt3A_427, %add3A_425, %select_n3A_417 : vector<256x128xi1>, vector<256x128xi32>
    %select_n3A_441 = arith.select %lt3A_426, %select_n3A_419, %select_n3A_440 : vector<256x128xi1>, vector<256x128xi32>
    %select_n3A_442 = arith.select %lt3A_426, %get3A_422, %select_n3A_418 : vector<256x128xi1>, vector<256x128xf32>
    %select_n3A_443 = arith.select %lt3A_426, %add3A_425, %select_n3A_419 : vector<256x128xi1>, vector<256x128xi32>
    %get3A_444 = arith.index_cast %mul3A_211 : i32 to index
    %get3A_445 = arith.constant 1152 : index
    %get3A_446 = vector.load %arg5[%get3A_444, %get3A_445] : memref<256x5120xf32, #tpu.memory_space<vmem>>, vector<256x128xf32>
    %add3A_447 = arith.constant 1152 : i32
    %add3A_448 = vector.broadcast %add3A_447 : i32 to vector<256x128xi32>
    %add3A_449 = arith.addi %iota3A_212, %add3A_448 : vector<256x128xi32>
    %lt3A_450 = arith.cmpf olt, %get3A_446, %select_n3A_442 : vector<256x128xf32>
    %lt3A_451 = arith.cmpf olt, %get3A_446, %select_n3A_439 : vector<256x128xf32>
    %lt3A_452 = arith.cmpf olt, %get3A_446, %select_n3A_435 : vector<256x128xf32>
    %lt3A_453 = arith.cmpf olt, %get3A_446, %select_n3A_431 : vector<256x128xf32>
    %select_n3A_454 = arith.select %lt3A_453, %get3A_446, %select_n3A_431 : vector<256x128xi1>, vector<256x128xf32>
    %select_n3A_455 = arith.select %lt3A_452, %select_n3A_435, %select_n3A_454 : vector<256x128xi1>, vector<256x128xf32>
    %select_n3A_456 = arith.select %lt3A_453, %add3A_449, %select_n3A_433 : vector<256x128xi1>, vector<256x128xi32>
    %select_n3A_457 = arith.select %lt3A_452, %select_n3A_437, %select_n3A_456 : vector<256x128xi1>, vector<256x128xi32>
    %select_n3A_458 = arith.select %lt3A_452, %get3A_446, %select_n3A_435 : vector<256x128xi1>, vector<256x128xf32>
    %select_n3A_459 = arith.select %lt3A_451, %select_n3A_439, %select_n3A_458 : vector<256x128xi1>, vector<256x128xf32>
    %select_n3A_460 = arith.select %lt3A_452, %add3A_449, %select_n3A_437 : vector<256x128xi1>, vector<256x128xi32>
    %select_n3A_461 = arith.select %lt3A_451, %select_n3A_441, %select_n3A_460 : vector<256x128xi1>, vector<256x128xi32>
    %select_n3A_462 = arith.select %lt3A_451, %get3A_446, %select_n3A_439 : vector<256x128xi1>, vector<256x128xf32>
    %select_n3A_463 = arith.select %lt3A_450, %select_n3A_442, %select_n3A_462 : vector<256x128xi1>, vector<256x128xf32>
    %select_n3A_464 = arith.select %lt3A_451, %add3A_449, %select_n3A_441 : vector<256x128xi1>, vector<256x128xi32>
    %select_n3A_465 = arith.select %lt3A_450, %select_n3A_443, %select_n3A_464 : vector<256x128xi1>, vector<256x128xi32>
    %select_n3A_466 = arith.select %lt3A_450, %get3A_446, %select_n3A_442 : vector<256x128xi1>, vector<256x128xf32>
    %select_n3A_467 = arith.select %lt3A_450, %add3A_449, %select_n3A_443 : vector<256x128xi1>, vector<256x128xi32>
    %get3A_468 = arith.index_cast %mul3A_211 : i32 to index
    %get3A_469 = arith.constant 1280 : index
    %get3A_470 = vector.load %arg5[%get3A_468, %get3A_469] : memref<256x5120xf32, #tpu.memory_space<vmem>>, vector<256x128xf32>
    %add3A_471 = arith.constant 1280 : i32
    %add3A_472 = vector.broadcast %add3A_471 : i32 to vector<256x128xi32>
    %add3A_473 = arith.addi %iota3A_212, %add3A_472 : vector<256x128xi32>
    %lt3A_474 = arith.cmpf olt, %get3A_470, %select_n3A_466 : vector<256x128xf32>
    %lt3A_475 = arith.cmpf olt, %get3A_470, %select_n3A_463 : vector<256x128xf32>
    %lt3A_476 = arith.cmpf olt, %get3A_470, %select_n3A_459 : vector<256x128xf32>
    %lt3A_477 = arith.cmpf olt, %get3A_470, %select_n3A_455 : vector<256x128xf32>
    %select_n3A_478 = arith.select %lt3A_477, %get3A_470, %select_n3A_455 : vector<256x128xi1>, vector<256x128xf32>
    %select_n3A_479 = arith.select %lt3A_476, %select_n3A_459, %select_n3A_478 : vector<256x128xi1>, vector<256x128xf32>
    %select_n3A_480 = arith.select %lt3A_477, %add3A_473, %select_n3A_457 : vector<256x128xi1>, vector<256x128xi32>
    %select_n3A_481 = arith.select %lt3A_476, %select_n3A_461, %select_n3A_480 : vector<256x128xi1>, vector<256x128xi32>
    %select_n3A_482 = arith.select %lt3A_476, %get3A_470, %select_n3A_459 : vector<256x128xi1>, vector<256x128xf32>
    %select_n3A_483 = arith.select %lt3A_475, %select_n3A_463, %select_n3A_482 : vector<256x128xi1>, vector<256x128xf32>
    %select_n3A_484 = arith.select %lt3A_476, %add3A_473, %select_n3A_461 : vector<256x128xi1>, vector<256x128xi32>
    %select_n3A_485 = arith.select %lt3A_475, %select_n3A_465, %select_n3A_484 : vector<256x128xi1>, vector<256x128xi32>
    %select_n3A_486 = arith.select %lt3A_475, %get3A_470, %select_n3A_463 : vector<256x128xi1>, vector<256x128xf32>
    %select_n3A_487 = arith.select %lt3A_474, %select_n3A_466, %select_n3A_486 : vector<256x128xi1>, vector<256x128xf32>
    %select_n3A_488 = arith.select %lt3A_475, %add3A_473, %select_n3A_465 : vector<256x128xi1>, vector<256x128xi32>
    %select_n3A_489 = arith.select %lt3A_474, %select_n3A_467, %select_n3A_488 : vector<256x128xi1>, vector<256x128xi32>
    %select_n3A_490 = arith.select %lt3A_474, %get3A_470, %select_n3A_466 : vector<256x128xi1>, vector<256x128xf32>
    %select_n3A_491 = arith.select %lt3A_474, %add3A_473, %select_n3A_467 : vector<256x128xi1>, vector<256x128xi32>
    %get3A_492 = arith.index_cast %mul3A_211 : i32 to index
    %get3A_493 = arith.constant 1408 : index
    %get3A_494 = vector.load %arg5[%get3A_492, %get3A_493] : memref<256x5120xf32, #tpu.memory_space<vmem>>, vector<256x128xf32>
    %add3A_495 = arith.constant 1408 : i32
    %add3A_496 = vector.broadcast %add3A_495 : i32 to vector<256x128xi32>
    %add3A_497 = arith.addi %iota3A_212, %add3A_496 : vector<256x128xi32>
    %lt3A_498 = arith.cmpf olt, %get3A_494, %select_n3A_490 : vector<256x128xf32>
    %lt3A_499 = arith.cmpf olt, %get3A_494, %select_n3A_487 : vector<256x128xf32>
    %lt3A_500 = arith.cmpf olt, %get3A_494, %select_n3A_483 : vector<256x128xf32>
    %lt3A_501 = arith.cmpf olt, %get3A_494, %select_n3A_479 : vector<256x128xf32>
    %select_n3A_502 = arith.select %lt3A_501, %get3A_494, %select_n3A_479 : vector<256x128xi1>, vector<256x128xf32>
    %select_n3A_503 = arith.select %lt3A_500, %select_n3A_483, %select_n3A_502 : vector<256x128xi1>, vector<256x128xf32>
    %select_n3A_504 = arith.select %lt3A_501, %add3A_497, %select_n3A_481 : vector<256x128xi1>, vector<256x128xi32>
    %select_n3A_505 = arith.select %lt3A_500, %select_n3A_485, %select_n3A_504 : vector<256x128xi1>, vector<256x128xi32>
    %select_n3A_506 = arith.select %lt3A_500, %get3A_494, %select_n3A_483 : vector<256x128xi1>, vector<256x128xf32>
    %select_n3A_507 = arith.select %lt3A_499, %select_n3A_487, %select_n3A_506 : vector<256x128xi1>, vector<256x128xf32>
    %select_n3A_508 = arith.select %lt3A_500, %add3A_497, %select_n3A_485 : vector<256x128xi1>, vector<256x128xi32>
    %select_n3A_509 = arith.select %lt3A_499, %select_n3A_489, %select_n3A_508 : vector<256x128xi1>, vector<256x128xi32>
    %select_n3A_510 = arith.select %lt3A_499, %get3A_494, %select_n3A_487 : vector<256x128xi1>, vector<256x128xf32>
    %select_n3A_511 = arith.select %lt3A_498, %select_n3A_490, %select_n3A_510 : vector<256x128xi1>, vector<256x128xf32>
    %select_n3A_512 = arith.select %lt3A_499, %add3A_497, %select_n3A_489 : vector<256x128xi1>, vector<256x128xi32>
    %select_n3A_513 = arith.select %lt3A_498, %select_n3A_491, %select_n3A_512 : vector<256x128xi1>, vector<256x128xi32>
    %select_n3A_514 = arith.select %lt3A_498, %get3A_494, %select_n3A_490 : vector<256x128xi1>, vector<256x128xf32>
    %select_n3A_515 = arith.select %lt3A_498, %add3A_497, %select_n3A_491 : vector<256x128xi1>, vector<256x128xi32>
    %get3A_516 = arith.index_cast %mul3A_211 : i32 to index
    %get3A_517 = arith.constant 1536 : index
    %get3A_518 = vector.load %arg5[%get3A_516, %get3A_517] : memref<256x5120xf32, #tpu.memory_space<vmem>>, vector<256x128xf32>
    %add3A_519 = arith.constant 1536 : i32
    %add3A_520 = vector.broadcast %add3A_519 : i32 to vector<256x128xi32>
    %add3A_521 = arith.addi %iota3A_212, %add3A_520 : vector<256x128xi32>
    %lt3A_522 = arith.cmpf olt, %get3A_518, %select_n3A_514 : vector<256x128xf32>
    %lt3A_523 = arith.cmpf olt, %get3A_518, %select_n3A_511 : vector<256x128xf32>
    %lt3A_524 = arith.cmpf olt, %get3A_518, %select_n3A_507 : vector<256x128xf32>
    %lt3A_525 = arith.cmpf olt, %get3A_518, %select_n3A_503 : vector<256x128xf32>
    %select_n3A_526 = arith.select %lt3A_525, %get3A_518, %select_n3A_503 : vector<256x128xi1>, vector<256x128xf32>
    %select_n3A_527 = arith.select %lt3A_524, %select_n3A_507, %select_n3A_526 : vector<256x128xi1>, vector<256x128xf32>
    %select_n3A_528 = arith.select %lt3A_525, %add3A_521, %select_n3A_505 : vector<256x128xi1>, vector<256x128xi32>
    %select_n3A_529 = arith.select %lt3A_524, %select_n3A_509, %select_n3A_528 : vector<256x128xi1>, vector<256x128xi32>
    %select_n3A_530 = arith.select %lt3A_524, %get3A_518, %select_n3A_507 : vector<256x128xi1>, vector<256x128xf32>
    %select_n3A_531 = arith.select %lt3A_523, %select_n3A_511, %select_n3A_530 : vector<256x128xi1>, vector<256x128xf32>
    %select_n3A_532 = arith.select %lt3A_524, %add3A_521, %select_n3A_509 : vector<256x128xi1>, vector<256x128xi32>
    %select_n3A_533 = arith.select %lt3A_523, %select_n3A_513, %select_n3A_532 : vector<256x128xi1>, vector<256x128xi32>
    %select_n3A_534 = arith.select %lt3A_523, %get3A_518, %select_n3A_511 : vector<256x128xi1>, vector<256x128xf32>
    %select_n3A_535 = arith.select %lt3A_522, %select_n3A_514, %select_n3A_534 : vector<256x128xi1>, vector<256x128xf32>
    %select_n3A_536 = arith.select %lt3A_523, %add3A_521, %select_n3A_513 : vector<256x128xi1>, vector<256x128xi32>
    %select_n3A_537 = arith.select %lt3A_522, %select_n3A_515, %select_n3A_536 : vector<256x128xi1>, vector<256x128xi32>
    %select_n3A_538 = arith.select %lt3A_522, %get3A_518, %select_n3A_514 : vector<256x128xi1>, vector<256x128xf32>
    %select_n3A_539 = arith.select %lt3A_522, %add3A_521, %select_n3A_515 : vector<256x128xi1>, vector<256x128xi32>
    %get3A_540 = arith.index_cast %mul3A_211 : i32 to index
    %get3A_541 = arith.constant 1664 : index
    %get3A_542 = vector.load %arg5[%get3A_540, %get3A_541] : memref<256x5120xf32, #tpu.memory_space<vmem>>, vector<256x128xf32>
    %add3A_543 = arith.constant 1664 : i32
    %add3A_544 = vector.broadcast %add3A_543 : i32 to vector<256x128xi32>
    %add3A_545 = arith.addi %iota3A_212, %add3A_544 : vector<256x128xi32>
    %lt3A_546 = arith.cmpf olt, %get3A_542, %select_n3A_538 : vector<256x128xf32>
    %lt3A_547 = arith.cmpf olt, %get3A_542, %select_n3A_535 : vector<256x128xf32>
    %lt3A_548 = arith.cmpf olt, %get3A_542, %select_n3A_531 : vector<256x128xf32>
    %lt3A_549 = arith.cmpf olt, %get3A_542, %select_n3A_527 : vector<256x128xf32>
    %select_n3A_550 = arith.select %lt3A_549, %get3A_542, %select_n3A_527 : vector<256x128xi1>, vector<256x128xf32>
    %select_n3A_551 = arith.select %lt3A_548, %select_n3A_531, %select_n3A_550 : vector<256x128xi1>, vector<256x128xf32>
    %select_n3A_552 = arith.select %lt3A_549, %add3A_545, %select_n3A_529 : vector<256x128xi1>, vector<256x128xi32>
    %select_n3A_553 = arith.select %lt3A_548, %select_n3A_533, %select_n3A_552 : vector<256x128xi1>, vector<256x128xi32>
    %select_n3A_554 = arith.select %lt3A_548, %get3A_542, %select_n3A_531 : vector<256x128xi1>, vector<256x128xf32>
    %select_n3A_555 = arith.select %lt3A_547, %select_n3A_535, %select_n3A_554 : vector<256x128xi1>, vector<256x128xf32>
    %select_n3A_556 = arith.select %lt3A_548, %add3A_545, %select_n3A_533 : vector<256x128xi1>, vector<256x128xi32>
    %select_n3A_557 = arith.select %lt3A_547, %select_n3A_537, %select_n3A_556 : vector<256x128xi1>, vector<256x128xi32>
    %select_n3A_558 = arith.select %lt3A_547, %get3A_542, %select_n3A_535 : vector<256x128xi1>, vector<256x128xf32>
    %select_n3A_559 = arith.select %lt3A_546, %select_n3A_538, %select_n3A_558 : vector<256x128xi1>, vector<256x128xf32>
    %select_n3A_560 = arith.select %lt3A_547, %add3A_545, %select_n3A_537 : vector<256x128xi1>, vector<256x128xi32>
    %select_n3A_561 = arith.select %lt3A_546, %select_n3A_539, %select_n3A_560 : vector<256x128xi1>, vector<256x128xi32>
    %select_n3A_562 = arith.select %lt3A_546, %get3A_542, %select_n3A_538 : vector<256x128xi1>, vector<256x128xf32>
    %select_n3A_563 = arith.select %lt3A_546, %add3A_545, %select_n3A_539 : vector<256x128xi1>, vector<256x128xi32>
    %get3A_564 = arith.index_cast %mul3A_211 : i32 to index
    %get3A_565 = arith.constant 1792 : index
    %get3A_566 = vector.load %arg5[%get3A_564, %get3A_565] : memref<256x5120xf32, #tpu.memory_space<vmem>>, vector<256x128xf32>
    %add3A_567 = arith.constant 1792 : i32
    %add3A_568 = vector.broadcast %add3A_567 : i32 to vector<256x128xi32>
    %add3A_569 = arith.addi %iota3A_212, %add3A_568 : vector<256x128xi32>
    %lt3A_570 = arith.cmpf olt, %get3A_566, %select_n3A_562 : vector<256x128xf32>
    %lt3A_571 = arith.cmpf olt, %get3A_566, %select_n3A_559 : vector<256x128xf32>
    %lt3A_572 = arith.cmpf olt, %get3A_566, %select_n3A_555 : vector<256x128xf32>
    %lt3A_573 = arith.cmpf olt, %get3A_566, %select_n3A_551 : vector<256x128xf32>
    %select_n3A_574 = arith.select %lt3A_573, %get3A_566, %select_n3A_551 : vector<256x128xi1>, vector<256x128xf32>
    %select_n3A_575 = arith.select %lt3A_572, %select_n3A_555, %select_n3A_574 : vector<256x128xi1>, vector<256x128xf32>
    %select_n3A_576 = arith.select %lt3A_573, %add3A_569, %select_n3A_553 : vector<256x128xi1>, vector<256x128xi32>
    %select_n3A_577 = arith.select %lt3A_572, %select_n3A_557, %select_n3A_576 : vector<256x128xi1>, vector<256x128xi32>
    %select_n3A_578 = arith.select %lt3A_572, %get3A_566, %select_n3A_555 : vector<256x128xi1>, vector<256x128xf32>
    %select_n3A_579 = arith.select %lt3A_571, %select_n3A_559, %select_n3A_578 : vector<256x128xi1>, vector<256x128xf32>
    %select_n3A_580 = arith.select %lt3A_572, %add3A_569, %select_n3A_557 : vector<256x128xi1>, vector<256x128xi32>
    %select_n3A_581 = arith.select %lt3A_571, %select_n3A_561, %select_n3A_580 : vector<256x128xi1>, vector<256x128xi32>
    %select_n3A_582 = arith.select %lt3A_571, %get3A_566, %select_n3A_559 : vector<256x128xi1>, vector<256x128xf32>
    %select_n3A_583 = arith.select %lt3A_570, %select_n3A_562, %select_n3A_582 : vector<256x128xi1>, vector<256x128xf32>
    %select_n3A_584 = arith.select %lt3A_571, %add3A_569, %select_n3A_561 : vector<256x128xi1>, vector<256x128xi32>
    %select_n3A_585 = arith.select %lt3A_570, %select_n3A_563, %select_n3A_584 : vector<256x128xi1>, vector<256x128xi32>
    %select_n3A_586 = arith.select %lt3A_570, %get3A_566, %select_n3A_562 : vector<256x128xi1>, vector<256x128xf32>
    %select_n3A_587 = arith.select %lt3A_570, %add3A_569, %select_n3A_563 : vector<256x128xi1>, vector<256x128xi32>
    %get3A_588 = arith.index_cast %mul3A_211 : i32 to index
    %get3A_589 = arith.constant 1920 : index
    %get3A_590 = vector.load %arg5[%get3A_588, %get3A_589] : memref<256x5120xf32, #tpu.memory_space<vmem>>, vector<256x128xf32>
    %add3A_591 = arith.constant 1920 : i32
    %add3A_592 = vector.broadcast %add3A_591 : i32 to vector<256x128xi32>
    %add3A_593 = arith.addi %iota3A_212, %add3A_592 : vector<256x128xi32>
    %lt3A_594 = arith.cmpf olt, %get3A_590, %select_n3A_586 : vector<256x128xf32>
    %lt3A_595 = arith.cmpf olt, %get3A_590, %select_n3A_583 : vector<256x128xf32>
    %lt3A_596 = arith.cmpf olt, %get3A_590, %select_n3A_579 : vector<256x128xf32>
    %lt3A_597 = arith.cmpf olt, %get3A_590, %select_n3A_575 : vector<256x128xf32>
    %select_n3A_598 = arith.select %lt3A_597, %get3A_590, %select_n3A_575 : vector<256x128xi1>, vector<256x128xf32>
    %select_n3A_599 = arith.select %lt3A_596, %select_n3A_579, %select_n3A_598 : vector<256x128xi1>, vector<256x128xf32>
    %select_n3A_600 = arith.select %lt3A_597, %add3A_593, %select_n3A_577 : vector<256x128xi1>, vector<256x128xi32>
    %select_n3A_601 = arith.select %lt3A_596, %select_n3A_581, %select_n3A_600 : vector<256x128xi1>, vector<256x128xi32>
    %select_n3A_602 = arith.select %lt3A_596, %get3A_590, %select_n3A_579 : vector<256x128xi1>, vector<256x128xf32>
    %select_n3A_603 = arith.select %lt3A_595, %select_n3A_583, %select_n3A_602 : vector<256x128xi1>, vector<256x128xf32>
    %select_n3A_604 = arith.select %lt3A_596, %add3A_593, %select_n3A_581 : vector<256x128xi1>, vector<256x128xi32>
    %select_n3A_605 = arith.select %lt3A_595, %select_n3A_585, %select_n3A_604 : vector<256x128xi1>, vector<256x128xi32>
    %select_n3A_606 = arith.select %lt3A_595, %get3A_590, %select_n3A_583 : vector<256x128xi1>, vector<256x128xf32>
    %select_n3A_607 = arith.select %lt3A_594, %select_n3A_586, %select_n3A_606 : vector<256x128xi1>, vector<256x128xf32>
    %select_n3A_608 = arith.select %lt3A_595, %add3A_593, %select_n3A_585 : vector<256x128xi1>, vector<256x128xi32>
    %select_n3A_609 = arith.select %lt3A_594, %select_n3A_587, %select_n3A_608 : vector<256x128xi1>, vector<256x128xi32>
    %select_n3A_610 = arith.select %lt3A_594, %get3A_590, %select_n3A_586 : vector<256x128xi1>, vector<256x128xf32>
    %select_n3A_611 = arith.select %lt3A_594, %add3A_593, %select_n3A_587 : vector<256x128xi1>, vector<256x128xi32>
    %get3A_612 = arith.index_cast %mul3A_211 : i32 to index
    %get3A_613 = arith.constant 2048 : index
    %get3A_614 = vector.load %arg5[%get3A_612, %get3A_613] : memref<256x5120xf32, #tpu.memory_space<vmem>>, vector<256x128xf32>
    %add3A_615 = arith.constant 2048 : i32
    %add3A_616 = vector.broadcast %add3A_615 : i32 to vector<256x128xi32>
    %add3A_617 = arith.addi %iota3A_212, %add3A_616 : vector<256x128xi32>
    %lt3A_618 = arith.cmpf olt, %get3A_614, %select_n3A_610 : vector<256x128xf32>
    %lt3A_619 = arith.cmpf olt, %get3A_614, %select_n3A_607 : vector<256x128xf32>
    %lt3A_620 = arith.cmpf olt, %get3A_614, %select_n3A_603 : vector<256x128xf32>
    %lt3A_621 = arith.cmpf olt, %get3A_614, %select_n3A_599 : vector<256x128xf32>
    %select_n3A_622 = arith.select %lt3A_621, %get3A_614, %select_n3A_599 : vector<256x128xi1>, vector<256x128xf32>
    %select_n3A_623 = arith.select %lt3A_620, %select_n3A_603, %select_n3A_622 : vector<256x128xi1>, vector<256x128xf32>
    %select_n3A_624 = arith.select %lt3A_621, %add3A_617, %select_n3A_601 : vector<256x128xi1>, vector<256x128xi32>
    %select_n3A_625 = arith.select %lt3A_620, %select_n3A_605, %select_n3A_624 : vector<256x128xi1>, vector<256x128xi32>
    %select_n3A_626 = arith.select %lt3A_620, %get3A_614, %select_n3A_603 : vector<256x128xi1>, vector<256x128xf32>
    %select_n3A_627 = arith.select %lt3A_619, %select_n3A_607, %select_n3A_626 : vector<256x128xi1>, vector<256x128xf32>
    %select_n3A_628 = arith.select %lt3A_620, %add3A_617, %select_n3A_605 : vector<256x128xi1>, vector<256x128xi32>
    %select_n3A_629 = arith.select %lt3A_619, %select_n3A_609, %select_n3A_628 : vector<256x128xi1>, vector<256x128xi32>
    %select_n3A_630 = arith.select %lt3A_619, %get3A_614, %select_n3A_607 : vector<256x128xi1>, vector<256x128xf32>
    %select_n3A_631 = arith.select %lt3A_618, %select_n3A_610, %select_n3A_630 : vector<256x128xi1>, vector<256x128xf32>
    %select_n3A_632 = arith.select %lt3A_619, %add3A_617, %select_n3A_609 : vector<256x128xi1>, vector<256x128xi32>
    %select_n3A_633 = arith.select %lt3A_618, %select_n3A_611, %select_n3A_632 : vector<256x128xi1>, vector<256x128xi32>
    %select_n3A_634 = arith.select %lt3A_618, %get3A_614, %select_n3A_610 : vector<256x128xi1>, vector<256x128xf32>
    %select_n3A_635 = arith.select %lt3A_618, %add3A_617, %select_n3A_611 : vector<256x128xi1>, vector<256x128xi32>
    %get3A_636 = arith.index_cast %mul3A_211 : i32 to index
    %get3A_637 = arith.constant 2176 : index
    %get3A_638 = vector.load %arg5[%get3A_636, %get3A_637] : memref<256x5120xf32, #tpu.memory_space<vmem>>, vector<256x128xf32>
    %add3A_639 = arith.constant 2176 : i32
    %add3A_640 = vector.broadcast %add3A_639 : i32 to vector<256x128xi32>
    %add3A_641 = arith.addi %iota3A_212, %add3A_640 : vector<256x128xi32>
    %lt3A_642 = arith.cmpf olt, %get3A_638, %select_n3A_634 : vector<256x128xf32>
    %lt3A_643 = arith.cmpf olt, %get3A_638, %select_n3A_631 : vector<256x128xf32>
    %lt3A_644 = arith.cmpf olt, %get3A_638, %select_n3A_627 : vector<256x128xf32>
    %lt3A_645 = arith.cmpf olt, %get3A_638, %select_n3A_623 : vector<256x128xf32>
    %select_n3A_646 = arith.select %lt3A_645, %get3A_638, %select_n3A_623 : vector<256x128xi1>, vector<256x128xf32>
    %select_n3A_647 = arith.select %lt3A_644, %select_n3A_627, %select_n3A_646 : vector<256x128xi1>, vector<256x128xf32>
    %select_n3A_648 = arith.select %lt3A_645, %add3A_641, %select_n3A_625 : vector<256x128xi1>, vector<256x128xi32>
    %select_n3A_649 = arith.select %lt3A_644, %select_n3A_629, %select_n3A_648 : vector<256x128xi1>, vector<256x128xi32>
    %select_n3A_650 = arith.select %lt3A_644, %get3A_638, %select_n3A_627 : vector<256x128xi1>, vector<256x128xf32>
    %select_n3A_651 = arith.select %lt3A_643, %select_n3A_631, %select_n3A_650 : vector<256x128xi1>, vector<256x128xf32>
    %select_n3A_652 = arith.select %lt3A_644, %add3A_641, %select_n3A_629 : vector<256x128xi1>, vector<256x128xi32>
    %select_n3A_653 = arith.select %lt3A_643, %select_n3A_633, %select_n3A_652 : vector<256x128xi1>, vector<256x128xi32>
    %select_n3A_654 = arith.select %lt3A_643, %get3A_638, %select_n3A_631 : vector<256x128xi1>, vector<256x128xf32>
    %select_n3A_655 = arith.select %lt3A_642, %select_n3A_634, %select_n3A_654 : vector<256x128xi1>, vector<256x128xf32>
    %select_n3A_656 = arith.select %lt3A_643, %add3A_641, %select_n3A_633 : vector<256x128xi1>, vector<256x128xi32>
    %select_n3A_657 = arith.select %lt3A_642, %select_n3A_635, %select_n3A_656 : vector<256x128xi1>, vector<256x128xi32>
    %select_n3A_658 = arith.select %lt3A_642, %get3A_638, %select_n3A_634 : vector<256x128xi1>, vector<256x128xf32>
    %select_n3A_659 = arith.select %lt3A_642, %add3A_641, %select_n3A_635 : vector<256x128xi1>, vector<256x128xi32>
    %get3A_660 = arith.index_cast %mul3A_211 : i32 to index
    %get3A_661 = arith.constant 2304 : index
    %get3A_662 = vector.load %arg5[%get3A_660, %get3A_661] : memref<256x5120xf32, #tpu.memory_space<vmem>>, vector<256x128xf32>
    %add3A_663 = arith.constant 2304 : i32
    %add3A_664 = vector.broadcast %add3A_663 : i32 to vector<256x128xi32>
    %add3A_665 = arith.addi %iota3A_212, %add3A_664 : vector<256x128xi32>
    %lt3A_666 = arith.cmpf olt, %get3A_662, %select_n3A_658 : vector<256x128xf32>
    %lt3A_667 = arith.cmpf olt, %get3A_662, %select_n3A_655 : vector<256x128xf32>
    %lt3A_668 = arith.cmpf olt, %get3A_662, %select_n3A_651 : vector<256x128xf32>
    %lt3A_669 = arith.cmpf olt, %get3A_662, %select_n3A_647 : vector<256x128xf32>
    %select_n3A_670 = arith.select %lt3A_669, %get3A_662, %select_n3A_647 : vector<256x128xi1>, vector<256x128xf32>
    %select_n3A_671 = arith.select %lt3A_668, %select_n3A_651, %select_n3A_670 : vector<256x128xi1>, vector<256x128xf32>
    %select_n3A_672 = arith.select %lt3A_669, %add3A_665, %select_n3A_649 : vector<256x128xi1>, vector<256x128xi32>
    %select_n3A_673 = arith.select %lt3A_668, %select_n3A_653, %select_n3A_672 : vector<256x128xi1>, vector<256x128xi32>
    %select_n3A_674 = arith.select %lt3A_668, %get3A_662, %select_n3A_651 : vector<256x128xi1>, vector<256x128xf32>
    %select_n3A_675 = arith.select %lt3A_667, %select_n3A_655, %select_n3A_674 : vector<256x128xi1>, vector<256x128xf32>
    %select_n3A_676 = arith.select %lt3A_668, %add3A_665, %select_n3A_653 : vector<256x128xi1>, vector<256x128xi32>
    %select_n3A_677 = arith.select %lt3A_667, %select_n3A_657, %select_n3A_676 : vector<256x128xi1>, vector<256x128xi32>
    %select_n3A_678 = arith.select %lt3A_667, %get3A_662, %select_n3A_655 : vector<256x128xi1>, vector<256x128xf32>
    %select_n3A_679 = arith.select %lt3A_666, %select_n3A_658, %select_n3A_678 : vector<256x128xi1>, vector<256x128xf32>
    %select_n3A_680 = arith.select %lt3A_667, %add3A_665, %select_n3A_657 : vector<256x128xi1>, vector<256x128xi32>
    %select_n3A_681 = arith.select %lt3A_666, %select_n3A_659, %select_n3A_680 : vector<256x128xi1>, vector<256x128xi32>
    %select_n3A_682 = arith.select %lt3A_666, %get3A_662, %select_n3A_658 : vector<256x128xi1>, vector<256x128xf32>
    %select_n3A_683 = arith.select %lt3A_666, %add3A_665, %select_n3A_659 : vector<256x128xi1>, vector<256x128xi32>
    %get3A_684 = arith.index_cast %mul3A_211 : i32 to index
    %get3A_685 = arith.constant 2432 : index
    %get3A_686 = vector.load %arg5[%get3A_684, %get3A_685] : memref<256x5120xf32, #tpu.memory_space<vmem>>, vector<256x128xf32>
    %add3A_687 = arith.constant 2432 : i32
    %add3A_688 = vector.broadcast %add3A_687 : i32 to vector<256x128xi32>
    %add3A_689 = arith.addi %iota3A_212, %add3A_688 : vector<256x128xi32>
    %lt3A_690 = arith.cmpf olt, %get3A_686, %select_n3A_682 : vector<256x128xf32>
    %lt3A_691 = arith.cmpf olt, %get3A_686, %select_n3A_679 : vector<256x128xf32>
    %lt3A_692 = arith.cmpf olt, %get3A_686, %select_n3A_675 : vector<256x128xf32>
    %lt3A_693 = arith.cmpf olt, %get3A_686, %select_n3A_671 : vector<256x128xf32>
    %select_n3A_694 = arith.select %lt3A_693, %get3A_686, %select_n3A_671 : vector<256x128xi1>, vector<256x128xf32>
    %select_n3A_695 = arith.select %lt3A_692, %select_n3A_675, %select_n3A_694 : vector<256x128xi1>, vector<256x128xf32>
    %select_n3A_696 = arith.select %lt3A_693, %add3A_689, %select_n3A_673 : vector<256x128xi1>, vector<256x128xi32>
    %select_n3A_697 = arith.select %lt3A_692, %select_n3A_677, %select_n3A_696 : vector<256x128xi1>, vector<256x128xi32>
    %select_n3A_698 = arith.select %lt3A_692, %get3A_686, %select_n3A_675 : vector<256x128xi1>, vector<256x128xf32>
    %select_n3A_699 = arith.select %lt3A_691, %select_n3A_679, %select_n3A_698 : vector<256x128xi1>, vector<256x128xf32>
    %select_n3A_700 = arith.select %lt3A_692, %add3A_689, %select_n3A_677 : vector<256x128xi1>, vector<256x128xi32>
    %select_n3A_701 = arith.select %lt3A_691, %select_n3A_681, %select_n3A_700 : vector<256x128xi1>, vector<256x128xi32>
    %select_n3A_702 = arith.select %lt3A_691, %get3A_686, %select_n3A_679 : vector<256x128xi1>, vector<256x128xf32>
    %select_n3A_703 = arith.select %lt3A_690, %select_n3A_682, %select_n3A_702 : vector<256x128xi1>, vector<256x128xf32>
    %select_n3A_704 = arith.select %lt3A_691, %add3A_689, %select_n3A_681 : vector<256x128xi1>, vector<256x128xi32>
    %select_n3A_705 = arith.select %lt3A_690, %select_n3A_683, %select_n3A_704 : vector<256x128xi1>, vector<256x128xi32>
    %select_n3A_706 = arith.select %lt3A_690, %get3A_686, %select_n3A_682 : vector<256x128xi1>, vector<256x128xf32>
    %select_n3A_707 = arith.select %lt3A_690, %add3A_689, %select_n3A_683 : vector<256x128xi1>, vector<256x128xi32>
    %get3A_708 = arith.index_cast %mul3A_211 : i32 to index
    %get3A_709 = arith.constant 2560 : index
    %get3A_710 = vector.load %arg5[%get3A_708, %get3A_709] : memref<256x5120xf32, #tpu.memory_space<vmem>>, vector<256x128xf32>
    %add3A_711 = arith.constant 2560 : i32
    %add3A_712 = vector.broadcast %add3A_711 : i32 to vector<256x128xi32>
    %add3A_713 = arith.addi %iota3A_212, %add3A_712 : vector<256x128xi32>
    %lt3A_714 = arith.cmpf olt, %get3A_710, %select_n3A_706 : vector<256x128xf32>
    %lt3A_715 = arith.cmpf olt, %get3A_710, %select_n3A_703 : vector<256x128xf32>
    %lt3A_716 = arith.cmpf olt, %get3A_710, %select_n3A_699 : vector<256x128xf32>
    %lt3A_717 = arith.cmpf olt, %get3A_710, %select_n3A_695 : vector<256x128xf32>
    %select_n3A_718 = arith.select %lt3A_717, %get3A_710, %select_n3A_695 : vector<256x128xi1>, vector<256x128xf32>
    %select_n3A_719 = arith.select %lt3A_716, %select_n3A_699, %select_n3A_718 : vector<256x128xi1>, vector<256x128xf32>
    %select_n3A_720 = arith.select %lt3A_717, %add3A_713, %select_n3A_697 : vector<256x128xi1>, vector<256x128xi32>
    %select_n3A_721 = arith.select %lt3A_716, %select_n3A_701, %select_n3A_720 : vector<256x128xi1>, vector<256x128xi32>
    %select_n3A_722 = arith.select %lt3A_716, %get3A_710, %select_n3A_699 : vector<256x128xi1>, vector<256x128xf32>
    %select_n3A_723 = arith.select %lt3A_715, %select_n3A_703, %select_n3A_722 : vector<256x128xi1>, vector<256x128xf32>
    %select_n3A_724 = arith.select %lt3A_716, %add3A_713, %select_n3A_701 : vector<256x128xi1>, vector<256x128xi32>
    %select_n3A_725 = arith.select %lt3A_715, %select_n3A_705, %select_n3A_724 : vector<256x128xi1>, vector<256x128xi32>
    %select_n3A_726 = arith.select %lt3A_715, %get3A_710, %select_n3A_703 : vector<256x128xi1>, vector<256x128xf32>
    %select_n3A_727 = arith.select %lt3A_714, %select_n3A_706, %select_n3A_726 : vector<256x128xi1>, vector<256x128xf32>
    %select_n3A_728 = arith.select %lt3A_715, %add3A_713, %select_n3A_705 : vector<256x128xi1>, vector<256x128xi32>
    %select_n3A_729 = arith.select %lt3A_714, %select_n3A_707, %select_n3A_728 : vector<256x128xi1>, vector<256x128xi32>
    %select_n3A_730 = arith.select %lt3A_714, %get3A_710, %select_n3A_706 : vector<256x128xi1>, vector<256x128xf32>
    %select_n3A_731 = arith.select %lt3A_714, %add3A_713, %select_n3A_707 : vector<256x128xi1>, vector<256x128xi32>
    %get3A_732 = arith.index_cast %mul3A_211 : i32 to index
    %get3A_733 = arith.constant 2688 : index
    %get3A_734 = vector.load %arg5[%get3A_732, %get3A_733] : memref<256x5120xf32, #tpu.memory_space<vmem>>, vector<256x128xf32>
    %add3A_735 = arith.constant 2688 : i32
    %add3A_736 = vector.broadcast %add3A_735 : i32 to vector<256x128xi32>
    %add3A_737 = arith.addi %iota3A_212, %add3A_736 : vector<256x128xi32>
    %lt3A_738 = arith.cmpf olt, %get3A_734, %select_n3A_730 : vector<256x128xf32>
    %lt3A_739 = arith.cmpf olt, %get3A_734, %select_n3A_727 : vector<256x128xf32>
    %lt3A_740 = arith.cmpf olt, %get3A_734, %select_n3A_723 : vector<256x128xf32>
    %lt3A_741 = arith.cmpf olt, %get3A_734, %select_n3A_719 : vector<256x128xf32>
    %select_n3A_742 = arith.select %lt3A_741, %get3A_734, %select_n3A_719 : vector<256x128xi1>, vector<256x128xf32>
    %select_n3A_743 = arith.select %lt3A_740, %select_n3A_723, %select_n3A_742 : vector<256x128xi1>, vector<256x128xf32>
    %select_n3A_744 = arith.select %lt3A_741, %add3A_737, %select_n3A_721 : vector<256x128xi1>, vector<256x128xi32>
    %select_n3A_745 = arith.select %lt3A_740, %select_n3A_725, %select_n3A_744 : vector<256x128xi1>, vector<256x128xi32>
    %select_n3A_746 = arith.select %lt3A_740, %get3A_734, %select_n3A_723 : vector<256x128xi1>, vector<256x128xf32>
    %select_n3A_747 = arith.select %lt3A_739, %select_n3A_727, %select_n3A_746 : vector<256x128xi1>, vector<256x128xf32>
    %select_n3A_748 = arith.select %lt3A_740, %add3A_737, %select_n3A_725 : vector<256x128xi1>, vector<256x128xi32>
    %select_n3A_749 = arith.select %lt3A_739, %select_n3A_729, %select_n3A_748 : vector<256x128xi1>, vector<256x128xi32>
    %select_n3A_750 = arith.select %lt3A_739, %get3A_734, %select_n3A_727 : vector<256x128xi1>, vector<256x128xf32>
    %select_n3A_751 = arith.select %lt3A_738, %select_n3A_730, %select_n3A_750 : vector<256x128xi1>, vector<256x128xf32>
    %select_n3A_752 = arith.select %lt3A_739, %add3A_737, %select_n3A_729 : vector<256x128xi1>, vector<256x128xi32>
    %select_n3A_753 = arith.select %lt3A_738, %select_n3A_731, %select_n3A_752 : vector<256x128xi1>, vector<256x128xi32>
    %select_n3A_754 = arith.select %lt3A_738, %get3A_734, %select_n3A_730 : vector<256x128xi1>, vector<256x128xf32>
    %select_n3A_755 = arith.select %lt3A_738, %add3A_737, %select_n3A_731 : vector<256x128xi1>, vector<256x128xi32>
    %get3A_756 = arith.index_cast %mul3A_211 : i32 to index
    %get3A_757 = arith.constant 2816 : index
    %get3A_758 = vector.load %arg5[%get3A_756, %get3A_757] : memref<256x5120xf32, #tpu.memory_space<vmem>>, vector<256x128xf32>
    %add3A_759 = arith.constant 2816 : i32
    %add3A_760 = vector.broadcast %add3A_759 : i32 to vector<256x128xi32>
    %add3A_761 = arith.addi %iota3A_212, %add3A_760 : vector<256x128xi32>
    %lt3A_762 = arith.cmpf olt, %get3A_758, %select_n3A_754 : vector<256x128xf32>
    %lt3A_763 = arith.cmpf olt, %get3A_758, %select_n3A_751 : vector<256x128xf32>
    %lt3A_764 = arith.cmpf olt, %get3A_758, %select_n3A_747 : vector<256x128xf32>
    %lt3A_765 = arith.cmpf olt, %get3A_758, %select_n3A_743 : vector<256x128xf32>
    %select_n3A_766 = arith.select %lt3A_765, %get3A_758, %select_n3A_743 : vector<256x128xi1>, vector<256x128xf32>
    %select_n3A_767 = arith.select %lt3A_764, %select_n3A_747, %select_n3A_766 : vector<256x128xi1>, vector<256x128xf32>
    %select_n3A_768 = arith.select %lt3A_765, %add3A_761, %select_n3A_745 : vector<256x128xi1>, vector<256x128xi32>
    %select_n3A_769 = arith.select %lt3A_764, %select_n3A_749, %select_n3A_768 : vector<256x128xi1>, vector<256x128xi32>
    %select_n3A_770 = arith.select %lt3A_764, %get3A_758, %select_n3A_747 : vector<256x128xi1>, vector<256x128xf32>
    %select_n3A_771 = arith.select %lt3A_763, %select_n3A_751, %select_n3A_770 : vector<256x128xi1>, vector<256x128xf32>
    %select_n3A_772 = arith.select %lt3A_764, %add3A_761, %select_n3A_749 : vector<256x128xi1>, vector<256x128xi32>
    %select_n3A_773 = arith.select %lt3A_763, %select_n3A_753, %select_n3A_772 : vector<256x128xi1>, vector<256x128xi32>
    %select_n3A_774 = arith.select %lt3A_763, %get3A_758, %select_n3A_751 : vector<256x128xi1>, vector<256x128xf32>
    %select_n3A_775 = arith.select %lt3A_762, %select_n3A_754, %select_n3A_774 : vector<256x128xi1>, vector<256x128xf32>
    %select_n3A_776 = arith.select %lt3A_763, %add3A_761, %select_n3A_753 : vector<256x128xi1>, vector<256x128xi32>
    %select_n3A_777 = arith.select %lt3A_762, %select_n3A_755, %select_n3A_776 : vector<256x128xi1>, vector<256x128xi32>
    %select_n3A_778 = arith.select %lt3A_762, %get3A_758, %select_n3A_754 : vector<256x128xi1>, vector<256x128xf32>
    %select_n3A_779 = arith.select %lt3A_762, %add3A_761, %select_n3A_755 : vector<256x128xi1>, vector<256x128xi32>
    %get3A_780 = arith.index_cast %mul3A_211 : i32 to index
    %get3A_781 = arith.constant 2944 : index
    %get3A_782 = vector.load %arg5[%get3A_780, %get3A_781] : memref<256x5120xf32, #tpu.memory_space<vmem>>, vector<256x128xf32>
    %add3A_783 = arith.constant 2944 : i32
    %add3A_784 = vector.broadcast %add3A_783 : i32 to vector<256x128xi32>
    %add3A_785 = arith.addi %iota3A_212, %add3A_784 : vector<256x128xi32>
    %lt3A_786 = arith.cmpf olt, %get3A_782, %select_n3A_778 : vector<256x128xf32>
    %lt3A_787 = arith.cmpf olt, %get3A_782, %select_n3A_775 : vector<256x128xf32>
    %lt3A_788 = arith.cmpf olt, %get3A_782, %select_n3A_771 : vector<256x128xf32>
    %lt3A_789 = arith.cmpf olt, %get3A_782, %select_n3A_767 : vector<256x128xf32>
    %select_n3A_790 = arith.select %lt3A_789, %get3A_782, %select_n3A_767 : vector<256x128xi1>, vector<256x128xf32>
    %select_n3A_791 = arith.select %lt3A_788, %select_n3A_771, %select_n3A_790 : vector<256x128xi1>, vector<256x128xf32>
    %select_n3A_792 = arith.select %lt3A_789, %add3A_785, %select_n3A_769 : vector<256x128xi1>, vector<256x128xi32>
    %select_n3A_793 = arith.select %lt3A_788, %select_n3A_773, %select_n3A_792 : vector<256x128xi1>, vector<256x128xi32>
    %select_n3A_794 = arith.select %lt3A_788, %get3A_782, %select_n3A_771 : vector<256x128xi1>, vector<256x128xf32>
    %select_n3A_795 = arith.select %lt3A_787, %select_n3A_775, %select_n3A_794 : vector<256x128xi1>, vector<256x128xf32>
    %select_n3A_796 = arith.select %lt3A_788, %add3A_785, %select_n3A_773 : vector<256x128xi1>, vector<256x128xi32>
    %select_n3A_797 = arith.select %lt3A_787, %select_n3A_777, %select_n3A_796 : vector<256x128xi1>, vector<256x128xi32>
    %select_n3A_798 = arith.select %lt3A_787, %get3A_782, %select_n3A_775 : vector<256x128xi1>, vector<256x128xf32>
    %select_n3A_799 = arith.select %lt3A_786, %select_n3A_778, %select_n3A_798 : vector<256x128xi1>, vector<256x128xf32>
    %select_n3A_800 = arith.select %lt3A_787, %add3A_785, %select_n3A_777 : vector<256x128xi1>, vector<256x128xi32>
    %select_n3A_801 = arith.select %lt3A_786, %select_n3A_779, %select_n3A_800 : vector<256x128xi1>, vector<256x128xi32>
    %select_n3A_802 = arith.select %lt3A_786, %get3A_782, %select_n3A_778 : vector<256x128xi1>, vector<256x128xf32>
    %select_n3A_803 = arith.select %lt3A_786, %add3A_785, %select_n3A_779 : vector<256x128xi1>, vector<256x128xi32>
    %get3A_804 = arith.index_cast %mul3A_211 : i32 to index
    %get3A_805 = arith.constant 3072 : index
    %get3A_806 = vector.load %arg5[%get3A_804, %get3A_805] : memref<256x5120xf32, #tpu.memory_space<vmem>>, vector<256x128xf32>
    %add3A_807 = arith.constant 3072 : i32
    %add3A_808 = vector.broadcast %add3A_807 : i32 to vector<256x128xi32>
    %add3A_809 = arith.addi %iota3A_212, %add3A_808 : vector<256x128xi32>
    %lt3A_810 = arith.cmpf olt, %get3A_806, %select_n3A_802 : vector<256x128xf32>
    %lt3A_811 = arith.cmpf olt, %get3A_806, %select_n3A_799 : vector<256x128xf32>
    %lt3A_812 = arith.cmpf olt, %get3A_806, %select_n3A_795 : vector<256x128xf32>
    %lt3A_813 = arith.cmpf olt, %get3A_806, %select_n3A_791 : vector<256x128xf32>
    %select_n3A_814 = arith.select %lt3A_813, %get3A_806, %select_n3A_791 : vector<256x128xi1>, vector<256x128xf32>
    %select_n3A_815 = arith.select %lt3A_812, %select_n3A_795, %select_n3A_814 : vector<256x128xi1>, vector<256x128xf32>
    %select_n3A_816 = arith.select %lt3A_813, %add3A_809, %select_n3A_793 : vector<256x128xi1>, vector<256x128xi32>
    %select_n3A_817 = arith.select %lt3A_812, %select_n3A_797, %select_n3A_816 : vector<256x128xi1>, vector<256x128xi32>
    %select_n3A_818 = arith.select %lt3A_812, %get3A_806, %select_n3A_795 : vector<256x128xi1>, vector<256x128xf32>
    %select_n3A_819 = arith.select %lt3A_811, %select_n3A_799, %select_n3A_818 : vector<256x128xi1>, vector<256x128xf32>
    %select_n3A_820 = arith.select %lt3A_812, %add3A_809, %select_n3A_797 : vector<256x128xi1>, vector<256x128xi32>
    %select_n3A_821 = arith.select %lt3A_811, %select_n3A_801, %select_n3A_820 : vector<256x128xi1>, vector<256x128xi32>
    %select_n3A_822 = arith.select %lt3A_811, %get3A_806, %select_n3A_799 : vector<256x128xi1>, vector<256x128xf32>
    %select_n3A_823 = arith.select %lt3A_810, %select_n3A_802, %select_n3A_822 : vector<256x128xi1>, vector<256x128xf32>
    %select_n3A_824 = arith.select %lt3A_811, %add3A_809, %select_n3A_801 : vector<256x128xi1>, vector<256x128xi32>
    %select_n3A_825 = arith.select %lt3A_810, %select_n3A_803, %select_n3A_824 : vector<256x128xi1>, vector<256x128xi32>
    %select_n3A_826 = arith.select %lt3A_810, %get3A_806, %select_n3A_802 : vector<256x128xi1>, vector<256x128xf32>
    %select_n3A_827 = arith.select %lt3A_810, %add3A_809, %select_n3A_803 : vector<256x128xi1>, vector<256x128xi32>
    %get3A_828 = arith.index_cast %mul3A_211 : i32 to index
    %get3A_829 = arith.constant 3200 : index
    %get3A_830 = vector.load %arg5[%get3A_828, %get3A_829] : memref<256x5120xf32, #tpu.memory_space<vmem>>, vector<256x128xf32>
    %add3A_831 = arith.constant 3200 : i32
    %add3A_832 = vector.broadcast %add3A_831 : i32 to vector<256x128xi32>
    %add3A_833 = arith.addi %iota3A_212, %add3A_832 : vector<256x128xi32>
    %lt3A_834 = arith.cmpf olt, %get3A_830, %select_n3A_826 : vector<256x128xf32>
    %lt3A_835 = arith.cmpf olt, %get3A_830, %select_n3A_823 : vector<256x128xf32>
    %lt3A_836 = arith.cmpf olt, %get3A_830, %select_n3A_819 : vector<256x128xf32>
    %lt3A_837 = arith.cmpf olt, %get3A_830, %select_n3A_815 : vector<256x128xf32>
    %select_n3A_838 = arith.select %lt3A_837, %get3A_830, %select_n3A_815 : vector<256x128xi1>, vector<256x128xf32>
    %select_n3A_839 = arith.select %lt3A_836, %select_n3A_819, %select_n3A_838 : vector<256x128xi1>, vector<256x128xf32>
    %select_n3A_840 = arith.select %lt3A_837, %add3A_833, %select_n3A_817 : vector<256x128xi1>, vector<256x128xi32>
    %select_n3A_841 = arith.select %lt3A_836, %select_n3A_821, %select_n3A_840 : vector<256x128xi1>, vector<256x128xi32>
    %select_n3A_842 = arith.select %lt3A_836, %get3A_830, %select_n3A_819 : vector<256x128xi1>, vector<256x128xf32>
    %select_n3A_843 = arith.select %lt3A_835, %select_n3A_823, %select_n3A_842 : vector<256x128xi1>, vector<256x128xf32>
    %select_n3A_844 = arith.select %lt3A_836, %add3A_833, %select_n3A_821 : vector<256x128xi1>, vector<256x128xi32>
    %select_n3A_845 = arith.select %lt3A_835, %select_n3A_825, %select_n3A_844 : vector<256x128xi1>, vector<256x128xi32>
    %select_n3A_846 = arith.select %lt3A_835, %get3A_830, %select_n3A_823 : vector<256x128xi1>, vector<256x128xf32>
    %select_n3A_847 = arith.select %lt3A_834, %select_n3A_826, %select_n3A_846 : vector<256x128xi1>, vector<256x128xf32>
    %select_n3A_848 = arith.select %lt3A_835, %add3A_833, %select_n3A_825 : vector<256x128xi1>, vector<256x128xi32>
    %select_n3A_849 = arith.select %lt3A_834, %select_n3A_827, %select_n3A_848 : vector<256x128xi1>, vector<256x128xi32>
    %select_n3A_850 = arith.select %lt3A_834, %get3A_830, %select_n3A_826 : vector<256x128xi1>, vector<256x128xf32>
    %select_n3A_851 = arith.select %lt3A_834, %add3A_833, %select_n3A_827 : vector<256x128xi1>, vector<256x128xi32>
    %get3A_852 = arith.index_cast %mul3A_211 : i32 to index
    %get3A_853 = arith.constant 3328 : index
    %get3A_854 = vector.load %arg5[%get3A_852, %get3A_853] : memref<256x5120xf32, #tpu.memory_space<vmem>>, vector<256x128xf32>
    %add3A_855 = arith.constant 3328 : i32
    %add3A_856 = vector.broadcast %add3A_855 : i32 to vector<256x128xi32>
    %add3A_857 = arith.addi %iota3A_212, %add3A_856 : vector<256x128xi32>
    %lt3A_858 = arith.cmpf olt, %get3A_854, %select_n3A_850 : vector<256x128xf32>
    %lt3A_859 = arith.cmpf olt, %get3A_854, %select_n3A_847 : vector<256x128xf32>
    %lt3A_860 = arith.cmpf olt, %get3A_854, %select_n3A_843 : vector<256x128xf32>
    %lt3A_861 = arith.cmpf olt, %get3A_854, %select_n3A_839 : vector<256x128xf32>
    %select_n3A_862 = arith.select %lt3A_861, %get3A_854, %select_n3A_839 : vector<256x128xi1>, vector<256x128xf32>
    %select_n3A_863 = arith.select %lt3A_860, %select_n3A_843, %select_n3A_862 : vector<256x128xi1>, vector<256x128xf32>
    %select_n3A_864 = arith.select %lt3A_861, %add3A_857, %select_n3A_841 : vector<256x128xi1>, vector<256x128xi32>
    %select_n3A_865 = arith.select %lt3A_860, %select_n3A_845, %select_n3A_864 : vector<256x128xi1>, vector<256x128xi32>
    %select_n3A_866 = arith.select %lt3A_860, %get3A_854, %select_n3A_843 : vector<256x128xi1>, vector<256x128xf32>
    %select_n3A_867 = arith.select %lt3A_859, %select_n3A_847, %select_n3A_866 : vector<256x128xi1>, vector<256x128xf32>
    %select_n3A_868 = arith.select %lt3A_860, %add3A_857, %select_n3A_845 : vector<256x128xi1>, vector<256x128xi32>
    %select_n3A_869 = arith.select %lt3A_859, %select_n3A_849, %select_n3A_868 : vector<256x128xi1>, vector<256x128xi32>
    %select_n3A_870 = arith.select %lt3A_859, %get3A_854, %select_n3A_847 : vector<256x128xi1>, vector<256x128xf32>
    %select_n3A_871 = arith.select %lt3A_858, %select_n3A_850, %select_n3A_870 : vector<256x128xi1>, vector<256x128xf32>
    %select_n3A_872 = arith.select %lt3A_859, %add3A_857, %select_n3A_849 : vector<256x128xi1>, vector<256x128xi32>
    %select_n3A_873 = arith.select %lt3A_858, %select_n3A_851, %select_n3A_872 : vector<256x128xi1>, vector<256x128xi32>
    %select_n3A_874 = arith.select %lt3A_858, %get3A_854, %select_n3A_850 : vector<256x128xi1>, vector<256x128xf32>
    %select_n3A_875 = arith.select %lt3A_858, %add3A_857, %select_n3A_851 : vector<256x128xi1>, vector<256x128xi32>
    %get3A_876 = arith.index_cast %mul3A_211 : i32 to index
    %get3A_877 = arith.constant 3456 : index
    %get3A_878 = vector.load %arg5[%get3A_876, %get3A_877] : memref<256x5120xf32, #tpu.memory_space<vmem>>, vector<256x128xf32>
    %add3A_879 = arith.constant 3456 : i32
    %add3A_880 = vector.broadcast %add3A_879 : i32 to vector<256x128xi32>
    %add3A_881 = arith.addi %iota3A_212, %add3A_880 : vector<256x128xi32>
    %lt3A_882 = arith.cmpf olt, %get3A_878, %select_n3A_874 : vector<256x128xf32>
    %lt3A_883 = arith.cmpf olt, %get3A_878, %select_n3A_871 : vector<256x128xf32>
    %lt3A_884 = arith.cmpf olt, %get3A_878, %select_n3A_867 : vector<256x128xf32>
    %lt3A_885 = arith.cmpf olt, %get3A_878, %select_n3A_863 : vector<256x128xf32>
    %select_n3A_886 = arith.select %lt3A_885, %get3A_878, %select_n3A_863 : vector<256x128xi1>, vector<256x128xf32>
    %select_n3A_887 = arith.select %lt3A_884, %select_n3A_867, %select_n3A_886 : vector<256x128xi1>, vector<256x128xf32>
    %select_n3A_888 = arith.select %lt3A_885, %add3A_881, %select_n3A_865 : vector<256x128xi1>, vector<256x128xi32>
    %select_n3A_889 = arith.select %lt3A_884, %select_n3A_869, %select_n3A_888 : vector<256x128xi1>, vector<256x128xi32>
    %select_n3A_890 = arith.select %lt3A_884, %get3A_878, %select_n3A_867 : vector<256x128xi1>, vector<256x128xf32>
    %select_n3A_891 = arith.select %lt3A_883, %select_n3A_871, %select_n3A_890 : vector<256x128xi1>, vector<256x128xf32>
    %select_n3A_892 = arith.select %lt3A_884, %add3A_881, %select_n3A_869 : vector<256x128xi1>, vector<256x128xi32>
    %select_n3A_893 = arith.select %lt3A_883, %select_n3A_873, %select_n3A_892 : vector<256x128xi1>, vector<256x128xi32>
    %select_n3A_894 = arith.select %lt3A_883, %get3A_878, %select_n3A_871 : vector<256x128xi1>, vector<256x128xf32>
    %select_n3A_895 = arith.select %lt3A_882, %select_n3A_874, %select_n3A_894 : vector<256x128xi1>, vector<256x128xf32>
    %select_n3A_896 = arith.select %lt3A_883, %add3A_881, %select_n3A_873 : vector<256x128xi1>, vector<256x128xi32>
    %select_n3A_897 = arith.select %lt3A_882, %select_n3A_875, %select_n3A_896 : vector<256x128xi1>, vector<256x128xi32>
    %select_n3A_898 = arith.select %lt3A_882, %get3A_878, %select_n3A_874 : vector<256x128xi1>, vector<256x128xf32>
    %select_n3A_899 = arith.select %lt3A_882, %add3A_881, %select_n3A_875 : vector<256x128xi1>, vector<256x128xi32>
    %get3A_900 = arith.index_cast %mul3A_211 : i32 to index
    %get3A_901 = arith.constant 3584 : index
    %get3A_902 = vector.load %arg5[%get3A_900, %get3A_901] : memref<256x5120xf32, #tpu.memory_space<vmem>>, vector<256x128xf32>
    %add3A_903 = arith.constant 3584 : i32
    %add3A_904 = vector.broadcast %add3A_903 : i32 to vector<256x128xi32>
    %add3A_905 = arith.addi %iota3A_212, %add3A_904 : vector<256x128xi32>
    %lt3A_906 = arith.cmpf olt, %get3A_902, %select_n3A_898 : vector<256x128xf32>
    %lt3A_907 = arith.cmpf olt, %get3A_902, %select_n3A_895 : vector<256x128xf32>
    %lt3A_908 = arith.cmpf olt, %get3A_902, %select_n3A_891 : vector<256x128xf32>
    %lt3A_909 = arith.cmpf olt, %get3A_902, %select_n3A_887 : vector<256x128xf32>
    %select_n3A_910 = arith.select %lt3A_909, %get3A_902, %select_n3A_887 : vector<256x128xi1>, vector<256x128xf32>
    %select_n3A_911 = arith.select %lt3A_908, %select_n3A_891, %select_n3A_910 : vector<256x128xi1>, vector<256x128xf32>
    %select_n3A_912 = arith.select %lt3A_909, %add3A_905, %select_n3A_889 : vector<256x128xi1>, vector<256x128xi32>
    %select_n3A_913 = arith.select %lt3A_908, %select_n3A_893, %select_n3A_912 : vector<256x128xi1>, vector<256x128xi32>
    %select_n3A_914 = arith.select %lt3A_908, %get3A_902, %select_n3A_891 : vector<256x128xi1>, vector<256x128xf32>
    %select_n3A_915 = arith.select %lt3A_907, %select_n3A_895, %select_n3A_914 : vector<256x128xi1>, vector<256x128xf32>
    %select_n3A_916 = arith.select %lt3A_908, %add3A_905, %select_n3A_893 : vector<256x128xi1>, vector<256x128xi32>
    %select_n3A_917 = arith.select %lt3A_907, %select_n3A_897, %select_n3A_916 : vector<256x128xi1>, vector<256x128xi32>
    %select_n3A_918 = arith.select %lt3A_907, %get3A_902, %select_n3A_895 : vector<256x128xi1>, vector<256x128xf32>
    %select_n3A_919 = arith.select %lt3A_906, %select_n3A_898, %select_n3A_918 : vector<256x128xi1>, vector<256x128xf32>
    %select_n3A_920 = arith.select %lt3A_907, %add3A_905, %select_n3A_897 : vector<256x128xi1>, vector<256x128xi32>
    %select_n3A_921 = arith.select %lt3A_906, %select_n3A_899, %select_n3A_920 : vector<256x128xi1>, vector<256x128xi32>
    %select_n3A_922 = arith.select %lt3A_906, %get3A_902, %select_n3A_898 : vector<256x128xi1>, vector<256x128xf32>
    %select_n3A_923 = arith.select %lt3A_906, %add3A_905, %select_n3A_899 : vector<256x128xi1>, vector<256x128xi32>
    %get3A_924 = arith.index_cast %mul3A_211 : i32 to index
    %get3A_925 = arith.constant 3712 : index
    %get3A_926 = vector.load %arg5[%get3A_924, %get3A_925] : memref<256x5120xf32, #tpu.memory_space<vmem>>, vector<256x128xf32>
    %add3A_927 = arith.constant 3712 : i32
    %add3A_928 = vector.broadcast %add3A_927 : i32 to vector<256x128xi32>
    %add3A_929 = arith.addi %iota3A_212, %add3A_928 : vector<256x128xi32>
    %lt3A_930 = arith.cmpf olt, %get3A_926, %select_n3A_922 : vector<256x128xf32>
    %lt3A_931 = arith.cmpf olt, %get3A_926, %select_n3A_919 : vector<256x128xf32>
    %lt3A_932 = arith.cmpf olt, %get3A_926, %select_n3A_915 : vector<256x128xf32>
    %lt3A_933 = arith.cmpf olt, %get3A_926, %select_n3A_911 : vector<256x128xf32>
    %select_n3A_934 = arith.select %lt3A_933, %get3A_926, %select_n3A_911 : vector<256x128xi1>, vector<256x128xf32>
    %select_n3A_935 = arith.select %lt3A_932, %select_n3A_915, %select_n3A_934 : vector<256x128xi1>, vector<256x128xf32>
    %select_n3A_936 = arith.select %lt3A_933, %add3A_929, %select_n3A_913 : vector<256x128xi1>, vector<256x128xi32>
    %select_n3A_937 = arith.select %lt3A_932, %select_n3A_917, %select_n3A_936 : vector<256x128xi1>, vector<256x128xi32>
    %select_n3A_938 = arith.select %lt3A_932, %get3A_926, %select_n3A_915 : vector<256x128xi1>, vector<256x128xf32>
    %select_n3A_939 = arith.select %lt3A_931, %select_n3A_919, %select_n3A_938 : vector<256x128xi1>, vector<256x128xf32>
    %select_n3A_940 = arith.select %lt3A_932, %add3A_929, %select_n3A_917 : vector<256x128xi1>, vector<256x128xi32>
    %select_n3A_941 = arith.select %lt3A_931, %select_n3A_921, %select_n3A_940 : vector<256x128xi1>, vector<256x128xi32>
    %select_n3A_942 = arith.select %lt3A_931, %get3A_926, %select_n3A_919 : vector<256x128xi1>, vector<256x128xf32>
    %select_n3A_943 = arith.select %lt3A_930, %select_n3A_922, %select_n3A_942 : vector<256x128xi1>, vector<256x128xf32>
    %select_n3A_944 = arith.select %lt3A_931, %add3A_929, %select_n3A_921 : vector<256x128xi1>, vector<256x128xi32>
    %select_n3A_945 = arith.select %lt3A_930, %select_n3A_923, %select_n3A_944 : vector<256x128xi1>, vector<256x128xi32>
    %select_n3A_946 = arith.select %lt3A_930, %get3A_926, %select_n3A_922 : vector<256x128xi1>, vector<256x128xf32>
    %select_n3A_947 = arith.select %lt3A_930, %add3A_929, %select_n3A_923 : vector<256x128xi1>, vector<256x128xi32>
    %get3A_948 = arith.index_cast %mul3A_211 : i32 to index
    %get3A_949 = arith.constant 3840 : index
    %get3A_950 = vector.load %arg5[%get3A_948, %get3A_949] : memref<256x5120xf32, #tpu.memory_space<vmem>>, vector<256x128xf32>
    %add3A_951 = arith.constant 3840 : i32
    %add3A_952 = vector.broadcast %add3A_951 : i32 to vector<256x128xi32>
    %add3A_953 = arith.addi %iota3A_212, %add3A_952 : vector<256x128xi32>
    %lt3A_954 = arith.cmpf olt, %get3A_950, %select_n3A_946 : vector<256x128xf32>
    %lt3A_955 = arith.cmpf olt, %get3A_950, %select_n3A_943 : vector<256x128xf32>
    %lt3A_956 = arith.cmpf olt, %get3A_950, %select_n3A_939 : vector<256x128xf32>
    %lt3A_957 = arith.cmpf olt, %get3A_950, %select_n3A_935 : vector<256x128xf32>
    %select_n3A_958 = arith.select %lt3A_957, %get3A_950, %select_n3A_935 : vector<256x128xi1>, vector<256x128xf32>
    %select_n3A_959 = arith.select %lt3A_956, %select_n3A_939, %select_n3A_958 : vector<256x128xi1>, vector<256x128xf32>
    %select_n3A_960 = arith.select %lt3A_957, %add3A_953, %select_n3A_937 : vector<256x128xi1>, vector<256x128xi32>
    %select_n3A_961 = arith.select %lt3A_956, %select_n3A_941, %select_n3A_960 : vector<256x128xi1>, vector<256x128xi32>
    %select_n3A_962 = arith.select %lt3A_956, %get3A_950, %select_n3A_939 : vector<256x128xi1>, vector<256x128xf32>
    %select_n3A_963 = arith.select %lt3A_955, %select_n3A_943, %select_n3A_962 : vector<256x128xi1>, vector<256x128xf32>
    %select_n3A_964 = arith.select %lt3A_956, %add3A_953, %select_n3A_941 : vector<256x128xi1>, vector<256x128xi32>
    %select_n3A_965 = arith.select %lt3A_955, %select_n3A_945, %select_n3A_964 : vector<256x128xi1>, vector<256x128xi32>
    %select_n3A_966 = arith.select %lt3A_955, %get3A_950, %select_n3A_943 : vector<256x128xi1>, vector<256x128xf32>
    %select_n3A_967 = arith.select %lt3A_954, %select_n3A_946, %select_n3A_966 : vector<256x128xi1>, vector<256x128xf32>
    %select_n3A_968 = arith.select %lt3A_955, %add3A_953, %select_n3A_945 : vector<256x128xi1>, vector<256x128xi32>
    %select_n3A_969 = arith.select %lt3A_954, %select_n3A_947, %select_n3A_968 : vector<256x128xi1>, vector<256x128xi32>
    %select_n3A_970 = arith.select %lt3A_954, %get3A_950, %select_n3A_946 : vector<256x128xi1>, vector<256x128xf32>
    %select_n3A_971 = arith.select %lt3A_954, %add3A_953, %select_n3A_947 : vector<256x128xi1>, vector<256x128xi32>
    %get3A_972 = arith.index_cast %mul3A_211 : i32 to index
    %get3A_973 = arith.constant 3968 : index
    %get3A_974 = vector.load %arg5[%get3A_972, %get3A_973] : memref<256x5120xf32, #tpu.memory_space<vmem>>, vector<256x128xf32>
    %add3A_975 = arith.constant 3968 : i32
    %add3A_976 = vector.broadcast %add3A_975 : i32 to vector<256x128xi32>
    %add3A_977 = arith.addi %iota3A_212, %add3A_976 : vector<256x128xi32>
    %lt3A_978 = arith.cmpf olt, %get3A_974, %select_n3A_970 : vector<256x128xf32>
    %lt3A_979 = arith.cmpf olt, %get3A_974, %select_n3A_967 : vector<256x128xf32>
    %lt3A_980 = arith.cmpf olt, %get3A_974, %select_n3A_963 : vector<256x128xf32>
    %lt3A_981 = arith.cmpf olt, %get3A_974, %select_n3A_959 : vector<256x128xf32>
    %select_n3A_982 = arith.select %lt3A_981, %get3A_974, %select_n3A_959 : vector<256x128xi1>, vector<256x128xf32>
    %select_n3A_983 = arith.select %lt3A_980, %select_n3A_963, %select_n3A_982 : vector<256x128xi1>, vector<256x128xf32>
    %select_n3A_984 = arith.select %lt3A_981, %add3A_977, %select_n3A_961 : vector<256x128xi1>, vector<256x128xi32>
    %select_n3A_985 = arith.select %lt3A_980, %select_n3A_965, %select_n3A_984 : vector<256x128xi1>, vector<256x128xi32>
    %select_n3A_986 = arith.select %lt3A_980, %get3A_974, %select_n3A_963 : vector<256x128xi1>, vector<256x128xf32>
    %select_n3A_987 = arith.select %lt3A_979, %select_n3A_967, %select_n3A_986 : vector<256x128xi1>, vector<256x128xf32>
    %select_n3A_988 = arith.select %lt3A_980, %add3A_977, %select_n3A_965 : vector<256x128xi1>, vector<256x128xi32>
    %select_n3A_989 = arith.select %lt3A_979, %select_n3A_969, %select_n3A_988 : vector<256x128xi1>, vector<256x128xi32>
    %select_n3A_990 = arith.select %lt3A_979, %get3A_974, %select_n3A_967 : vector<256x128xi1>, vector<256x128xf32>
    %select_n3A_991 = arith.select %lt3A_978, %select_n3A_970, %select_n3A_990 : vector<256x128xi1>, vector<256x128xf32>
    %select_n3A_992 = arith.select %lt3A_979, %add3A_977, %select_n3A_969 : vector<256x128xi1>, vector<256x128xi32>
    %select_n3A_993 = arith.select %lt3A_978, %select_n3A_971, %select_n3A_992 : vector<256x128xi1>, vector<256x128xi32>
    %select_n3A_994 = arith.select %lt3A_978, %get3A_974, %select_n3A_970 : vector<256x128xi1>, vector<256x128xf32>
    %select_n3A_995 = arith.select %lt3A_978, %add3A_977, %select_n3A_971 : vector<256x128xi1>, vector<256x128xi32>
    %get3A_996 = arith.index_cast %mul3A_211 : i32 to index
    %get3A_997 = arith.constant 4096 : index
    %get3A_998 = vector.load %arg5[%get3A_996, %get3A_997] : memref<256x5120xf32, #tpu.memory_space<vmem>>, vector<256x128xf32>
    %add3A_999 = arith.constant 4096 : i32
    %add3A_1000 = vector.broadcast %add3A_999 : i32 to vector<256x128xi32>
    %add3A_1001 = arith.addi %iota3A_212, %add3A_1000 : vector<256x128xi32>
    %lt3A_1002 = arith.cmpf olt, %get3A_998, %select_n3A_994 : vector<256x128xf32>
    %lt3A_1003 = arith.cmpf olt, %get3A_998, %select_n3A_991 : vector<256x128xf32>
    %lt3A_1004 = arith.cmpf olt, %get3A_998, %select_n3A_987 : vector<256x128xf32>
    %lt3A_1005 = arith.cmpf olt, %get3A_998, %select_n3A_983 : vector<256x128xf32>
    %select_n3A_1006 = arith.select %lt3A_1005, %get3A_998, %select_n3A_983 : vector<256x128xi1>, vector<256x128xf32>
    %select_n3A_1007 = arith.select %lt3A_1004, %select_n3A_987, %select_n3A_1006 : vector<256x128xi1>, vector<256x128xf32>
    %select_n3A_1008 = arith.select %lt3A_1005, %add3A_1001, %select_n3A_985 : vector<256x128xi1>, vector<256x128xi32>
    %select_n3A_1009 = arith.select %lt3A_1004, %select_n3A_989, %select_n3A_1008 : vector<256x128xi1>, vector<256x128xi32>
    %select_n3A_1010 = arith.select %lt3A_1004, %get3A_998, %select_n3A_987 : vector<256x128xi1>, vector<256x128xf32>
    %select_n3A_1011 = arith.select %lt3A_1003, %select_n3A_991, %select_n3A_1010 : vector<256x128xi1>, vector<256x128xf32>
    %select_n3A_1012 = arith.select %lt3A_1004, %add3A_1001, %select_n3A_989 : vector<256x128xi1>, vector<256x128xi32>
    %select_n3A_1013 = arith.select %lt3A_1003, %select_n3A_993, %select_n3A_1012 : vector<256x128xi1>, vector<256x128xi32>
    %select_n3A_1014 = arith.select %lt3A_1003, %get3A_998, %select_n3A_991 : vector<256x128xi1>, vector<256x128xf32>
    %select_n3A_1015 = arith.select %lt3A_1002, %select_n3A_994, %select_n3A_1014 : vector<256x128xi1>, vector<256x128xf32>
    %select_n3A_1016 = arith.select %lt3A_1003, %add3A_1001, %select_n3A_993 : vector<256x128xi1>, vector<256x128xi32>
    %select_n3A_1017 = arith.select %lt3A_1002, %select_n3A_995, %select_n3A_1016 : vector<256x128xi1>, vector<256x128xi32>
    %select_n3A_1018 = arith.select %lt3A_1002, %get3A_998, %select_n3A_994 : vector<256x128xi1>, vector<256x128xf32>
    %select_n3A_1019 = arith.select %lt3A_1002, %add3A_1001, %select_n3A_995 : vector<256x128xi1>, vector<256x128xi32>
    %get3A_1020 = arith.index_cast %mul3A_211 : i32 to index
    %get3A_1021 = arith.constant 4224 : index
    %get3A_1022 = vector.load %arg5[%get3A_1020, %get3A_1021] : memref<256x5120xf32, #tpu.memory_space<vmem>>, vector<256x128xf32>
    %add3A_1023 = arith.constant 4224 : i32
    %add3A_1024 = vector.broadcast %add3A_1023 : i32 to vector<256x128xi32>
    %add3A_1025 = arith.addi %iota3A_212, %add3A_1024 : vector<256x128xi32>
    %lt3A_1026 = arith.cmpf olt, %get3A_1022, %select_n3A_1018 : vector<256x128xf32>
    %lt3A_1027 = arith.cmpf olt, %get3A_1022, %select_n3A_1015 : vector<256x128xf32>
    %lt3A_1028 = arith.cmpf olt, %get3A_1022, %select_n3A_1011 : vector<256x128xf32>
    %lt3A_1029 = arith.cmpf olt, %get3A_1022, %select_n3A_1007 : vector<256x128xf32>
    %select_n3A_1030 = arith.select %lt3A_1029, %get3A_1022, %select_n3A_1007 : vector<256x128xi1>, vector<256x128xf32>
    %select_n3A_1031 = arith.select %lt3A_1028, %select_n3A_1011, %select_n3A_1030 : vector<256x128xi1>, vector<256x128xf32>
    %select_n3A_1032 = arith.select %lt3A_1029, %add3A_1025, %select_n3A_1009 : vector<256x128xi1>, vector<256x128xi32>
    %select_n3A_1033 = arith.select %lt3A_1028, %select_n3A_1013, %select_n3A_1032 : vector<256x128xi1>, vector<256x128xi32>
    %select_n3A_1034 = arith.select %lt3A_1028, %get3A_1022, %select_n3A_1011 : vector<256x128xi1>, vector<256x128xf32>
    %select_n3A_1035 = arith.select %lt3A_1027, %select_n3A_1015, %select_n3A_1034 : vector<256x128xi1>, vector<256x128xf32>
    %select_n3A_1036 = arith.select %lt3A_1028, %add3A_1025, %select_n3A_1013 : vector<256x128xi1>, vector<256x128xi32>
    %select_n3A_1037 = arith.select %lt3A_1027, %select_n3A_1017, %select_n3A_1036 : vector<256x128xi1>, vector<256x128xi32>
    %select_n3A_1038 = arith.select %lt3A_1027, %get3A_1022, %select_n3A_1015 : vector<256x128xi1>, vector<256x128xf32>
    %select_n3A_1039 = arith.select %lt3A_1026, %select_n3A_1018, %select_n3A_1038 : vector<256x128xi1>, vector<256x128xf32>
    %select_n3A_1040 = arith.select %lt3A_1027, %add3A_1025, %select_n3A_1017 : vector<256x128xi1>, vector<256x128xi32>
    %select_n3A_1041 = arith.select %lt3A_1026, %select_n3A_1019, %select_n3A_1040 : vector<256x128xi1>, vector<256x128xi32>
    %select_n3A_1042 = arith.select %lt3A_1026, %get3A_1022, %select_n3A_1018 : vector<256x128xi1>, vector<256x128xf32>
    %select_n3A_1043 = arith.select %lt3A_1026, %add3A_1025, %select_n3A_1019 : vector<256x128xi1>, vector<256x128xi32>
    %get3A_1044 = arith.index_cast %mul3A_211 : i32 to index
    %get3A_1045 = arith.constant 4352 : index
    %get3A_1046 = vector.load %arg5[%get3A_1044, %get3A_1045] : memref<256x5120xf32, #tpu.memory_space<vmem>>, vector<256x128xf32>
    %add3A_1047 = arith.constant 4352 : i32
    %add3A_1048 = vector.broadcast %add3A_1047 : i32 to vector<256x128xi32>
    %add3A_1049 = arith.addi %iota3A_212, %add3A_1048 : vector<256x128xi32>
    %lt3A_1050 = arith.cmpf olt, %get3A_1046, %select_n3A_1042 : vector<256x128xf32>
    %lt3A_1051 = arith.cmpf olt, %get3A_1046, %select_n3A_1039 : vector<256x128xf32>
    %lt3A_1052 = arith.cmpf olt, %get3A_1046, %select_n3A_1035 : vector<256x128xf32>
    %lt3A_1053 = arith.cmpf olt, %get3A_1046, %select_n3A_1031 : vector<256x128xf32>
    %select_n3A_1054 = arith.select %lt3A_1053, %get3A_1046, %select_n3A_1031 : vector<256x128xi1>, vector<256x128xf32>
    %select_n3A_1055 = arith.select %lt3A_1052, %select_n3A_1035, %select_n3A_1054 : vector<256x128xi1>, vector<256x128xf32>
    %select_n3A_1056 = arith.select %lt3A_1053, %add3A_1049, %select_n3A_1033 : vector<256x128xi1>, vector<256x128xi32>
    %select_n3A_1057 = arith.select %lt3A_1052, %select_n3A_1037, %select_n3A_1056 : vector<256x128xi1>, vector<256x128xi32>
    %select_n3A_1058 = arith.select %lt3A_1052, %get3A_1046, %select_n3A_1035 : vector<256x128xi1>, vector<256x128xf32>
    %select_n3A_1059 = arith.select %lt3A_1051, %select_n3A_1039, %select_n3A_1058 : vector<256x128xi1>, vector<256x128xf32>
    %select_n3A_1060 = arith.select %lt3A_1052, %add3A_1049, %select_n3A_1037 : vector<256x128xi1>, vector<256x128xi32>
    %select_n3A_1061 = arith.select %lt3A_1051, %select_n3A_1041, %select_n3A_1060 : vector<256x128xi1>, vector<256x128xi32>
    %select_n3A_1062 = arith.select %lt3A_1051, %get3A_1046, %select_n3A_1039 : vector<256x128xi1>, vector<256x128xf32>
    %select_n3A_1063 = arith.select %lt3A_1050, %select_n3A_1042, %select_n3A_1062 : vector<256x128xi1>, vector<256x128xf32>
    %select_n3A_1064 = arith.select %lt3A_1051, %add3A_1049, %select_n3A_1041 : vector<256x128xi1>, vector<256x128xi32>
    %select_n3A_1065 = arith.select %lt3A_1050, %select_n3A_1043, %select_n3A_1064 : vector<256x128xi1>, vector<256x128xi32>
    %select_n3A_1066 = arith.select %lt3A_1050, %get3A_1046, %select_n3A_1042 : vector<256x128xi1>, vector<256x128xf32>
    %select_n3A_1067 = arith.select %lt3A_1050, %add3A_1049, %select_n3A_1043 : vector<256x128xi1>, vector<256x128xi32>
    %get3A_1068 = arith.index_cast %mul3A_211 : i32 to index
    %get3A_1069 = arith.constant 4480 : index
    %get3A_1070 = vector.load %arg5[%get3A_1068, %get3A_1069] : memref<256x5120xf32, #tpu.memory_space<vmem>>, vector<256x128xf32>
    %add3A_1071 = arith.constant 4480 : i32
    %add3A_1072 = vector.broadcast %add3A_1071 : i32 to vector<256x128xi32>
    %add3A_1073 = arith.addi %iota3A_212, %add3A_1072 : vector<256x128xi32>
    %lt3A_1074 = arith.cmpf olt, %get3A_1070, %select_n3A_1066 : vector<256x128xf32>
    %lt3A_1075 = arith.cmpf olt, %get3A_1070, %select_n3A_1063 : vector<256x128xf32>
    %lt3A_1076 = arith.cmpf olt, %get3A_1070, %select_n3A_1059 : vector<256x128xf32>
    %lt3A_1077 = arith.cmpf olt, %get3A_1070, %select_n3A_1055 : vector<256x128xf32>
    %select_n3A_1078 = arith.select %lt3A_1077, %get3A_1070, %select_n3A_1055 : vector<256x128xi1>, vector<256x128xf32>
    %select_n3A_1079 = arith.select %lt3A_1076, %select_n3A_1059, %select_n3A_1078 : vector<256x128xi1>, vector<256x128xf32>
    %select_n3A_1080 = arith.select %lt3A_1077, %add3A_1073, %select_n3A_1057 : vector<256x128xi1>, vector<256x128xi32>
    %select_n3A_1081 = arith.select %lt3A_1076, %select_n3A_1061, %select_n3A_1080 : vector<256x128xi1>, vector<256x128xi32>
    %select_n3A_1082 = arith.select %lt3A_1076, %get3A_1070, %select_n3A_1059 : vector<256x128xi1>, vector<256x128xf32>
    %select_n3A_1083 = arith.select %lt3A_1075, %select_n3A_1063, %select_n3A_1082 : vector<256x128xi1>, vector<256x128xf32>
    %select_n3A_1084 = arith.select %lt3A_1076, %add3A_1073, %select_n3A_1061 : vector<256x128xi1>, vector<256x128xi32>
    %select_n3A_1085 = arith.select %lt3A_1075, %select_n3A_1065, %select_n3A_1084 : vector<256x128xi1>, vector<256x128xi32>
    %select_n3A_1086 = arith.select %lt3A_1075, %get3A_1070, %select_n3A_1063 : vector<256x128xi1>, vector<256x128xf32>
    %select_n3A_1087 = arith.select %lt3A_1074, %select_n3A_1066, %select_n3A_1086 : vector<256x128xi1>, vector<256x128xf32>
    %select_n3A_1088 = arith.select %lt3A_1075, %add3A_1073, %select_n3A_1065 : vector<256x128xi1>, vector<256x128xi32>
    %select_n3A_1089 = arith.select %lt3A_1074, %select_n3A_1067, %select_n3A_1088 : vector<256x128xi1>, vector<256x128xi32>
    %select_n3A_1090 = arith.select %lt3A_1074, %get3A_1070, %select_n3A_1066 : vector<256x128xi1>, vector<256x128xf32>
    %select_n3A_1091 = arith.select %lt3A_1074, %add3A_1073, %select_n3A_1067 : vector<256x128xi1>, vector<256x128xi32>
    %get3A_1092 = arith.index_cast %mul3A_211 : i32 to index
    %get3A_1093 = arith.constant 4608 : index
    %get3A_1094 = vector.load %arg5[%get3A_1092, %get3A_1093] : memref<256x5120xf32, #tpu.memory_space<vmem>>, vector<256x128xf32>
    %add3A_1095 = arith.constant 4608 : i32
    %add3A_1096 = vector.broadcast %add3A_1095 : i32 to vector<256x128xi32>
    %add3A_1097 = arith.addi %iota3A_212, %add3A_1096 : vector<256x128xi32>
    %lt3A_1098 = arith.cmpf olt, %get3A_1094, %select_n3A_1090 : vector<256x128xf32>
    %lt3A_1099 = arith.cmpf olt, %get3A_1094, %select_n3A_1087 : vector<256x128xf32>
    %lt3A_1100 = arith.cmpf olt, %get3A_1094, %select_n3A_1083 : vector<256x128xf32>
    %lt3A_1101 = arith.cmpf olt, %get3A_1094, %select_n3A_1079 : vector<256x128xf32>
    %select_n3A_1102 = arith.select %lt3A_1101, %get3A_1094, %select_n3A_1079 : vector<256x128xi1>, vector<256x128xf32>
    %select_n3A_1103 = arith.select %lt3A_1100, %select_n3A_1083, %select_n3A_1102 : vector<256x128xi1>, vector<256x128xf32>
    %select_n3A_1104 = arith.select %lt3A_1101, %add3A_1097, %select_n3A_1081 : vector<256x128xi1>, vector<256x128xi32>
    %select_n3A_1105 = arith.select %lt3A_1100, %select_n3A_1085, %select_n3A_1104 : vector<256x128xi1>, vector<256x128xi32>
    %select_n3A_1106 = arith.select %lt3A_1100, %get3A_1094, %select_n3A_1083 : vector<256x128xi1>, vector<256x128xf32>
    %select_n3A_1107 = arith.select %lt3A_1099, %select_n3A_1087, %select_n3A_1106 : vector<256x128xi1>, vector<256x128xf32>
    %select_n3A_1108 = arith.select %lt3A_1100, %add3A_1097, %select_n3A_1085 : vector<256x128xi1>, vector<256x128xi32>
    %select_n3A_1109 = arith.select %lt3A_1099, %select_n3A_1089, %select_n3A_1108 : vector<256x128xi1>, vector<256x128xi32>
    %select_n3A_1110 = arith.select %lt3A_1099, %get3A_1094, %select_n3A_1087 : vector<256x128xi1>, vector<256x128xf32>
    %select_n3A_1111 = arith.select %lt3A_1098, %select_n3A_1090, %select_n3A_1110 : vector<256x128xi1>, vector<256x128xf32>
    %select_n3A_1112 = arith.select %lt3A_1099, %add3A_1097, %select_n3A_1089 : vector<256x128xi1>, vector<256x128xi32>
    %select_n3A_1113 = arith.select %lt3A_1098, %select_n3A_1091, %select_n3A_1112 : vector<256x128xi1>, vector<256x128xi32>
    %select_n3A_1114 = arith.select %lt3A_1098, %get3A_1094, %select_n3A_1090 : vector<256x128xi1>, vector<256x128xf32>
    %select_n3A_1115 = arith.select %lt3A_1098, %add3A_1097, %select_n3A_1091 : vector<256x128xi1>, vector<256x128xi32>
    %get3A_1116 = arith.index_cast %mul3A_211 : i32 to index
    %get3A_1117 = arith.constant 4736 : index
    %get3A_1118 = vector.load %arg5[%get3A_1116, %get3A_1117] : memref<256x5120xf32, #tpu.memory_space<vmem>>, vector<256x128xf32>
    %add3A_1119 = arith.constant 4736 : i32
    %add3A_1120 = vector.broadcast %add3A_1119 : i32 to vector<256x128xi32>
    %add3A_1121 = arith.addi %iota3A_212, %add3A_1120 : vector<256x128xi32>
    %lt3A_1122 = arith.cmpf olt, %get3A_1118, %select_n3A_1114 : vector<256x128xf32>
    %lt3A_1123 = arith.cmpf olt, %get3A_1118, %select_n3A_1111 : vector<256x128xf32>
    %lt3A_1124 = arith.cmpf olt, %get3A_1118, %select_n3A_1107 : vector<256x128xf32>
    %lt3A_1125 = arith.cmpf olt, %get3A_1118, %select_n3A_1103 : vector<256x128xf32>
    %select_n3A_1126 = arith.select %lt3A_1125, %get3A_1118, %select_n3A_1103 : vector<256x128xi1>, vector<256x128xf32>
    %select_n3A_1127 = arith.select %lt3A_1124, %select_n3A_1107, %select_n3A_1126 : vector<256x128xi1>, vector<256x128xf32>
    %select_n3A_1128 = arith.select %lt3A_1125, %add3A_1121, %select_n3A_1105 : vector<256x128xi1>, vector<256x128xi32>
    %select_n3A_1129 = arith.select %lt3A_1124, %select_n3A_1109, %select_n3A_1128 : vector<256x128xi1>, vector<256x128xi32>
    %select_n3A_1130 = arith.select %lt3A_1124, %get3A_1118, %select_n3A_1107 : vector<256x128xi1>, vector<256x128xf32>
    %select_n3A_1131 = arith.select %lt3A_1123, %select_n3A_1111, %select_n3A_1130 : vector<256x128xi1>, vector<256x128xf32>
    %select_n3A_1132 = arith.select %lt3A_1124, %add3A_1121, %select_n3A_1109 : vector<256x128xi1>, vector<256x128xi32>
    %select_n3A_1133 = arith.select %lt3A_1123, %select_n3A_1113, %select_n3A_1132 : vector<256x128xi1>, vector<256x128xi32>
    %select_n3A_1134 = arith.select %lt3A_1123, %get3A_1118, %select_n3A_1111 : vector<256x128xi1>, vector<256x128xf32>
    %select_n3A_1135 = arith.select %lt3A_1122, %select_n3A_1114, %select_n3A_1134 : vector<256x128xi1>, vector<256x128xf32>
    %select_n3A_1136 = arith.select %lt3A_1123, %add3A_1121, %select_n3A_1113 : vector<256x128xi1>, vector<256x128xi32>
    %select_n3A_1137 = arith.select %lt3A_1122, %select_n3A_1115, %select_n3A_1136 : vector<256x128xi1>, vector<256x128xi32>
    %select_n3A_1138 = arith.select %lt3A_1122, %get3A_1118, %select_n3A_1114 : vector<256x128xi1>, vector<256x128xf32>
    %select_n3A_1139 = arith.select %lt3A_1122, %add3A_1121, %select_n3A_1115 : vector<256x128xi1>, vector<256x128xi32>
    %get3A_1140 = arith.index_cast %mul3A_211 : i32 to index
    %get3A_1141 = arith.constant 4864 : index
    %get3A_1142 = vector.load %arg5[%get3A_1140, %get3A_1141] : memref<256x5120xf32, #tpu.memory_space<vmem>>, vector<256x128xf32>
    %add3A_1143 = arith.constant 4864 : i32
    %add3A_1144 = vector.broadcast %add3A_1143 : i32 to vector<256x128xi32>
    %add3A_1145 = arith.addi %iota3A_212, %add3A_1144 : vector<256x128xi32>
    %lt3A_1146 = arith.cmpf olt, %get3A_1142, %select_n3A_1138 : vector<256x128xf32>
    %lt3A_1147 = arith.cmpf olt, %get3A_1142, %select_n3A_1135 : vector<256x128xf32>
    %lt3A_1148 = arith.cmpf olt, %get3A_1142, %select_n3A_1131 : vector<256x128xf32>
    %lt3A_1149 = arith.cmpf olt, %get3A_1142, %select_n3A_1127 : vector<256x128xf32>
    %select_n3A_1150 = arith.select %lt3A_1149, %get3A_1142, %select_n3A_1127 : vector<256x128xi1>, vector<256x128xf32>
    %select_n3A_1151 = arith.select %lt3A_1148, %select_n3A_1131, %select_n3A_1150 : vector<256x128xi1>, vector<256x128xf32>
    %select_n3A_1152 = arith.select %lt3A_1149, %add3A_1145, %select_n3A_1129 : vector<256x128xi1>, vector<256x128xi32>
    %select_n3A_1153 = arith.select %lt3A_1148, %select_n3A_1133, %select_n3A_1152 : vector<256x128xi1>, vector<256x128xi32>
    %select_n3A_1154 = arith.select %lt3A_1148, %get3A_1142, %select_n3A_1131 : vector<256x128xi1>, vector<256x128xf32>
    %select_n3A_1155 = arith.select %lt3A_1147, %select_n3A_1135, %select_n3A_1154 : vector<256x128xi1>, vector<256x128xf32>
    %select_n3A_1156 = arith.select %lt3A_1148, %add3A_1145, %select_n3A_1133 : vector<256x128xi1>, vector<256x128xi32>
    %select_n3A_1157 = arith.select %lt3A_1147, %select_n3A_1137, %select_n3A_1156 : vector<256x128xi1>, vector<256x128xi32>
    %select_n3A_1158 = arith.select %lt3A_1147, %get3A_1142, %select_n3A_1135 : vector<256x128xi1>, vector<256x128xf32>
    %select_n3A_1159 = arith.select %lt3A_1146, %select_n3A_1138, %select_n3A_1158 : vector<256x128xi1>, vector<256x128xf32>
    %select_n3A_1160 = arith.select %lt3A_1147, %add3A_1145, %select_n3A_1137 : vector<256x128xi1>, vector<256x128xi32>
    %select_n3A_1161 = arith.select %lt3A_1146, %select_n3A_1139, %select_n3A_1160 : vector<256x128xi1>, vector<256x128xi32>
    %select_n3A_1162 = arith.select %lt3A_1146, %get3A_1142, %select_n3A_1138 : vector<256x128xi1>, vector<256x128xf32>
    %select_n3A_1163 = arith.select %lt3A_1146, %add3A_1145, %select_n3A_1139 : vector<256x128xi1>, vector<256x128xi32>
    %get3A_1164 = arith.index_cast %mul3A_211 : i32 to index
    %get3A_1165 = arith.constant 4992 : index
    %get3A_1166 = vector.load %arg5[%get3A_1164, %get3A_1165] : memref<256x5120xf32, #tpu.memory_space<vmem>>, vector<256x128xf32>
    %add3A_1167 = arith.constant 4992 : i32
    %add3A_1168 = vector.broadcast %add3A_1167 : i32 to vector<256x128xi32>
    %add3A_1169 = arith.addi %iota3A_212, %add3A_1168 : vector<256x128xi32>
    %lt3A_1170 = arith.cmpf olt, %get3A_1166, %select_n3A_1162 : vector<256x128xf32>
    %lt3A_1171 = arith.cmpf olt, %get3A_1166, %select_n3A_1159 : vector<256x128xf32>
    %lt3A_1172 = arith.cmpf olt, %get3A_1166, %select_n3A_1155 : vector<256x128xf32>
    %lt3A_1173 = arith.cmpf olt, %get3A_1166, %select_n3A_1151 : vector<256x128xf32>
    %select_n3A_1174 = arith.select %lt3A_1173, %get3A_1166, %select_n3A_1151 : vector<256x128xi1>, vector<256x128xf32>
    %select_n3A_1175 = arith.select %lt3A_1172, %select_n3A_1155, %select_n3A_1174 : vector<256x128xi1>, vector<256x128xf32>
    %select_n3A_1176 = arith.select %lt3A_1173, %add3A_1169, %select_n3A_1153 : vector<256x128xi1>, vector<256x128xi32>
    %select_n3A_1177 = arith.select %lt3A_1172, %select_n3A_1157, %select_n3A_1176 : vector<256x128xi1>, vector<256x128xi32>
    %select_n3A_1178 = arith.select %lt3A_1172, %get3A_1166, %select_n3A_1155 : vector<256x128xi1>, vector<256x128xf32>
    %select_n3A_1179 = arith.select %lt3A_1171, %select_n3A_1159, %select_n3A_1178 : vector<256x128xi1>, vector<256x128xf32>
    %select_n3A_1180 = arith.select %lt3A_1172, %add3A_1169, %select_n3A_1157 : vector<256x128xi1>, vector<256x128xi32>
    %select_n3A_1181 = arith.select %lt3A_1171, %select_n3A_1161, %select_n3A_1180 : vector<256x128xi1>, vector<256x128xi32>
    %select_n3A_1182 = arith.select %lt3A_1171, %get3A_1166, %select_n3A_1159 : vector<256x128xi1>, vector<256x128xf32>
    %select_n3A_1183 = arith.select %lt3A_1170, %select_n3A_1162, %select_n3A_1182 : vector<256x128xi1>, vector<256x128xf32>
    %select_n3A_1184 = arith.select %lt3A_1171, %add3A_1169, %select_n3A_1161 : vector<256x128xi1>, vector<256x128xi32>
    %select_n3A_1185 = arith.select %lt3A_1170, %select_n3A_1163, %select_n3A_1184 : vector<256x128xi1>, vector<256x128xi32>
    %select_n3A_1186 = arith.select %lt3A_1170, %get3A_1166, %select_n3A_1162 : vector<256x128xi1>, vector<256x128xf32>
    %select_n3A_1187 = arith.select %lt3A_1170, %add3A_1169, %select_n3A_1163 : vector<256x128xi1>, vector<256x128xi32>
    %reduce_min3A = arith.constant dense<0x7F800000> : vector<256xf32>
    %reduce_min3A_1188 = vector.multi_reduction <minimumf>, %select_n3A_1186, %reduce_min3A [1] : vector<256x128xf32> to vector<256xf32>
    %broadcast_in_dim3A_1189 = vector.shape_cast %reduce_min3A_1188 : vector<256xf32> to vector<256x1xf32>
    %eq3A = vector.broadcast %broadcast_in_dim3A_1189 : vector<256x1xf32> to vector<256x128xf32>
    %eq3A_1190 = arith.cmpf oeq, %select_n3A_1186, %eq3A : vector<256x128xf32>
    %jit3A_1191 = arith.constant 1073741824 : i32
    %broadcast_in_dim3A_1192 = vector.broadcast %jit3A_1191 : i32 to vector<256x128xi32>
    %select_n3A_1193 = arith.select %eq3A_1190, %select_n3A_1187, %broadcast_in_dim3A_1192 : vector<256x128xi1>, vector<256x128xi32>
    %reduce_min3A_1194 = arith.constant dense<2147483647> : vector<256xi32>
    %reduce_min3A_1195 = vector.multi_reduction <minsi>, %select_n3A_1193, %reduce_min3A_1194 [1] : vector<256x128xi32> to vector<256xi32>
    %broadcast_in_dim3A_1196 = vector.shape_cast %reduce_min3A_1195 : vector<256xi32> to vector<256x1xi32>
    %eq3A_1197 = vector.broadcast %broadcast_in_dim3A_1196 : vector<256x1xi32> to vector<256x128xi32>
    %eq3A_1198 = arith.cmpi eq, %select_n3A_1187, %eq3A_1197 : vector<256x128xi32>
    %and3A = arith.andi %eq3A_1190, %eq3A_1198 : vector<256x128xi1>
    %select_n3A_1199 = arith.select %and3A, %select_n3A_1183, %select_n3A_1186 : vector<256x128xi1>, vector<256x128xf32>
    %select_n3A_1200 = arith.select %and3A, %select_n3A_1185, %select_n3A_1187 : vector<256x128xi1>, vector<256x128xi32>
    %select_n3A_1201 = arith.select %and3A, %select_n3A_1179, %select_n3A_1183 : vector<256x128xi1>, vector<256x128xf32>
    %select_n3A_1202 = arith.select %and3A, %select_n3A_1181, %select_n3A_1185 : vector<256x128xi1>, vector<256x128xi32>
    %select_n3A_1203 = arith.select %and3A, %select_n3A_1175, %select_n3A_1179 : vector<256x128xi1>, vector<256x128xf32>
    %select_n3A_1204 = arith.select %and3A, %select_n3A_1177, %select_n3A_1181 : vector<256x128xi1>, vector<256x128xi32>
    %jit3A_1205 = arith.constant 0x7F800000 : f32
    %broadcast_in_dim3A_1206 = vector.broadcast %jit3A_1205 : f32 to vector<256x128xf32>
    %select_n3A_1207 = arith.select %and3A, %broadcast_in_dim3A_1206, %select_n3A_1175 : vector<256x128xi1>, vector<256x128xf32>
    %reduce_min3A_1208 = arith.constant dense<0x7F800000> : vector<256xf32>
    %reduce_min3A_1209 = vector.multi_reduction <minimumf>, %select_n3A_1199, %reduce_min3A_1208 [1] : vector<256x128xf32> to vector<256xf32>
    %broadcast_in_dim3A_1210 = vector.shape_cast %reduce_min3A_1209 : vector<256xf32> to vector<256x1xf32>
    %eq3A_1211 = vector.broadcast %broadcast_in_dim3A_1210 : vector<256x1xf32> to vector<256x128xf32>
    %eq3A_1212 = arith.cmpf oeq, %select_n3A_1199, %eq3A_1211 : vector<256x128xf32>
    %jit3A_1213 = arith.constant 1073741824 : i32
    %broadcast_in_dim3A_1214 = vector.broadcast %jit3A_1213 : i32 to vector<256x128xi32>
    %select_n3A_1215 = arith.select %eq3A_1212, %select_n3A_1200, %broadcast_in_dim3A_1214 : vector<256x128xi1>, vector<256x128xi32>
    %reduce_min3A_1216 = arith.constant dense<2147483647> : vector<256xi32>
    %reduce_min3A_1217 = vector.multi_reduction <minsi>, %select_n3A_1215, %reduce_min3A_1216 [1] : vector<256x128xi32> to vector<256xi32>
    %broadcast_in_dim3A_1218 = vector.shape_cast %reduce_min3A_1217 : vector<256xi32> to vector<256x1xi32>
    %eq3A_1219 = vector.broadcast %broadcast_in_dim3A_1218 : vector<256x1xi32> to vector<256x128xi32>
    %eq3A_1220 = arith.cmpi eq, %select_n3A_1200, %eq3A_1219 : vector<256x128xi32>
    %and3A_1221 = arith.andi %eq3A_1212, %eq3A_1220 : vector<256x128xi1>
    %select_n3A_1222 = arith.select %and3A_1221, %select_n3A_1201, %select_n3A_1199 : vector<256x128xi1>, vector<256x128xf32>
    %select_n3A_1223 = arith.select %and3A_1221, %select_n3A_1202, %select_n3A_1200 : vector<256x128xi1>, vector<256x128xi32>
    %select_n3A_1224 = arith.select %and3A_1221, %select_n3A_1203, %select_n3A_1201 : vector<256x128xi1>, vector<256x128xf32>
    %select_n3A_1225 = arith.select %and3A_1221, %select_n3A_1204, %select_n3A_1202 : vector<256x128xi1>, vector<256x128xi32>
    %select_n3A_1226 = arith.select %and3A_1221, %select_n3A_1207, %select_n3A_1203 : vector<256x128xi1>, vector<256x128xf32>
    %select_n3A_1227 = arith.select %and3A_1221, %select_n3A_1177, %select_n3A_1204 : vector<256x128xi1>, vector<256x128xi32>
    %jit3A_1228 = arith.constant 0x7F800000 : f32
    %broadcast_in_dim3A_1229 = vector.broadcast %jit3A_1228 : f32 to vector<256x128xf32>
    %select_n3A_1230 = arith.select %and3A_1221, %broadcast_in_dim3A_1229, %select_n3A_1207 : vector<256x128xi1>, vector<256x128xf32>
    %reduce_min3A_1231 = arith.constant dense<0x7F800000> : vector<256xf32>
    %reduce_min3A_1232 = vector.multi_reduction <minimumf>, %select_n3A_1222, %reduce_min3A_1231 [1] : vector<256x128xf32> to vector<256xf32>
    %broadcast_in_dim3A_1233 = vector.shape_cast %reduce_min3A_1232 : vector<256xf32> to vector<256x1xf32>
    %eq3A_1234 = vector.broadcast %broadcast_in_dim3A_1233 : vector<256x1xf32> to vector<256x128xf32>
    %eq3A_1235 = arith.cmpf oeq, %select_n3A_1222, %eq3A_1234 : vector<256x128xf32>
    %jit3A_1236 = arith.constant 1073741824 : i32
    %broadcast_in_dim3A_1237 = vector.broadcast %jit3A_1236 : i32 to vector<256x128xi32>
    %select_n3A_1238 = arith.select %eq3A_1235, %select_n3A_1223, %broadcast_in_dim3A_1237 : vector<256x128xi1>, vector<256x128xi32>
    %reduce_min3A_1239 = arith.constant dense<2147483647> : vector<256xi32>
    %reduce_min3A_1240 = vector.multi_reduction <minsi>, %select_n3A_1238, %reduce_min3A_1239 [1] : vector<256x128xi32> to vector<256xi32>
    %broadcast_in_dim3A_1241 = vector.shape_cast %reduce_min3A_1240 : vector<256xi32> to vector<256x1xi32>
    %eq3A_1242 = vector.broadcast %broadcast_in_dim3A_1241 : vector<256x1xi32> to vector<256x128xi32>
    %eq3A_1243 = arith.cmpi eq, %select_n3A_1223, %eq3A_1242 : vector<256x128xi32>
    %and3A_1244 = arith.andi %eq3A_1235, %eq3A_1243 : vector<256x128xi1>
    %select_n3A_1245 = arith.select %and3A_1244, %select_n3A_1224, %select_n3A_1222 : vector<256x128xi1>, vector<256x128xf32>
    %select_n3A_1246 = arith.select %and3A_1244, %select_n3A_1225, %select_n3A_1223 : vector<256x128xi1>, vector<256x128xi32>
    %select_n3A_1247 = arith.select %and3A_1244, %select_n3A_1226, %select_n3A_1224 : vector<256x128xi1>, vector<256x128xf32>
    %select_n3A_1248 = arith.select %and3A_1244, %select_n3A_1227, %select_n3A_1225 : vector<256x128xi1>, vector<256x128xi32>
    %select_n3A_1249 = arith.select %and3A_1244, %select_n3A_1230, %select_n3A_1226 : vector<256x128xi1>, vector<256x128xf32>
    %select_n3A_1250 = arith.select %and3A_1244, %select_n3A_1177, %select_n3A_1227 : vector<256x128xi1>, vector<256x128xi32>
    %jit3A_1251 = arith.constant 0x7F800000 : f32
    %broadcast_in_dim3A_1252 = vector.broadcast %jit3A_1251 : f32 to vector<256x128xf32>
    %select_n3A_1253 = arith.select %and3A_1244, %broadcast_in_dim3A_1252, %select_n3A_1230 : vector<256x128xi1>, vector<256x128xf32>
    %reduce_min3A_1254 = arith.constant dense<0x7F800000> : vector<256xf32>
    %reduce_min3A_1255 = vector.multi_reduction <minimumf>, %select_n3A_1245, %reduce_min3A_1254 [1] : vector<256x128xf32> to vector<256xf32>
    %broadcast_in_dim3A_1256 = vector.shape_cast %reduce_min3A_1255 : vector<256xf32> to vector<256x1xf32>
    %eq3A_1257 = vector.broadcast %broadcast_in_dim3A_1256 : vector<256x1xf32> to vector<256x128xf32>
    %eq3A_1258 = arith.cmpf oeq, %select_n3A_1245, %eq3A_1257 : vector<256x128xf32>
    %jit3A_1259 = arith.constant 1073741824 : i32
    %broadcast_in_dim3A_1260 = vector.broadcast %jit3A_1259 : i32 to vector<256x128xi32>
    %select_n3A_1261 = arith.select %eq3A_1258, %select_n3A_1246, %broadcast_in_dim3A_1260 : vector<256x128xi1>, vector<256x128xi32>
    %reduce_min3A_1262 = arith.constant dense<2147483647> : vector<256xi32>
    %reduce_min3A_1263 = vector.multi_reduction <minsi>, %select_n3A_1261, %reduce_min3A_1262 [1] : vector<256x128xi32> to vector<256xi32>
    %broadcast_in_dim3A_1264 = vector.shape_cast %reduce_min3A_1263 : vector<256xi32> to vector<256x1xi32>
    %eq3A_1265 = vector.broadcast %broadcast_in_dim3A_1264 : vector<256x1xi32> to vector<256x128xi32>
    %eq3A_1266 = arith.cmpi eq, %select_n3A_1246, %eq3A_1265 : vector<256x128xi32>
    %and3A_1267 = arith.andi %eq3A_1258, %eq3A_1266 : vector<256x128xi1>
    %select_n3A_1268 = arith.select %and3A_1267, %select_n3A_1247, %select_n3A_1245 : vector<256x128xi1>, vector<256x128xf32>
    %select_n3A_1269 = arith.select %and3A_1267, %select_n3A_1248, %select_n3A_1246 : vector<256x128xi1>, vector<256x128xi32>
    %select_n3A_1270 = arith.select %and3A_1267, %select_n3A_1249, %select_n3A_1247 : vector<256x128xi1>, vector<256x128xf32>
    %select_n3A_1271 = arith.select %and3A_1267, %select_n3A_1250, %select_n3A_1248 : vector<256x128xi1>, vector<256x128xi32>
    %select_n3A_1272 = arith.select %and3A_1267, %select_n3A_1253, %select_n3A_1249 : vector<256x128xi1>, vector<256x128xf32>
    %select_n3A_1273 = arith.select %and3A_1267, %select_n3A_1177, %select_n3A_1250 : vector<256x128xi1>, vector<256x128xi32>
    %jit3A_1274 = arith.constant 0x7F800000 : f32
    %broadcast_in_dim3A_1275 = vector.broadcast %jit3A_1274 : f32 to vector<256x128xf32>
    %select_n3A_1276 = arith.select %and3A_1267, %broadcast_in_dim3A_1275, %select_n3A_1253 : vector<256x128xi1>, vector<256x128xf32>
    %reduce_min3A_1277 = arith.constant dense<0x7F800000> : vector<256xf32>
    %reduce_min3A_1278 = vector.multi_reduction <minimumf>, %select_n3A_1268, %reduce_min3A_1277 [1] : vector<256x128xf32> to vector<256xf32>
    %broadcast_in_dim3A_1279 = vector.shape_cast %reduce_min3A_1278 : vector<256xf32> to vector<256x1xf32>
    %eq3A_1280 = vector.broadcast %broadcast_in_dim3A_1279 : vector<256x1xf32> to vector<256x128xf32>
    %eq3A_1281 = arith.cmpf oeq, %select_n3A_1268, %eq3A_1280 : vector<256x128xf32>
    %jit3A_1282 = arith.constant 1073741824 : i32
    %broadcast_in_dim3A_1283 = vector.broadcast %jit3A_1282 : i32 to vector<256x128xi32>
    %select_n3A_1284 = arith.select %eq3A_1281, %select_n3A_1269, %broadcast_in_dim3A_1283 : vector<256x128xi1>, vector<256x128xi32>
    %reduce_min3A_1285 = arith.constant dense<2147483647> : vector<256xi32>
    %reduce_min3A_1286 = vector.multi_reduction <minsi>, %select_n3A_1284, %reduce_min3A_1285 [1] : vector<256x128xi32> to vector<256xi32>
    %broadcast_in_dim3A_1287 = vector.shape_cast %reduce_min3A_1286 : vector<256xi32> to vector<256x1xi32>
    %eq3A_1288 = vector.broadcast %broadcast_in_dim3A_1287 : vector<256x1xi32> to vector<256x128xi32>
    %eq3A_1289 = arith.cmpi eq, %select_n3A_1269, %eq3A_1288 : vector<256x128xi32>
    %and3A_1290 = arith.andi %eq3A_1281, %eq3A_1289 : vector<256x128xi1>
    %select_n3A_1291 = arith.select %and3A_1290, %select_n3A_1270, %select_n3A_1268 : vector<256x128xi1>, vector<256x128xf32>
    %select_n3A_1292 = arith.select %and3A_1290, %select_n3A_1271, %select_n3A_1269 : vector<256x128xi1>, vector<256x128xi32>
    %select_n3A_1293 = arith.select %and3A_1290, %select_n3A_1272, %select_n3A_1270 : vector<256x128xi1>, vector<256x128xf32>
    %select_n3A_1294 = arith.select %and3A_1290, %select_n3A_1273, %select_n3A_1271 : vector<256x128xi1>, vector<256x128xi32>
    %select_n3A_1295 = arith.select %and3A_1290, %select_n3A_1276, %select_n3A_1272 : vector<256x128xi1>, vector<256x128xf32>
    %select_n3A_1296 = arith.select %and3A_1290, %select_n3A_1177, %select_n3A_1273 : vector<256x128xi1>, vector<256x128xi32>
    %jit3A_1297 = arith.constant 0x7F800000 : f32
    %broadcast_in_dim3A_1298 = vector.broadcast %jit3A_1297 : f32 to vector<256x128xf32>
    %select_n3A_1299 = arith.select %and3A_1290, %broadcast_in_dim3A_1298, %select_n3A_1276 : vector<256x128xi1>, vector<256x128xf32>
    %reduce_min3A_1300 = arith.constant dense<0x7F800000> : vector<256xf32>
    %reduce_min3A_1301 = vector.multi_reduction <minimumf>, %select_n3A_1291, %reduce_min3A_1300 [1] : vector<256x128xf32> to vector<256xf32>
    %broadcast_in_dim3A_1302 = vector.shape_cast %reduce_min3A_1301 : vector<256xf32> to vector<256x1xf32>
    %eq3A_1303 = vector.broadcast %broadcast_in_dim3A_1302 : vector<256x1xf32> to vector<256x128xf32>
    %eq3A_1304 = arith.cmpf oeq, %select_n3A_1291, %eq3A_1303 : vector<256x128xf32>
    %jit3A_1305 = arith.constant 1073741824 : i32
    %broadcast_in_dim3A_1306 = vector.broadcast %jit3A_1305 : i32 to vector<256x128xi32>
    %select_n3A_1307 = arith.select %eq3A_1304, %select_n3A_1292, %broadcast_in_dim3A_1306 : vector<256x128xi1>, vector<256x128xi32>
    %reduce_min3A_1308 = arith.constant dense<2147483647> : vector<256xi32>
    %reduce_min3A_1309 = vector.multi_reduction <minsi>, %select_n3A_1307, %reduce_min3A_1308 [1] : vector<256x128xi32> to vector<256xi32>
    %broadcast_in_dim3A_1310 = vector.shape_cast %reduce_min3A_1309 : vector<256xi32> to vector<256x1xi32>
    %eq3A_1311 = vector.broadcast %broadcast_in_dim3A_1310 : vector<256x1xi32> to vector<256x128xi32>
    %eq3A_1312 = arith.cmpi eq, %select_n3A_1292, %eq3A_1311 : vector<256x128xi32>
    %and3A_1313 = arith.andi %eq3A_1304, %eq3A_1312 : vector<256x128xi1>
    %select_n3A_1314 = arith.select %and3A_1313, %select_n3A_1293, %select_n3A_1291 : vector<256x128xi1>, vector<256x128xf32>
    %select_n3A_1315 = arith.select %and3A_1313, %select_n3A_1294, %select_n3A_1292 : vector<256x128xi1>, vector<256x128xi32>
    %select_n3A_1316 = arith.select %and3A_1313, %select_n3A_1295, %select_n3A_1293 : vector<256x128xi1>, vector<256x128xf32>
    %select_n3A_1317 = arith.select %and3A_1313, %select_n3A_1296, %select_n3A_1294 : vector<256x128xi1>, vector<256x128xi32>
    %select_n3A_1318 = arith.select %and3A_1313, %select_n3A_1299, %select_n3A_1295 : vector<256x128xi1>, vector<256x128xf32>
    %select_n3A_1319 = arith.select %and3A_1313, %select_n3A_1177, %select_n3A_1296 : vector<256x128xi1>, vector<256x128xi32>
    %jit3A_1320 = arith.constant 0x7F800000 : f32
    %broadcast_in_dim3A_1321 = vector.broadcast %jit3A_1320 : f32 to vector<256x128xf32>
    %select_n3A_1322 = arith.select %and3A_1313, %broadcast_in_dim3A_1321, %select_n3A_1299 : vector<256x128xi1>, vector<256x128xf32>
    %reduce_min3A_1323 = arith.constant dense<0x7F800000> : vector<256xf32>
    %reduce_min3A_1324 = vector.multi_reduction <minimumf>, %select_n3A_1314, %reduce_min3A_1323 [1] : vector<256x128xf32> to vector<256xf32>
    %broadcast_in_dim3A_1325 = vector.shape_cast %reduce_min3A_1324 : vector<256xf32> to vector<256x1xf32>
    %eq3A_1326 = vector.broadcast %broadcast_in_dim3A_1325 : vector<256x1xf32> to vector<256x128xf32>
    %eq3A_1327 = arith.cmpf oeq, %select_n3A_1314, %eq3A_1326 : vector<256x128xf32>
    %jit3A_1328 = arith.constant 1073741824 : i32
    %broadcast_in_dim3A_1329 = vector.broadcast %jit3A_1328 : i32 to vector<256x128xi32>
    %select_n3A_1330 = arith.select %eq3A_1327, %select_n3A_1315, %broadcast_in_dim3A_1329 : vector<256x128xi1>, vector<256x128xi32>
    %reduce_min3A_1331 = arith.constant dense<2147483647> : vector<256xi32>
    %reduce_min3A_1332 = vector.multi_reduction <minsi>, %select_n3A_1330, %reduce_min3A_1331 [1] : vector<256x128xi32> to vector<256xi32>
    %broadcast_in_dim3A_1333 = vector.shape_cast %reduce_min3A_1332 : vector<256xi32> to vector<256x1xi32>
    %eq3A_1334 = vector.broadcast %broadcast_in_dim3A_1333 : vector<256x1xi32> to vector<256x128xi32>
    %eq3A_1335 = arith.cmpi eq, %select_n3A_1315, %eq3A_1334 : vector<256x128xi32>
    %and3A_1336 = arith.andi %eq3A_1327, %eq3A_1335 : vector<256x128xi1>
    %select_n3A_1337 = arith.select %and3A_1336, %select_n3A_1316, %select_n3A_1314 : vector<256x128xi1>, vector<256x128xf32>
    %select_n3A_1338 = arith.select %and3A_1336, %select_n3A_1317, %select_n3A_1315 : vector<256x128xi1>, vector<256x128xi32>
    %select_n3A_1339 = arith.select %and3A_1336, %select_n3A_1318, %select_n3A_1316 : vector<256x128xi1>, vector<256x128xf32>
    %select_n3A_1340 = arith.select %and3A_1336, %select_n3A_1319, %select_n3A_1317 : vector<256x128xi1>, vector<256x128xi32>
    %select_n3A_1341 = arith.select %and3A_1336, %select_n3A_1322, %select_n3A_1318 : vector<256x128xi1>, vector<256x128xf32>
    %select_n3A_1342 = arith.select %and3A_1336, %select_n3A_1177, %select_n3A_1319 : vector<256x128xi1>, vector<256x128xi32>
    %jit3A_1343 = arith.constant 0x7F800000 : f32
    %broadcast_in_dim3A_1344 = vector.broadcast %jit3A_1343 : f32 to vector<256x128xf32>
    %select_n3A_1345 = arith.select %and3A_1336, %broadcast_in_dim3A_1344, %select_n3A_1322 : vector<256x128xi1>, vector<256x128xf32>
    %reduce_min3A_1346 = arith.constant dense<0x7F800000> : vector<256xf32>
    %reduce_min3A_1347 = vector.multi_reduction <minimumf>, %select_n3A_1337, %reduce_min3A_1346 [1] : vector<256x128xf32> to vector<256xf32>
    %broadcast_in_dim3A_1348 = vector.shape_cast %reduce_min3A_1347 : vector<256xf32> to vector<256x1xf32>
    %eq3A_1349 = vector.broadcast %broadcast_in_dim3A_1348 : vector<256x1xf32> to vector<256x128xf32>
    %eq3A_1350 = arith.cmpf oeq, %select_n3A_1337, %eq3A_1349 : vector<256x128xf32>
    %jit3A_1351 = arith.constant 1073741824 : i32
    %broadcast_in_dim3A_1352 = vector.broadcast %jit3A_1351 : i32 to vector<256x128xi32>
    %select_n3A_1353 = arith.select %eq3A_1350, %select_n3A_1338, %broadcast_in_dim3A_1352 : vector<256x128xi1>, vector<256x128xi32>
    %reduce_min3A_1354 = arith.constant dense<2147483647> : vector<256xi32>
    %reduce_min3A_1355 = vector.multi_reduction <minsi>, %select_n3A_1353, %reduce_min3A_1354 [1] : vector<256x128xi32> to vector<256xi32>
    %broadcast_in_dim3A_1356 = vector.shape_cast %reduce_min3A_1355 : vector<256xi32> to vector<256x1xi32>
    %eq3A_1357 = vector.broadcast %broadcast_in_dim3A_1356 : vector<256x1xi32> to vector<256x128xi32>
    %eq3A_1358 = arith.cmpi eq, %select_n3A_1338, %eq3A_1357 : vector<256x128xi32>
    %and3A_1359 = arith.andi %eq3A_1350, %eq3A_1358 : vector<256x128xi1>
    %select_n3A_1360 = arith.select %and3A_1359, %select_n3A_1339, %select_n3A_1337 : vector<256x128xi1>, vector<256x128xf32>
    %select_n3A_1361 = arith.select %and3A_1359, %select_n3A_1340, %select_n3A_1338 : vector<256x128xi1>, vector<256x128xi32>
    %select_n3A_1362 = arith.select %and3A_1359, %select_n3A_1341, %select_n3A_1339 : vector<256x128xi1>, vector<256x128xf32>
    %select_n3A_1363 = arith.select %and3A_1359, %select_n3A_1342, %select_n3A_1340 : vector<256x128xi1>, vector<256x128xi32>
    %select_n3A_1364 = arith.select %and3A_1359, %select_n3A_1345, %select_n3A_1341 : vector<256x128xi1>, vector<256x128xf32>
    %select_n3A_1365 = arith.select %and3A_1359, %select_n3A_1177, %select_n3A_1342 : vector<256x128xi1>, vector<256x128xi32>
    %jit3A_1366 = arith.constant 0x7F800000 : f32
    %broadcast_in_dim3A_1367 = vector.broadcast %jit3A_1366 : f32 to vector<256x128xf32>
    %select_n3A_1368 = arith.select %and3A_1359, %broadcast_in_dim3A_1367, %select_n3A_1345 : vector<256x128xi1>, vector<256x128xf32>
    %reduce_min3A_1369 = arith.constant dense<0x7F800000> : vector<256xf32>
    %reduce_min3A_1370 = vector.multi_reduction <minimumf>, %select_n3A_1360, %reduce_min3A_1369 [1] : vector<256x128xf32> to vector<256xf32>
    %broadcast_in_dim3A_1371 = vector.shape_cast %reduce_min3A_1370 : vector<256xf32> to vector<256x1xf32>
    %eq3A_1372 = vector.broadcast %broadcast_in_dim3A_1371 : vector<256x1xf32> to vector<256x128xf32>
    %eq3A_1373 = arith.cmpf oeq, %select_n3A_1360, %eq3A_1372 : vector<256x128xf32>
    %jit3A_1374 = arith.constant 1073741824 : i32
    %broadcast_in_dim3A_1375 = vector.broadcast %jit3A_1374 : i32 to vector<256x128xi32>
    %select_n3A_1376 = arith.select %eq3A_1373, %select_n3A_1361, %broadcast_in_dim3A_1375 : vector<256x128xi1>, vector<256x128xi32>
    %reduce_min3A_1377 = arith.constant dense<2147483647> : vector<256xi32>
    %reduce_min3A_1378 = vector.multi_reduction <minsi>, %select_n3A_1376, %reduce_min3A_1377 [1] : vector<256x128xi32> to vector<256xi32>
    %broadcast_in_dim3A_1379 = vector.shape_cast %reduce_min3A_1378 : vector<256xi32> to vector<256x1xi32>
    %eq3A_1380 = vector.broadcast %broadcast_in_dim3A_1379 : vector<256x1xi32> to vector<256x128xi32>
    %eq3A_1381 = arith.cmpi eq, %select_n3A_1361, %eq3A_1380 : vector<256x128xi32>
    %and3A_1382 = arith.andi %eq3A_1373, %eq3A_1381 : vector<256x128xi1>
    %select_n3A_1383 = arith.select %and3A_1382, %select_n3A_1362, %select_n3A_1360 : vector<256x128xi1>, vector<256x128xf32>
    %select_n3A_1384 = arith.select %and3A_1382, %select_n3A_1363, %select_n3A_1361 : vector<256x128xi1>, vector<256x128xi32>
    %select_n3A_1385 = arith.select %and3A_1382, %select_n3A_1364, %select_n3A_1362 : vector<256x128xi1>, vector<256x128xf32>
    %select_n3A_1386 = arith.select %and3A_1382, %select_n3A_1365, %select_n3A_1363 : vector<256x128xi1>, vector<256x128xi32>
    %select_n3A_1387 = arith.select %and3A_1382, %select_n3A_1368, %select_n3A_1364 : vector<256x128xi1>, vector<256x128xf32>
    %select_n3A_1388 = arith.select %and3A_1382, %select_n3A_1177, %select_n3A_1365 : vector<256x128xi1>, vector<256x128xi32>
    %jit3A_1389 = arith.constant 0x7F800000 : f32
    %broadcast_in_dim3A_1390 = vector.broadcast %jit3A_1389 : f32 to vector<256x128xf32>
    %select_n3A_1391 = arith.select %and3A_1382, %broadcast_in_dim3A_1390, %select_n3A_1368 : vector<256x128xi1>, vector<256x128xf32>
    %reduce_min3A_1392 = arith.constant dense<0x7F800000> : vector<256xf32>
    %reduce_min3A_1393 = vector.multi_reduction <minimumf>, %select_n3A_1383, %reduce_min3A_1392 [1] : vector<256x128xf32> to vector<256xf32>
    %broadcast_in_dim3A_1394 = vector.shape_cast %reduce_min3A_1393 : vector<256xf32> to vector<256x1xf32>
    %eq3A_1395 = vector.broadcast %broadcast_in_dim3A_1394 : vector<256x1xf32> to vector<256x128xf32>
    %eq3A_1396 = arith.cmpf oeq, %select_n3A_1383, %eq3A_1395 : vector<256x128xf32>
    %jit3A_1397 = arith.constant 1073741824 : i32
    %broadcast_in_dim3A_1398 = vector.broadcast %jit3A_1397 : i32 to vector<256x128xi32>
    %select_n3A_1399 = arith.select %eq3A_1396, %select_n3A_1384, %broadcast_in_dim3A_1398 : vector<256x128xi1>, vector<256x128xi32>
    %reduce_min3A_1400 = arith.constant dense<2147483647> : vector<256xi32>
    %reduce_min3A_1401 = vector.multi_reduction <minsi>, %select_n3A_1399, %reduce_min3A_1400 [1] : vector<256x128xi32> to vector<256xi32>
    %broadcast_in_dim3A_1402 = vector.shape_cast %reduce_min3A_1401 : vector<256xi32> to vector<256x1xi32>
    %eq3A_1403 = vector.broadcast %broadcast_in_dim3A_1402 : vector<256x1xi32> to vector<256x128xi32>
    %eq3A_1404 = arith.cmpi eq, %select_n3A_1384, %eq3A_1403 : vector<256x128xi32>
    %and3A_1405 = arith.andi %eq3A_1396, %eq3A_1404 : vector<256x128xi1>
    %select_n3A_1406 = arith.select %and3A_1405, %select_n3A_1385, %select_n3A_1383 : vector<256x128xi1>, vector<256x128xf32>
    %select_n3A_1407 = arith.select %and3A_1405, %select_n3A_1386, %select_n3A_1384 : vector<256x128xi1>, vector<256x128xi32>
    %select_n3A_1408 = arith.select %and3A_1405, %select_n3A_1387, %select_n3A_1385 : vector<256x128xi1>, vector<256x128xf32>
    %select_n3A_1409 = arith.select %and3A_1405, %select_n3A_1388, %select_n3A_1386 : vector<256x128xi1>, vector<256x128xi32>
    %select_n3A_1410 = arith.select %and3A_1405, %select_n3A_1391, %select_n3A_1387 : vector<256x128xi1>, vector<256x128xf32>
    %select_n3A_1411 = arith.select %and3A_1405, %select_n3A_1177, %select_n3A_1388 : vector<256x128xi1>, vector<256x128xi32>
    %jit3A_1412 = arith.constant 0x7F800000 : f32
    %broadcast_in_dim3A_1413 = vector.broadcast %jit3A_1412 : f32 to vector<256x128xf32>
    %select_n3A_1414 = arith.select %and3A_1405, %broadcast_in_dim3A_1413, %select_n3A_1391 : vector<256x128xi1>, vector<256x128xf32>
    %reduce_min3A_1415 = arith.constant dense<0x7F800000> : vector<256xf32>
    %reduce_min3A_1416 = vector.multi_reduction <minimumf>, %select_n3A_1406, %reduce_min3A_1415 [1] : vector<256x128xf32> to vector<256xf32>
    %broadcast_in_dim3A_1417 = vector.shape_cast %reduce_min3A_1416 : vector<256xf32> to vector<256x1xf32>
    %eq3A_1418 = vector.broadcast %broadcast_in_dim3A_1417 : vector<256x1xf32> to vector<256x128xf32>
    %eq3A_1419 = arith.cmpf oeq, %select_n3A_1406, %eq3A_1418 : vector<256x128xf32>
    %jit3A_1420 = arith.constant 1073741824 : i32
    %broadcast_in_dim3A_1421 = vector.broadcast %jit3A_1420 : i32 to vector<256x128xi32>
    %select_n3A_1422 = arith.select %eq3A_1419, %select_n3A_1407, %broadcast_in_dim3A_1421 : vector<256x128xi1>, vector<256x128xi32>
    %reduce_min3A_1423 = arith.constant dense<2147483647> : vector<256xi32>
    %reduce_min3A_1424 = vector.multi_reduction <minsi>, %select_n3A_1422, %reduce_min3A_1423 [1] : vector<256x128xi32> to vector<256xi32>
    %broadcast_in_dim3A_1425 = vector.shape_cast %reduce_min3A_1424 : vector<256xi32> to vector<256x1xi32>
    %eq3A_1426 = vector.broadcast %broadcast_in_dim3A_1425 : vector<256x1xi32> to vector<256x128xi32>
    %eq3A_1427 = arith.cmpi eq, %select_n3A_1407, %eq3A_1426 : vector<256x128xi32>
    %and3A_1428 = arith.andi %eq3A_1419, %eq3A_1427 : vector<256x128xi1>
    %select_n3A_1429 = arith.select %and3A_1428, %select_n3A_1408, %select_n3A_1406 : vector<256x128xi1>, vector<256x128xf32>
    %select_n3A_1430 = arith.select %and3A_1428, %select_n3A_1409, %select_n3A_1407 : vector<256x128xi1>, vector<256x128xi32>
    %select_n3A_1431 = arith.select %and3A_1428, %select_n3A_1410, %select_n3A_1408 : vector<256x128xi1>, vector<256x128xf32>
    %select_n3A_1432 = arith.select %and3A_1428, %select_n3A_1411, %select_n3A_1409 : vector<256x128xi1>, vector<256x128xi32>
    %select_n3A_1433 = arith.select %and3A_1428, %select_n3A_1414, %select_n3A_1410 : vector<256x128xi1>, vector<256x128xf32>
    %select_n3A_1434 = arith.select %and3A_1428, %select_n3A_1177, %select_n3A_1411 : vector<256x128xi1>, vector<256x128xi32>
    %jit3A_1435 = arith.constant 0x7F800000 : f32
    %broadcast_in_dim3A_1436 = vector.broadcast %jit3A_1435 : f32 to vector<256x128xf32>
    %select_n3A_1437 = arith.select %and3A_1428, %broadcast_in_dim3A_1436, %select_n3A_1414 : vector<256x128xi1>, vector<256x128xf32>
    %reduce_min3A_1438 = arith.constant dense<0x7F800000> : vector<256xf32>
    %reduce_min3A_1439 = vector.multi_reduction <minimumf>, %select_n3A_1429, %reduce_min3A_1438 [1] : vector<256x128xf32> to vector<256xf32>
    %broadcast_in_dim3A_1440 = vector.shape_cast %reduce_min3A_1439 : vector<256xf32> to vector<256x1xf32>
    %eq3A_1441 = vector.broadcast %broadcast_in_dim3A_1440 : vector<256x1xf32> to vector<256x128xf32>
    %eq3A_1442 = arith.cmpf oeq, %select_n3A_1429, %eq3A_1441 : vector<256x128xf32>
    %jit3A_1443 = arith.constant 1073741824 : i32
    %broadcast_in_dim3A_1444 = vector.broadcast %jit3A_1443 : i32 to vector<256x128xi32>
    %select_n3A_1445 = arith.select %eq3A_1442, %select_n3A_1430, %broadcast_in_dim3A_1444 : vector<256x128xi1>, vector<256x128xi32>
    %reduce_min3A_1446 = arith.constant dense<2147483647> : vector<256xi32>
    %reduce_min3A_1447 = vector.multi_reduction <minsi>, %select_n3A_1445, %reduce_min3A_1446 [1] : vector<256x128xi32> to vector<256xi32>
    %broadcast_in_dim3A_1448 = vector.shape_cast %reduce_min3A_1447 : vector<256xi32> to vector<256x1xi32>
    %eq3A_1449 = vector.broadcast %broadcast_in_dim3A_1448 : vector<256x1xi32> to vector<256x128xi32>
    %eq3A_1450 = arith.cmpi eq, %select_n3A_1430, %eq3A_1449 : vector<256x128xi32>
    %and3A_1451 = arith.andi %eq3A_1442, %eq3A_1450 : vector<256x128xi1>
    %select_n3A_1452 = arith.select %and3A_1451, %select_n3A_1431, %select_n3A_1429 : vector<256x128xi1>, vector<256x128xf32>
    %select_n3A_1453 = arith.select %and3A_1451, %select_n3A_1432, %select_n3A_1430 : vector<256x128xi1>, vector<256x128xi32>
    %select_n3A_1454 = arith.select %and3A_1451, %select_n3A_1433, %select_n3A_1431 : vector<256x128xi1>, vector<256x128xf32>
    %select_n3A_1455 = arith.select %and3A_1451, %select_n3A_1434, %select_n3A_1432 : vector<256x128xi1>, vector<256x128xi32>
    %select_n3A_1456 = arith.select %and3A_1451, %select_n3A_1437, %select_n3A_1433 : vector<256x128xi1>, vector<256x128xf32>
    %select_n3A_1457 = arith.select %and3A_1451, %select_n3A_1177, %select_n3A_1434 : vector<256x128xi1>, vector<256x128xi32>
    %jit3A_1458 = arith.constant 0x7F800000 : f32
    %broadcast_in_dim3A_1459 = vector.broadcast %jit3A_1458 : f32 to vector<256x128xf32>
    %select_n3A_1460 = arith.select %and3A_1451, %broadcast_in_dim3A_1459, %select_n3A_1437 : vector<256x128xi1>, vector<256x128xf32>
    %reduce_min3A_1461 = arith.constant dense<0x7F800000> : vector<256xf32>
    %reduce_min3A_1462 = vector.multi_reduction <minimumf>, %select_n3A_1452, %reduce_min3A_1461 [1] : vector<256x128xf32> to vector<256xf32>
    %broadcast_in_dim3A_1463 = vector.shape_cast %reduce_min3A_1462 : vector<256xf32> to vector<256x1xf32>
    %eq3A_1464 = vector.broadcast %broadcast_in_dim3A_1463 : vector<256x1xf32> to vector<256x128xf32>
    %eq3A_1465 = arith.cmpf oeq, %select_n3A_1452, %eq3A_1464 : vector<256x128xf32>
    %jit3A_1466 = arith.constant 1073741824 : i32
    %broadcast_in_dim3A_1467 = vector.broadcast %jit3A_1466 : i32 to vector<256x128xi32>
    %select_n3A_1468 = arith.select %eq3A_1465, %select_n3A_1453, %broadcast_in_dim3A_1467 : vector<256x128xi1>, vector<256x128xi32>
    %reduce_min3A_1469 = arith.constant dense<2147483647> : vector<256xi32>
    %reduce_min3A_1470 = vector.multi_reduction <minsi>, %select_n3A_1468, %reduce_min3A_1469 [1] : vector<256x128xi32> to vector<256xi32>
    %broadcast_in_dim3A_1471 = vector.shape_cast %reduce_min3A_1470 : vector<256xi32> to vector<256x1xi32>
    %eq3A_1472 = vector.broadcast %broadcast_in_dim3A_1471 : vector<256x1xi32> to vector<256x128xi32>
    %eq3A_1473 = arith.cmpi eq, %select_n3A_1453, %eq3A_1472 : vector<256x128xi32>
    %and3A_1474 = arith.andi %eq3A_1465, %eq3A_1473 : vector<256x128xi1>
    %select_n3A_1475 = arith.select %and3A_1474, %select_n3A_1454, %select_n3A_1452 : vector<256x128xi1>, vector<256x128xf32>
    %select_n3A_1476 = arith.select %and3A_1474, %select_n3A_1455, %select_n3A_1453 : vector<256x128xi1>, vector<256x128xi32>
    %select_n3A_1477 = arith.select %and3A_1474, %select_n3A_1456, %select_n3A_1454 : vector<256x128xi1>, vector<256x128xf32>
    %select_n3A_1478 = arith.select %and3A_1474, %select_n3A_1457, %select_n3A_1455 : vector<256x128xi1>, vector<256x128xi32>
    %select_n3A_1479 = arith.select %and3A_1474, %select_n3A_1460, %select_n3A_1456 : vector<256x128xi1>, vector<256x128xf32>
    %select_n3A_1480 = arith.select %and3A_1474, %select_n3A_1177, %select_n3A_1457 : vector<256x128xi1>, vector<256x128xi32>
    %reduce_min3A_1481 = arith.constant dense<0x7F800000> : vector<256xf32>
    %reduce_min3A_1482 = vector.multi_reduction <minimumf>, %select_n3A_1475, %reduce_min3A_1481 [1] : vector<256x128xf32> to vector<256xf32>
    %broadcast_in_dim3A_1483 = vector.shape_cast %reduce_min3A_1482 : vector<256xf32> to vector<256x1xf32>
    %eq3A_1484 = vector.broadcast %broadcast_in_dim3A_1483 : vector<256x1xf32> to vector<256x128xf32>
    %eq3A_1485 = arith.cmpf oeq, %select_n3A_1475, %eq3A_1484 : vector<256x128xf32>
    %jit3A_1486 = arith.constant 1073741824 : i32
    %broadcast_in_dim3A_1487 = vector.broadcast %jit3A_1486 : i32 to vector<256x128xi32>
    %select_n3A_1488 = arith.select %eq3A_1485, %select_n3A_1476, %broadcast_in_dim3A_1487 : vector<256x128xi1>, vector<256x128xi32>
    %reduce_min3A_1489 = arith.constant dense<2147483647> : vector<256xi32>
    %reduce_min3A_1490 = vector.multi_reduction <minsi>, %select_n3A_1488, %reduce_min3A_1489 [1] : vector<256x128xi32> to vector<256xi32>
    %broadcast_in_dim3A_1491 = vector.shape_cast %reduce_min3A_1490 : vector<256xi32> to vector<256x1xi32>
    %eq3A_1492 = vector.broadcast %broadcast_in_dim3A_1491 : vector<256x1xi32> to vector<256x128xi32>
    %eq3A_1493 = arith.cmpi eq, %select_n3A_1476, %eq3A_1492 : vector<256x128xi32>
    %and3A_1494 = arith.andi %eq3A_1485, %eq3A_1493 : vector<256x128xi1>
    %select_n3A_1495 = arith.select %and3A_1494, %select_n3A_1477, %select_n3A_1475 : vector<256x128xi1>, vector<256x128xf32>
    %select_n3A_1496 = arith.select %and3A_1494, %select_n3A_1478, %select_n3A_1476 : vector<256x128xi1>, vector<256x128xi32>
    %select_n3A_1497 = arith.select %and3A_1494, %select_n3A_1479, %select_n3A_1477 : vector<256x128xi1>, vector<256x128xf32>
    %select_n3A_1498 = arith.select %and3A_1494, %select_n3A_1480, %select_n3A_1478 : vector<256x128xi1>, vector<256x128xi32>
    %reduce_min3A_1499 = arith.constant dense<0x7F800000> : vector<256xf32>
    %reduce_min3A_1500 = vector.multi_reduction <minimumf>, %select_n3A_1495, %reduce_min3A_1499 [1] : vector<256x128xf32> to vector<256xf32>
    %broadcast_in_dim3A_1501 = vector.shape_cast %reduce_min3A_1500 : vector<256xf32> to vector<256x1xf32>
    %eq3A_1502 = vector.broadcast %broadcast_in_dim3A_1501 : vector<256x1xf32> to vector<256x128xf32>
    %eq3A_1503 = arith.cmpf oeq, %select_n3A_1495, %eq3A_1502 : vector<256x128xf32>
    %jit3A_1504 = arith.constant 1073741824 : i32
    %broadcast_in_dim3A_1505 = vector.broadcast %jit3A_1504 : i32 to vector<256x128xi32>
    %select_n3A_1506 = arith.select %eq3A_1503, %select_n3A_1496, %broadcast_in_dim3A_1505 : vector<256x128xi1>, vector<256x128xi32>
    %reduce_min3A_1507 = arith.constant dense<2147483647> : vector<256xi32>
    %reduce_min3A_1508 = vector.multi_reduction <minsi>, %select_n3A_1506, %reduce_min3A_1507 [1] : vector<256x128xi32> to vector<256xi32>
    %broadcast_in_dim3A_1509 = vector.shape_cast %reduce_min3A_1508 : vector<256xi32> to vector<256x1xi32>
    %eq3A_1510 = vector.broadcast %broadcast_in_dim3A_1509 : vector<256x1xi32> to vector<256x128xi32>
    %eq3A_1511 = arith.cmpi eq, %select_n3A_1496, %eq3A_1510 : vector<256x128xi32>
    %and3A_1512 = arith.andi %eq3A_1503, %eq3A_1511 : vector<256x128xi1>
    %select_n3A_1513 = arith.select %and3A_1512, %select_n3A_1497, %select_n3A_1495 : vector<256x128xi1>, vector<256x128xf32>
    %select_n3A_1514 = arith.select %and3A_1512, %select_n3A_1498, %select_n3A_1496 : vector<256x128xi1>, vector<256x128xi32>
    %reduce_min3A_1515 = arith.constant dense<0x7F800000> : vector<256xf32>
    %reduce_min3A_1516 = vector.multi_reduction <minimumf>, %select_n3A_1513, %reduce_min3A_1515 [1] : vector<256x128xf32> to vector<256xf32>
    %broadcast_in_dim3A_1517 = vector.shape_cast %reduce_min3A_1516 : vector<256xf32> to vector<256x1xf32>
    %eq3A_1518 = vector.broadcast %broadcast_in_dim3A_1517 : vector<256x1xf32> to vector<256x128xf32>
    %eq3A_1519 = arith.cmpf oeq, %select_n3A_1513, %eq3A_1518 : vector<256x128xf32>
    %jit3A_1520 = arith.constant 1073741824 : i32
    %broadcast_in_dim3A_1521 = vector.broadcast %jit3A_1520 : i32 to vector<256x128xi32>
    %select_n3A_1522 = arith.select %eq3A_1519, %select_n3A_1514, %broadcast_in_dim3A_1521 : vector<256x128xi1>, vector<256x128xi32>
    %reduce_min3A_1523 = arith.constant dense<2147483647> : vector<256xi32>
    %reduce_min3A_1524 = vector.multi_reduction <minsi>, %select_n3A_1522, %reduce_min3A_1523 [1] : vector<256x128xi32> to vector<256xi32>
    %broadcast_in_dim3A_1525 = vector.shape_cast %reduce_min3A_1524 : vector<256xi32> to vector<256x1xi32>
    %concatenate3A = tpu.concatenate %broadcast_in_dim3A_1196, %broadcast_in_dim3A_1218, %broadcast_in_dim3A_1241, %broadcast_in_dim3A_1264, %broadcast_in_dim3A_1287, %broadcast_in_dim3A_1310, %broadcast_in_dim3A_1333, %broadcast_in_dim3A_1356, %broadcast_in_dim3A_1379, %broadcast_in_dim3A_1402, %broadcast_in_dim3A_1425, %broadcast_in_dim3A_1448, %broadcast_in_dim3A_1471, %broadcast_in_dim3A_1491, %broadcast_in_dim3A_1509, %broadcast_in_dim3A_1525 in 1 : vector<256x1xi32>, vector<256x1xi32>, vector<256x1xi32>, vector<256x1xi32>, vector<256x1xi32>, vector<256x1xi32>, vector<256x1xi32>, vector<256x1xi32>, vector<256x1xi32>, vector<256x1xi32>, vector<256x1xi32>, vector<256x1xi32>, vector<256x1xi32>, vector<256x1xi32>, vector<256x1xi32>, vector<256x1xi32> -> vector<256x16xi32>
    %mul3A_1526 = arith.constant 2 : i32
    %mul3A_1527 = vector.broadcast %mul3A_1526 : i32 to vector<256x16xi32>
    %mul3A_1528 = arith.muli %concatenate3A, %mul3A_1527 : vector<256x16xi32>
    %swap3A_1529 = arith.index_cast %mul3A_211 : i32 to index
    %swap3A_1530 = arith.constant 0 : index
    %swap3A_1531 = vector.load %arg2[%swap3A_1529, %swap3A_1530] : memref<256x16xi32, #tpu.memory_space<vmem>>, vector<256x16xi32>
    tpu.vector_store %arg2[%swap3A_1529, %swap3A_1530], %mul3A_1528 {strides = array<i32>} : memref<256x16xi32, #tpu.memory_space<vmem>>, vector<256x16xi32>,
    %broadcast_in_dim3A_1532 = arith.constant 0 : i32
    %broadcast_in_dim3A_1533 = vector.broadcast %broadcast_in_dim3A_1532 : i32 to vector<256x128xi32>
    %broadcast_in_dim3A_1534 = arith.constant 0 : i32
    %broadcast_in_dim3A_1535 = vector.broadcast %broadcast_in_dim3A_1534 : i32 to vector<256x128xi32>
    %get3A_1536 = arith.index_cast %mul3A_211 : i32 to index
    %get3A_1537 = arith.constant 0 : index
    %get3A_1538 = vector.load %arg5[%get3A_1536, %get3A_1537] : memref<256x5120xf32, #tpu.memory_space<vmem>>, vector<256x128xf32>
    %lt3A_1539 = vector.broadcast %broadcast_in_dim3A_1517 : vector<256x1xf32> to vector<256x128xf32>
    %lt3A_1540 = arith.cmpf olt, %get3A_1538, %lt3A_1539 : vector<256x128xf32>
    %convert_element_type3A = arith.extui %lt3A_1540 : vector<256x128xi1> to vector<256x128xi32>
    %add3A_1541 = arith.addi %broadcast_in_dim3A_1533, %convert_element_type3A : vector<256x128xi32>
    %eq3A_1542 = vector.broadcast %broadcast_in_dim3A_1517 : vector<256x1xf32> to vector<256x128xf32>
    %eq3A_1543 = arith.cmpf oeq, %get3A_1538, %eq3A_1542 : vector<256x128xf32>
    %convert_element_type3A_1544 = arith.extui %eq3A_1543 : vector<256x128xi1> to vector<256x128xi32>
    %add3A_1545 = arith.addi %broadcast_in_dim3A_1535, %convert_element_type3A_1544 : vector<256x128xi32>
    %get3A_1546 = arith.index_cast %mul3A_211 : i32 to index
    %get3A_1547 = arith.constant 128 : index
    %get3A_1548 = vector.load %arg5[%get3A_1546, %get3A_1547] : memref<256x5120xf32, #tpu.memory_space<vmem>>, vector<256x128xf32>
    %lt3A_1549 = vector.broadcast %broadcast_in_dim3A_1517 : vector<256x1xf32> to vector<256x128xf32>
    %lt3A_1550 = arith.cmpf olt, %get3A_1548, %lt3A_1549 : vector<256x128xf32>
    %convert_element_type3A_1551 = arith.extui %lt3A_1550 : vector<256x128xi1> to vector<256x128xi32>
    %add3A_1552 = arith.addi %add3A_1541, %convert_element_type3A_1551 : vector<256x128xi32>
    %eq3A_1553 = vector.broadcast %broadcast_in_dim3A_1517 : vector<256x1xf32> to vector<256x128xf32>
    %eq3A_1554 = arith.cmpf oeq, %get3A_1548, %eq3A_1553 : vector<256x128xf32>
    %convert_element_type3A_1555 = arith.extui %eq3A_1554 : vector<256x128xi1> to vector<256x128xi32>
    %add3A_1556 = arith.addi %add3A_1545, %convert_element_type3A_1555 : vector<256x128xi32>
    %get3A_1557 = arith.index_cast %mul3A_211 : i32 to index
    %get3A_1558 = arith.constant 256 : index
    %get3A_1559 = vector.load %arg5[%get3A_1557, %get3A_1558] : memref<256x5120xf32, #tpu.memory_space<vmem>>, vector<256x128xf32>
    %lt3A_1560 = vector.broadcast %broadcast_in_dim3A_1517 : vector<256x1xf32> to vector<256x128xf32>
    %lt3A_1561 = arith.cmpf olt, %get3A_1559, %lt3A_1560 : vector<256x128xf32>
    %convert_element_type3A_1562 = arith.extui %lt3A_1561 : vector<256x128xi1> to vector<256x128xi32>
    %add3A_1563 = arith.addi %add3A_1552, %convert_element_type3A_1562 : vector<256x128xi32>
    %eq3A_1564 = vector.broadcast %broadcast_in_dim3A_1517 : vector<256x1xf32> to vector<256x128xf32>
    %eq3A_1565 = arith.cmpf oeq, %get3A_1559, %eq3A_1564 : vector<256x128xf32>
    %convert_element_type3A_1566 = arith.extui %eq3A_1565 : vector<256x128xi1> to vector<256x128xi32>
    %add3A_1567 = arith.addi %add3A_1556, %convert_element_type3A_1566 : vector<256x128xi32>
    %get3A_1568 = arith.index_cast %mul3A_211 : i32 to index
    %get3A_1569 = arith.constant 384 : index
    %get3A_1570 = vector.load %arg5[%get3A_1568, %get3A_1569] : memref<256x5120xf32, #tpu.memory_space<vmem>>, vector<256x128xf32>
    %lt3A_1571 = vector.broadcast %broadcast_in_dim3A_1517 : vector<256x1xf32> to vector<256x128xf32>
    %lt3A_1572 = arith.cmpf olt, %get3A_1570, %lt3A_1571 : vector<256x128xf32>
    %convert_element_type3A_1573 = arith.extui %lt3A_1572 : vector<256x128xi1> to vector<256x128xi32>
    %add3A_1574 = arith.addi %add3A_1563, %convert_element_type3A_1573 : vector<256x128xi32>
    %eq3A_1575 = vector.broadcast %broadcast_in_dim3A_1517 : vector<256x1xf32> to vector<256x128xf32>
    %eq3A_1576 = arith.cmpf oeq, %get3A_1570, %eq3A_1575 : vector<256x128xf32>
    %convert_element_type3A_1577 = arith.extui %eq3A_1576 : vector<256x128xi1> to vector<256x128xi32>
    %add3A_1578 = arith.addi %add3A_1567, %convert_element_type3A_1577 : vector<256x128xi32>
    %get3A_1579 = arith.index_cast %mul3A_211 : i32 to index
    %get3A_1580 = arith.constant 512 : index
    %get3A_1581 = vector.load %arg5[%get3A_1579, %get3A_1580] : memref<256x5120xf32, #tpu.memory_space<vmem>>, vector<256x128xf32>
    %lt3A_1582 = vector.broadcast %broadcast_in_dim3A_1517 : vector<256x1xf32> to vector<256x128xf32>
    %lt3A_1583 = arith.cmpf olt, %get3A_1581, %lt3A_1582 : vector<256x128xf32>
    %convert_element_type3A_1584 = arith.extui %lt3A_1583 : vector<256x128xi1> to vector<256x128xi32>
    %add3A_1585 = arith.addi %add3A_1574, %convert_element_type3A_1584 : vector<256x128xi32>
    %eq3A_1586 = vector.broadcast %broadcast_in_dim3A_1517 : vector<256x1xf32> to vector<256x128xf32>
    %eq3A_1587 = arith.cmpf oeq, %get3A_1581, %eq3A_1586 : vector<256x128xf32>
    %convert_element_type3A_1588 = arith.extui %eq3A_1587 : vector<256x128xi1> to vector<256x128xi32>
    %add3A_1589 = arith.addi %add3A_1578, %convert_element_type3A_1588 : vector<256x128xi32>
    %get3A_1590 = arith.index_cast %mul3A_211 : i32 to index
    %get3A_1591 = arith.constant 640 : index
    %get3A_1592 = vector.load %arg5[%get3A_1590, %get3A_1591] : memref<256x5120xf32, #tpu.memory_space<vmem>>, vector<256x128xf32>
    %lt3A_1593 = vector.broadcast %broadcast_in_dim3A_1517 : vector<256x1xf32> to vector<256x128xf32>
    %lt3A_1594 = arith.cmpf olt, %get3A_1592, %lt3A_1593 : vector<256x128xf32>
    %convert_element_type3A_1595 = arith.extui %lt3A_1594 : vector<256x128xi1> to vector<256x128xi32>
    %add3A_1596 = arith.addi %add3A_1585, %convert_element_type3A_1595 : vector<256x128xi32>
    %eq3A_1597 = vector.broadcast %broadcast_in_dim3A_1517 : vector<256x1xf32> to vector<256x128xf32>
    %eq3A_1598 = arith.cmpf oeq, %get3A_1592, %eq3A_1597 : vector<256x128xf32>
    %convert_element_type3A_1599 = arith.extui %eq3A_1598 : vector<256x128xi1> to vector<256x128xi32>
    %add3A_1600 = arith.addi %add3A_1589, %convert_element_type3A_1599 : vector<256x128xi32>
    %get3A_1601 = arith.index_cast %mul3A_211 : i32 to index
    %get3A_1602 = arith.constant 768 : index
    %get3A_1603 = vector.load %arg5[%get3A_1601, %get3A_1602] : memref<256x5120xf32, #tpu.memory_space<vmem>>, vector<256x128xf32>
    %lt3A_1604 = vector.broadcast %broadcast_in_dim3A_1517 : vector<256x1xf32> to vector<256x128xf32>
    %lt3A_1605 = arith.cmpf olt, %get3A_1603, %lt3A_1604 : vector<256x128xf32>
    %convert_element_type3A_1606 = arith.extui %lt3A_1605 : vector<256x128xi1> to vector<256x128xi32>
    %add3A_1607 = arith.addi %add3A_1596, %convert_element_type3A_1606 : vector<256x128xi32>
    %eq3A_1608 = vector.broadcast %broadcast_in_dim3A_1517 : vector<256x1xf32> to vector<256x128xf32>
    %eq3A_1609 = arith.cmpf oeq, %get3A_1603, %eq3A_1608 : vector<256x128xf32>
    %convert_element_type3A_1610 = arith.extui %eq3A_1609 : vector<256x128xi1> to vector<256x128xi32>
    %add3A_1611 = arith.addi %add3A_1600, %convert_element_type3A_1610 : vector<256x128xi32>
    %get3A_1612 = arith.index_cast %mul3A_211 : i32 to index
    %get3A_1613 = arith.constant 896 : index
    %get3A_1614 = vector.load %arg5[%get3A_1612, %get3A_1613] : memref<256x5120xf32, #tpu.memory_space<vmem>>, vector<256x128xf32>
    %lt3A_1615 = vector.broadcast %broadcast_in_dim3A_1517 : vector<256x1xf32> to vector<256x128xf32>
    %lt3A_1616 = arith.cmpf olt, %get3A_1614, %lt3A_1615 : vector<256x128xf32>
    %convert_element_type3A_1617 = arith.extui %lt3A_1616 : vector<256x128xi1> to vector<256x128xi32>
    %add3A_1618 = arith.addi %add3A_1607, %convert_element_type3A_1617 : vector<256x128xi32>
    %eq3A_1619 = vector.broadcast %broadcast_in_dim3A_1517 : vector<256x1xf32> to vector<256x128xf32>
    %eq3A_1620 = arith.cmpf oeq, %get3A_1614, %eq3A_1619 : vector<256x128xf32>
    %convert_element_type3A_1621 = arith.extui %eq3A_1620 : vector<256x128xi1> to vector<256x128xi32>
    %add3A_1622 = arith.addi %add3A_1611, %convert_element_type3A_1621 : vector<256x128xi32>
    %get3A_1623 = arith.index_cast %mul3A_211 : i32 to index
    %get3A_1624 = arith.constant 1024 : index
    %get3A_1625 = vector.load %arg5[%get3A_1623, %get3A_1624] : memref<256x5120xf32, #tpu.memory_space<vmem>>, vector<256x128xf32>
    %lt3A_1626 = vector.broadcast %broadcast_in_dim3A_1517 : vector<256x1xf32> to vector<256x128xf32>
    %lt3A_1627 = arith.cmpf olt, %get3A_1625, %lt3A_1626 : vector<256x128xf32>
    %convert_element_type3A_1628 = arith.extui %lt3A_1627 : vector<256x128xi1> to vector<256x128xi32>
    %add3A_1629 = arith.addi %add3A_1618, %convert_element_type3A_1628 : vector<256x128xi32>
    %eq3A_1630 = vector.broadcast %broadcast_in_dim3A_1517 : vector<256x1xf32> to vector<256x128xf32>
    %eq3A_1631 = arith.cmpf oeq, %get3A_1625, %eq3A_1630 : vector<256x128xf32>
    %convert_element_type3A_1632 = arith.extui %eq3A_1631 : vector<256x128xi1> to vector<256x128xi32>
    %add3A_1633 = arith.addi %add3A_1622, %convert_element_type3A_1632 : vector<256x128xi32>
    %get3A_1634 = arith.index_cast %mul3A_211 : i32 to index
    %get3A_1635 = arith.constant 1152 : index
    %get3A_1636 = vector.load %arg5[%get3A_1634, %get3A_1635] : memref<256x5120xf32, #tpu.memory_space<vmem>>, vector<256x128xf32>
    %lt3A_1637 = vector.broadcast %broadcast_in_dim3A_1517 : vector<256x1xf32> to vector<256x128xf32>
    %lt3A_1638 = arith.cmpf olt, %get3A_1636, %lt3A_1637 : vector<256x128xf32>
    %convert_element_type3A_1639 = arith.extui %lt3A_1638 : vector<256x128xi1> to vector<256x128xi32>
    %add3A_1640 = arith.addi %add3A_1629, %convert_element_type3A_1639 : vector<256x128xi32>
    %eq3A_1641 = vector.broadcast %broadcast_in_dim3A_1517 : vector<256x1xf32> to vector<256x128xf32>
    %eq3A_1642 = arith.cmpf oeq, %get3A_1636, %eq3A_1641 : vector<256x128xf32>
    %convert_element_type3A_1643 = arith.extui %eq3A_1642 : vector<256x128xi1> to vector<256x128xi32>
    %add3A_1644 = arith.addi %add3A_1633, %convert_element_type3A_1643 : vector<256x128xi32>
    %get3A_1645 = arith.index_cast %mul3A_211 : i32 to index
    %get3A_1646 = arith.constant 1280 : index
    %get3A_1647 = vector.load %arg5[%get3A_1645, %get3A_1646] : memref<256x5120xf32, #tpu.memory_space<vmem>>, vector<256x128xf32>
    %lt3A_1648 = vector.broadcast %broadcast_in_dim3A_1517 : vector<256x1xf32> to vector<256x128xf32>
    %lt3A_1649 = arith.cmpf olt, %get3A_1647, %lt3A_1648 : vector<256x128xf32>
    %convert_element_type3A_1650 = arith.extui %lt3A_1649 : vector<256x128xi1> to vector<256x128xi32>
    %add3A_1651 = arith.addi %add3A_1640, %convert_element_type3A_1650 : vector<256x128xi32>
    %eq3A_1652 = vector.broadcast %broadcast_in_dim3A_1517 : vector<256x1xf32> to vector<256x128xf32>
    %eq3A_1653 = arith.cmpf oeq, %get3A_1647, %eq3A_1652 : vector<256x128xf32>
    %convert_element_type3A_1654 = arith.extui %eq3A_1653 : vector<256x128xi1> to vector<256x128xi32>
    %add3A_1655 = arith.addi %add3A_1644, %convert_element_type3A_1654 : vector<256x128xi32>
    %get3A_1656 = arith.index_cast %mul3A_211 : i32 to index
    %get3A_1657 = arith.constant 1408 : index
    %get3A_1658 = vector.load %arg5[%get3A_1656, %get3A_1657] : memref<256x5120xf32, #tpu.memory_space<vmem>>, vector<256x128xf32>
    %lt3A_1659 = vector.broadcast %broadcast_in_dim3A_1517 : vector<256x1xf32> to vector<256x128xf32>
    %lt3A_1660 = arith.cmpf olt, %get3A_1658, %lt3A_1659 : vector<256x128xf32>
    %convert_element_type3A_1661 = arith.extui %lt3A_1660 : vector<256x128xi1> to vector<256x128xi32>
    %add3A_1662 = arith.addi %add3A_1651, %convert_element_type3A_1661 : vector<256x128xi32>
    %eq3A_1663 = vector.broadcast %broadcast_in_dim3A_1517 : vector<256x1xf32> to vector<256x128xf32>
    %eq3A_1664 = arith.cmpf oeq, %get3A_1658, %eq3A_1663 : vector<256x128xf32>
    %convert_element_type3A_1665 = arith.extui %eq3A_1664 : vector<256x128xi1> to vector<256x128xi32>
    %add3A_1666 = arith.addi %add3A_1655, %convert_element_type3A_1665 : vector<256x128xi32>
    %get3A_1667 = arith.index_cast %mul3A_211 : i32 to index
    %get3A_1668 = arith.constant 1536 : index
    %get3A_1669 = vector.load %arg5[%get3A_1667, %get3A_1668] : memref<256x5120xf32, #tpu.memory_space<vmem>>, vector<256x128xf32>
    %lt3A_1670 = vector.broadcast %broadcast_in_dim3A_1517 : vector<256x1xf32> to vector<256x128xf32>
    %lt3A_1671 = arith.cmpf olt, %get3A_1669, %lt3A_1670 : vector<256x128xf32>
    %convert_element_type3A_1672 = arith.extui %lt3A_1671 : vector<256x128xi1> to vector<256x128xi32>
    %add3A_1673 = arith.addi %add3A_1662, %convert_element_type3A_1672 : vector<256x128xi32>
    %eq3A_1674 = vector.broadcast %broadcast_in_dim3A_1517 : vector<256x1xf32> to vector<256x128xf32>
    %eq3A_1675 = arith.cmpf oeq, %get3A_1669, %eq3A_1674 : vector<256x128xf32>
    %convert_element_type3A_1676 = arith.extui %eq3A_1675 : vector<256x128xi1> to vector<256x128xi32>
    %add3A_1677 = arith.addi %add3A_1666, %convert_element_type3A_1676 : vector<256x128xi32>
    %get3A_1678 = arith.index_cast %mul3A_211 : i32 to index
    %get3A_1679 = arith.constant 1664 : index
    %get3A_1680 = vector.load %arg5[%get3A_1678, %get3A_1679] : memref<256x5120xf32, #tpu.memory_space<vmem>>, vector<256x128xf32>
    %lt3A_1681 = vector.broadcast %broadcast_in_dim3A_1517 : vector<256x1xf32> to vector<256x128xf32>
    %lt3A_1682 = arith.cmpf olt, %get3A_1680, %lt3A_1681 : vector<256x128xf32>
    %convert_element_type3A_1683 = arith.extui %lt3A_1682 : vector<256x128xi1> to vector<256x128xi32>
    %add3A_1684 = arith.addi %add3A_1673, %convert_element_type3A_1683 : vector<256x128xi32>
    %eq3A_1685 = vector.broadcast %broadcast_in_dim3A_1517 : vector<256x1xf32> to vector<256x128xf32>
    %eq3A_1686 = arith.cmpf oeq, %get3A_1680, %eq3A_1685 : vector<256x128xf32>
    %convert_element_type3A_1687 = arith.extui %eq3A_1686 : vector<256x128xi1> to vector<256x128xi32>
    %add3A_1688 = arith.addi %add3A_1677, %convert_element_type3A_1687 : vector<256x128xi32>
    %get3A_1689 = arith.index_cast %mul3A_211 : i32 to index
    %get3A_1690 = arith.constant 1792 : index
    %get3A_1691 = vector.load %arg5[%get3A_1689, %get3A_1690] : memref<256x5120xf32, #tpu.memory_space<vmem>>, vector<256x128xf32>
    %lt3A_1692 = vector.broadcast %broadcast_in_dim3A_1517 : vector<256x1xf32> to vector<256x128xf32>
    %lt3A_1693 = arith.cmpf olt, %get3A_1691, %lt3A_1692 : vector<256x128xf32>
    %convert_element_type3A_1694 = arith.extui %lt3A_1693 : vector<256x128xi1> to vector<256x128xi32>
    %add3A_1695 = arith.addi %add3A_1684, %convert_element_type3A_1694 : vector<256x128xi32>
    %eq3A_1696 = vector.broadcast %broadcast_in_dim3A_1517 : vector<256x1xf32> to vector<256x128xf32>
    %eq3A_1697 = arith.cmpf oeq, %get3A_1691, %eq3A_1696 : vector<256x128xf32>
    %convert_element_type3A_1698 = arith.extui %eq3A_1697 : vector<256x128xi1> to vector<256x128xi32>
    %add3A_1699 = arith.addi %add3A_1688, %convert_element_type3A_1698 : vector<256x128xi32>
    %get3A_1700 = arith.index_cast %mul3A_211 : i32 to index
    %get3A_1701 = arith.constant 1920 : index
    %get3A_1702 = vector.load %arg5[%get3A_1700, %get3A_1701] : memref<256x5120xf32, #tpu.memory_space<vmem>>, vector<256x128xf32>
    %lt3A_1703 = vector.broadcast %broadcast_in_dim3A_1517 : vector<256x1xf32> to vector<256x128xf32>
    %lt3A_1704 = arith.cmpf olt, %get3A_1702, %lt3A_1703 : vector<256x128xf32>
    %convert_element_type3A_1705 = arith.extui %lt3A_1704 : vector<256x128xi1> to vector<256x128xi32>
    %add3A_1706 = arith.addi %add3A_1695, %convert_element_type3A_1705 : vector<256x128xi32>
    %eq3A_1707 = vector.broadcast %broadcast_in_dim3A_1517 : vector<256x1xf32> to vector<256x128xf32>
    %eq3A_1708 = arith.cmpf oeq, %get3A_1702, %eq3A_1707 : vector<256x128xf32>
    %convert_element_type3A_1709 = arith.extui %eq3A_1708 : vector<256x128xi1> to vector<256x128xi32>
    %add3A_1710 = arith.addi %add3A_1699, %convert_element_type3A_1709 : vector<256x128xi32>
    %get3A_1711 = arith.index_cast %mul3A_211 : i32 to index
    %get3A_1712 = arith.constant 2048 : index
    %get3A_1713 = vector.load %arg5[%get3A_1711, %get3A_1712] : memref<256x5120xf32, #tpu.memory_space<vmem>>, vector<256x128xf32>
    %lt3A_1714 = vector.broadcast %broadcast_in_dim3A_1517 : vector<256x1xf32> to vector<256x128xf32>
    %lt3A_1715 = arith.cmpf olt, %get3A_1713, %lt3A_1714 : vector<256x128xf32>
    %convert_element_type3A_1716 = arith.extui %lt3A_1715 : vector<256x128xi1> to vector<256x128xi32>
    %add3A_1717 = arith.addi %add3A_1706, %convert_element_type3A_1716 : vector<256x128xi32>
    %eq3A_1718 = vector.broadcast %broadcast_in_dim3A_1517 : vector<256x1xf32> to vector<256x128xf32>
    %eq3A_1719 = arith.cmpf oeq, %get3A_1713, %eq3A_1718 : vector<256x128xf32>
    %convert_element_type3A_1720 = arith.extui %eq3A_1719 : vector<256x128xi1> to vector<256x128xi32>
    %add3A_1721 = arith.addi %add3A_1710, %convert_element_type3A_1720 : vector<256x128xi32>
    %get3A_1722 = arith.index_cast %mul3A_211 : i32 to index
    %get3A_1723 = arith.constant 2176 : index
    %get3A_1724 = vector.load %arg5[%get3A_1722, %get3A_1723] : memref<256x5120xf32, #tpu.memory_space<vmem>>, vector<256x128xf32>
    %lt3A_1725 = vector.broadcast %broadcast_in_dim3A_1517 : vector<256x1xf32> to vector<256x128xf32>
    %lt3A_1726 = arith.cmpf olt, %get3A_1724, %lt3A_1725 : vector<256x128xf32>
    %convert_element_type3A_1727 = arith.extui %lt3A_1726 : vector<256x128xi1> to vector<256x128xi32>
    %add3A_1728 = arith.addi %add3A_1717, %convert_element_type3A_1727 : vector<256x128xi32>
    %eq3A_1729 = vector.broadcast %broadcast_in_dim3A_1517 : vector<256x1xf32> to vector<256x128xf32>
    %eq3A_1730 = arith.cmpf oeq, %get3A_1724, %eq3A_1729 : vector<256x128xf32>
    %convert_element_type3A_1731 = arith.extui %eq3A_1730 : vector<256x128xi1> to vector<256x128xi32>
    %add3A_1732 = arith.addi %add3A_1721, %convert_element_type3A_1731 : vector<256x128xi32>
    %get3A_1733 = arith.index_cast %mul3A_211 : i32 to index
    %get3A_1734 = arith.constant 2304 : index
    %get3A_1735 = vector.load %arg5[%get3A_1733, %get3A_1734] : memref<256x5120xf32, #tpu.memory_space<vmem>>, vector<256x128xf32>
    %lt3A_1736 = vector.broadcast %broadcast_in_dim3A_1517 : vector<256x1xf32> to vector<256x128xf32>
    %lt3A_1737 = arith.cmpf olt, %get3A_1735, %lt3A_1736 : vector<256x128xf32>
    %convert_element_type3A_1738 = arith.extui %lt3A_1737 : vector<256x128xi1> to vector<256x128xi32>
    %add3A_1739 = arith.addi %add3A_1728, %convert_element_type3A_1738 : vector<256x128xi32>
    %eq3A_1740 = vector.broadcast %broadcast_in_dim3A_1517 : vector<256x1xf32> to vector<256x128xf32>
    %eq3A_1741 = arith.cmpf oeq, %get3A_1735, %eq3A_1740 : vector<256x128xf32>
    %convert_element_type3A_1742 = arith.extui %eq3A_1741 : vector<256x128xi1> to vector<256x128xi32>
    %add3A_1743 = arith.addi %add3A_1732, %convert_element_type3A_1742 : vector<256x128xi32>
    %get3A_1744 = arith.index_cast %mul3A_211 : i32 to index
    %get3A_1745 = arith.constant 2432 : index
    %get3A_1746 = vector.load %arg5[%get3A_1744, %get3A_1745] : memref<256x5120xf32, #tpu.memory_space<vmem>>, vector<256x128xf32>
    %lt3A_1747 = vector.broadcast %broadcast_in_dim3A_1517 : vector<256x1xf32> to vector<256x128xf32>
    %lt3A_1748 = arith.cmpf olt, %get3A_1746, %lt3A_1747 : vector<256x128xf32>
    %convert_element_type3A_1749 = arith.extui %lt3A_1748 : vector<256x128xi1> to vector<256x128xi32>
    %add3A_1750 = arith.addi %add3A_1739, %convert_element_type3A_1749 : vector<256x128xi32>
    %eq3A_1751 = vector.broadcast %broadcast_in_dim3A_1517 : vector<256x1xf32> to vector<256x128xf32>
    %eq3A_1752 = arith.cmpf oeq, %get3A_1746, %eq3A_1751 : vector<256x128xf32>
    %convert_element_type3A_1753 = arith.extui %eq3A_1752 : vector<256x128xi1> to vector<256x128xi32>
    %add3A_1754 = arith.addi %add3A_1743, %convert_element_type3A_1753 : vector<256x128xi32>
    %get3A_1755 = arith.index_cast %mul3A_211 : i32 to index
    %get3A_1756 = arith.constant 2560 : index
    %get3A_1757 = vector.load %arg5[%get3A_1755, %get3A_1756] : memref<256x5120xf32, #tpu.memory_space<vmem>>, vector<256x128xf32>
    %lt3A_1758 = vector.broadcast %broadcast_in_dim3A_1517 : vector<256x1xf32> to vector<256x128xf32>
    %lt3A_1759 = arith.cmpf olt, %get3A_1757, %lt3A_1758 : vector<256x128xf32>
    %convert_element_type3A_1760 = arith.extui %lt3A_1759 : vector<256x128xi1> to vector<256x128xi32>
    %add3A_1761 = arith.addi %add3A_1750, %convert_element_type3A_1760 : vector<256x128xi32>
    %eq3A_1762 = vector.broadcast %broadcast_in_dim3A_1517 : vector<256x1xf32> to vector<256x128xf32>
    %eq3A_1763 = arith.cmpf oeq, %get3A_1757, %eq3A_1762 : vector<256x128xf32>
    %convert_element_type3A_1764 = arith.extui %eq3A_1763 : vector<256x128xi1> to vector<256x128xi32>
    %add3A_1765 = arith.addi %add3A_1754, %convert_element_type3A_1764 : vector<256x128xi32>
    %get3A_1766 = arith.index_cast %mul3A_211 : i32 to index
    %get3A_1767 = arith.constant 2688 : index
    %get3A_1768 = vector.load %arg5[%get3A_1766, %get3A_1767] : memref<256x5120xf32, #tpu.memory_space<vmem>>, vector<256x128xf32>
    %lt3A_1769 = vector.broadcast %broadcast_in_dim3A_1517 : vector<256x1xf32> to vector<256x128xf32>
    %lt3A_1770 = arith.cmpf olt, %get3A_1768, %lt3A_1769 : vector<256x128xf32>
    %convert_element_type3A_1771 = arith.extui %lt3A_1770 : vector<256x128xi1> to vector<256x128xi32>
    %add3A_1772 = arith.addi %add3A_1761, %convert_element_type3A_1771 : vector<256x128xi32>
    %eq3A_1773 = vector.broadcast %broadcast_in_dim3A_1517 : vector<256x1xf32> to vector<256x128xf32>
    %eq3A_1774 = arith.cmpf oeq, %get3A_1768, %eq3A_1773 : vector<256x128xf32>
    %convert_element_type3A_1775 = arith.extui %eq3A_1774 : vector<256x128xi1> to vector<256x128xi32>
    %add3A_1776 = arith.addi %add3A_1765, %convert_element_type3A_1775 : vector<256x128xi32>
    %get3A_1777 = arith.index_cast %mul3A_211 : i32 to index
    %get3A_1778 = arith.constant 2816 : index
    %get3A_1779 = vector.load %arg5[%get3A_1777, %get3A_1778] : memref<256x5120xf32, #tpu.memory_space<vmem>>, vector<256x128xf32>
    %lt3A_1780 = vector.broadcast %broadcast_in_dim3A_1517 : vector<256x1xf32> to vector<256x128xf32>
    %lt3A_1781 = arith.cmpf olt, %get3A_1779, %lt3A_1780 : vector<256x128xf32>
    %convert_element_type3A_1782 = arith.extui %lt3A_1781 : vector<256x128xi1> to vector<256x128xi32>
    %add3A_1783 = arith.addi %add3A_1772, %convert_element_type3A_1782 : vector<256x128xi32>
    %eq3A_1784 = vector.broadcast %broadcast_in_dim3A_1517 : vector<256x1xf32> to vector<256x128xf32>
    %eq3A_1785 = arith.cmpf oeq, %get3A_1779, %eq3A_1784 : vector<256x128xf32>
    %convert_element_type3A_1786 = arith.extui %eq3A_1785 : vector<256x128xi1> to vector<256x128xi32>
    %add3A_1787 = arith.addi %add3A_1776, %convert_element_type3A_1786 : vector<256x128xi32>
    %get3A_1788 = arith.index_cast %mul3A_211 : i32 to index
    %get3A_1789 = arith.constant 2944 : index
    %get3A_1790 = vector.load %arg5[%get3A_1788, %get3A_1789] : memref<256x5120xf32, #tpu.memory_space<vmem>>, vector<256x128xf32>
    %lt3A_1791 = vector.broadcast %broadcast_in_dim3A_1517 : vector<256x1xf32> to vector<256x128xf32>
    %lt3A_1792 = arith.cmpf olt, %get3A_1790, %lt3A_1791 : vector<256x128xf32>
    %convert_element_type3A_1793 = arith.extui %lt3A_1792 : vector<256x128xi1> to vector<256x128xi32>
    %add3A_1794 = arith.addi %add3A_1783, %convert_element_type3A_1793 : vector<256x128xi32>
    %eq3A_1795 = vector.broadcast %broadcast_in_dim3A_1517 : vector<256x1xf32> to vector<256x128xf32>
    %eq3A_1796 = arith.cmpf oeq, %get3A_1790, %eq3A_1795 : vector<256x128xf32>
    %convert_element_type3A_1797 = arith.extui %eq3A_1796 : vector<256x128xi1> to vector<256x128xi32>
    %add3A_1798 = arith.addi %add3A_1787, %convert_element_type3A_1797 : vector<256x128xi32>
    %get3A_1799 = arith.index_cast %mul3A_211 : i32 to index
    %get3A_1800 = arith.constant 3072 : index
    %get3A_1801 = vector.load %arg5[%get3A_1799, %get3A_1800] : memref<256x5120xf32, #tpu.memory_space<vmem>>, vector<256x128xf32>
    %lt3A_1802 = vector.broadcast %broadcast_in_dim3A_1517 : vector<256x1xf32> to vector<256x128xf32>
    %lt3A_1803 = arith.cmpf olt, %get3A_1801, %lt3A_1802 : vector<256x128xf32>
    %convert_element_type3A_1804 = arith.extui %lt3A_1803 : vector<256x128xi1> to vector<256x128xi32>
    %add3A_1805 = arith.addi %add3A_1794, %convert_element_type3A_1804 : vector<256x128xi32>
    %eq3A_1806 = vector.broadcast %broadcast_in_dim3A_1517 : vector<256x1xf32> to vector<256x128xf32>
    %eq3A_1807 = arith.cmpf oeq, %get3A_1801, %eq3A_1806 : vector<256x128xf32>
    %convert_element_type3A_1808 = arith.extui %eq3A_1807 : vector<256x128xi1> to vector<256x128xi32>
    %add3A_1809 = arith.addi %add3A_1798, %convert_element_type3A_1808 : vector<256x128xi32>
    %get3A_1810 = arith.index_cast %mul3A_211 : i32 to index
    %get3A_1811 = arith.constant 3200 : index
    %get3A_1812 = vector.load %arg5[%get3A_1810, %get3A_1811] : memref<256x5120xf32, #tpu.memory_space<vmem>>, vector<256x128xf32>
    %lt3A_1813 = vector.broadcast %broadcast_in_dim3A_1517 : vector<256x1xf32> to vector<256x128xf32>
    %lt3A_1814 = arith.cmpf olt, %get3A_1812, %lt3A_1813 : vector<256x128xf32>
    %convert_element_type3A_1815 = arith.extui %lt3A_1814 : vector<256x128xi1> to vector<256x128xi32>
    %add3A_1816 = arith.addi %add3A_1805, %convert_element_type3A_1815 : vector<256x128xi32>
    %eq3A_1817 = vector.broadcast %broadcast_in_dim3A_1517 : vector<256x1xf32> to vector<256x128xf32>
    %eq3A_1818 = arith.cmpf oeq, %get3A_1812, %eq3A_1817 : vector<256x128xf32>
    %convert_element_type3A_1819 = arith.extui %eq3A_1818 : vector<256x128xi1> to vector<256x128xi32>
    %add3A_1820 = arith.addi %add3A_1809, %convert_element_type3A_1819 : vector<256x128xi32>
    %get3A_1821 = arith.index_cast %mul3A_211 : i32 to index
    %get3A_1822 = arith.constant 3328 : index
    %get3A_1823 = vector.load %arg5[%get3A_1821, %get3A_1822] : memref<256x5120xf32, #tpu.memory_space<vmem>>, vector<256x128xf32>
    %lt3A_1824 = vector.broadcast %broadcast_in_dim3A_1517 : vector<256x1xf32> to vector<256x128xf32>
    %lt3A_1825 = arith.cmpf olt, %get3A_1823, %lt3A_1824 : vector<256x128xf32>
    %convert_element_type3A_1826 = arith.extui %lt3A_1825 : vector<256x128xi1> to vector<256x128xi32>
    %add3A_1827 = arith.addi %add3A_1816, %convert_element_type3A_1826 : vector<256x128xi32>
    %eq3A_1828 = vector.broadcast %broadcast_in_dim3A_1517 : vector<256x1xf32> to vector<256x128xf32>
    %eq3A_1829 = arith.cmpf oeq, %get3A_1823, %eq3A_1828 : vector<256x128xf32>
    %convert_element_type3A_1830 = arith.extui %eq3A_1829 : vector<256x128xi1> to vector<256x128xi32>
    %add3A_1831 = arith.addi %add3A_1820, %convert_element_type3A_1830 : vector<256x128xi32>
    %get3A_1832 = arith.index_cast %mul3A_211 : i32 to index
    %get3A_1833 = arith.constant 3456 : index
    %get3A_1834 = vector.load %arg5[%get3A_1832, %get3A_1833] : memref<256x5120xf32, #tpu.memory_space<vmem>>, vector<256x128xf32>
    %lt3A_1835 = vector.broadcast %broadcast_in_dim3A_1517 : vector<256x1xf32> to vector<256x128xf32>
    %lt3A_1836 = arith.cmpf olt, %get3A_1834, %lt3A_1835 : vector<256x128xf32>
    %convert_element_type3A_1837 = arith.extui %lt3A_1836 : vector<256x128xi1> to vector<256x128xi32>
    %add3A_1838 = arith.addi %add3A_1827, %convert_element_type3A_1837 : vector<256x128xi32>
    %eq3A_1839 = vector.broadcast %broadcast_in_dim3A_1517 : vector<256x1xf32> to vector<256x128xf32>
    %eq3A_1840 = arith.cmpf oeq, %get3A_1834, %eq3A_1839 : vector<256x128xf32>
    %convert_element_type3A_1841 = arith.extui %eq3A_1840 : vector<256x128xi1> to vector<256x128xi32>
    %add3A_1842 = arith.addi %add3A_1831, %convert_element_type3A_1841 : vector<256x128xi32>
    %get3A_1843 = arith.index_cast %mul3A_211 : i32 to index
    %get3A_1844 = arith.constant 3584 : index
    %get3A_1845 = vector.load %arg5[%get3A_1843, %get3A_1844] : memref<256x5120xf32, #tpu.memory_space<vmem>>, vector<256x128xf32>
    %lt3A_1846 = vector.broadcast %broadcast_in_dim3A_1517 : vector<256x1xf32> to vector<256x128xf32>
    %lt3A_1847 = arith.cmpf olt, %get3A_1845, %lt3A_1846 : vector<256x128xf32>
    %convert_element_type3A_1848 = arith.extui %lt3A_1847 : vector<256x128xi1> to vector<256x128xi32>
    %add3A_1849 = arith.addi %add3A_1838, %convert_element_type3A_1848 : vector<256x128xi32>
    %eq3A_1850 = vector.broadcast %broadcast_in_dim3A_1517 : vector<256x1xf32> to vector<256x128xf32>
    %eq3A_1851 = arith.cmpf oeq, %get3A_1845, %eq3A_1850 : vector<256x128xf32>
    %convert_element_type3A_1852 = arith.extui %eq3A_1851 : vector<256x128xi1> to vector<256x128xi32>
    %add3A_1853 = arith.addi %add3A_1842, %convert_element_type3A_1852 : vector<256x128xi32>
    %get3A_1854 = arith.index_cast %mul3A_211 : i32 to index
    %get3A_1855 = arith.constant 3712 : index
    %get3A_1856 = vector.load %arg5[%get3A_1854, %get3A_1855] : memref<256x5120xf32, #tpu.memory_space<vmem>>, vector<256x128xf32>
    %lt3A_1857 = vector.broadcast %broadcast_in_dim3A_1517 : vector<256x1xf32> to vector<256x128xf32>
    %lt3A_1858 = arith.cmpf olt, %get3A_1856, %lt3A_1857 : vector<256x128xf32>
    %convert_element_type3A_1859 = arith.extui %lt3A_1858 : vector<256x128xi1> to vector<256x128xi32>
    %add3A_1860 = arith.addi %add3A_1849, %convert_element_type3A_1859 : vector<256x128xi32>
    %eq3A_1861 = vector.broadcast %broadcast_in_dim3A_1517 : vector<256x1xf32> to vector<256x128xf32>
    %eq3A_1862 = arith.cmpf oeq, %get3A_1856, %eq3A_1861 : vector<256x128xf32>
    %convert_element_type3A_1863 = arith.extui %eq3A_1862 : vector<256x128xi1> to vector<256x128xi32>
    %add3A_1864 = arith.addi %add3A_1853, %convert_element_type3A_1863 : vector<256x128xi32>
    %get3A_1865 = arith.index_cast %mul3A_211 : i32 to index
    %get3A_1866 = arith.constant 3840 : index
    %get3A_1867 = vector.load %arg5[%get3A_1865, %get3A_1866] : memref<256x5120xf32, #tpu.memory_space<vmem>>, vector<256x128xf32>
    %lt3A_1868 = vector.broadcast %broadcast_in_dim3A_1517 : vector<256x1xf32> to vector<256x128xf32>
    %lt3A_1869 = arith.cmpf olt, %get3A_1867, %lt3A_1868 : vector<256x128xf32>
    %convert_element_type3A_1870 = arith.extui %lt3A_1869 : vector<256x128xi1> to vector<256x128xi32>
    %add3A_1871 = arith.addi %add3A_1860, %convert_element_type3A_1870 : vector<256x128xi32>
    %eq3A_1872 = vector.broadcast %broadcast_in_dim3A_1517 : vector<256x1xf32> to vector<256x128xf32>
    %eq3A_1873 = arith.cmpf oeq, %get3A_1867, %eq3A_1872 : vector<256x128xf32>
    %convert_element_type3A_1874 = arith.extui %eq3A_1873 : vector<256x128xi1> to vector<256x128xi32>
    %add3A_1875 = arith.addi %add3A_1864, %convert_element_type3A_1874 : vector<256x128xi32>
    %get3A_1876 = arith.index_cast %mul3A_211 : i32 to index
    %get3A_1877 = arith.constant 3968 : index
    %get3A_1878 = vector.load %arg5[%get3A_1876, %get3A_1877] : memref<256x5120xf32, #tpu.memory_space<vmem>>, vector<256x128xf32>
    %lt3A_1879 = vector.broadcast %broadcast_in_dim3A_1517 : vector<256x1xf32> to vector<256x128xf32>
    %lt3A_1880 = arith.cmpf olt, %get3A_1878, %lt3A_1879 : vector<256x128xf32>
    %convert_element_type3A_1881 = arith.extui %lt3A_1880 : vector<256x128xi1> to vector<256x128xi32>
    %add3A_1882 = arith.addi %add3A_1871, %convert_element_type3A_1881 : vector<256x128xi32>
    %eq3A_1883 = vector.broadcast %broadcast_in_dim3A_1517 : vector<256x1xf32> to vector<256x128xf32>
    %eq3A_1884 = arith.cmpf oeq, %get3A_1878, %eq3A_1883 : vector<256x128xf32>
    %convert_element_type3A_1885 = arith.extui %eq3A_1884 : vector<256x128xi1> to vector<256x128xi32>
    %add3A_1886 = arith.addi %add3A_1875, %convert_element_type3A_1885 : vector<256x128xi32>
    %get3A_1887 = arith.index_cast %mul3A_211 : i32 to index
    %get3A_1888 = arith.constant 4096 : index
    %get3A_1889 = vector.load %arg5[%get3A_1887, %get3A_1888] : memref<256x5120xf32, #tpu.memory_space<vmem>>, vector<256x128xf32>
    %lt3A_1890 = vector.broadcast %broadcast_in_dim3A_1517 : vector<256x1xf32> to vector<256x128xf32>
    %lt3A_1891 = arith.cmpf olt, %get3A_1889, %lt3A_1890 : vector<256x128xf32>
    %convert_element_type3A_1892 = arith.extui %lt3A_1891 : vector<256x128xi1> to vector<256x128xi32>
    %add3A_1893 = arith.addi %add3A_1882, %convert_element_type3A_1892 : vector<256x128xi32>
    %eq3A_1894 = vector.broadcast %broadcast_in_dim3A_1517 : vector<256x1xf32> to vector<256x128xf32>
    %eq3A_1895 = arith.cmpf oeq, %get3A_1889, %eq3A_1894 : vector<256x128xf32>
    %convert_element_type3A_1896 = arith.extui %eq3A_1895 : vector<256x128xi1> to vector<256x128xi32>
    %add3A_1897 = arith.addi %add3A_1886, %convert_element_type3A_1896 : vector<256x128xi32>
    %get3A_1898 = arith.index_cast %mul3A_211 : i32 to index
    %get3A_1899 = arith.constant 4224 : index
    %get3A_1900 = vector.load %arg5[%get3A_1898, %get3A_1899] : memref<256x5120xf32, #tpu.memory_space<vmem>>, vector<256x128xf32>
    %lt3A_1901 = vector.broadcast %broadcast_in_dim3A_1517 : vector<256x1xf32> to vector<256x128xf32>
    %lt3A_1902 = arith.cmpf olt, %get3A_1900, %lt3A_1901 : vector<256x128xf32>
    %convert_element_type3A_1903 = arith.extui %lt3A_1902 : vector<256x128xi1> to vector<256x128xi32>
    %add3A_1904 = arith.addi %add3A_1893, %convert_element_type3A_1903 : vector<256x128xi32>
    %eq3A_1905 = vector.broadcast %broadcast_in_dim3A_1517 : vector<256x1xf32> to vector<256x128xf32>
    %eq3A_1906 = arith.cmpf oeq, %get3A_1900, %eq3A_1905 : vector<256x128xf32>
    %convert_element_type3A_1907 = arith.extui %eq3A_1906 : vector<256x128xi1> to vector<256x128xi32>
    %add3A_1908 = arith.addi %add3A_1897, %convert_element_type3A_1907 : vector<256x128xi32>
    %get3A_1909 = arith.index_cast %mul3A_211 : i32 to index
    %get3A_1910 = arith.constant 4352 : index
    %get3A_1911 = vector.load %arg5[%get3A_1909, %get3A_1910] : memref<256x5120xf32, #tpu.memory_space<vmem>>, vector<256x128xf32>
    %lt3A_1912 = vector.broadcast %broadcast_in_dim3A_1517 : vector<256x1xf32> to vector<256x128xf32>
    %lt3A_1913 = arith.cmpf olt, %get3A_1911, %lt3A_1912 : vector<256x128xf32>
    %convert_element_type3A_1914 = arith.extui %lt3A_1913 : vector<256x128xi1> to vector<256x128xi32>
    %add3A_1915 = arith.addi %add3A_1904, %convert_element_type3A_1914 : vector<256x128xi32>
    %eq3A_1916 = vector.broadcast %broadcast_in_dim3A_1517 : vector<256x1xf32> to vector<256x128xf32>
    %eq3A_1917 = arith.cmpf oeq, %get3A_1911, %eq3A_1916 : vector<256x128xf32>
    %convert_element_type3A_1918 = arith.extui %eq3A_1917 : vector<256x128xi1> to vector<256x128xi32>
    %add3A_1919 = arith.addi %add3A_1908, %convert_element_type3A_1918 : vector<256x128xi32>
    %get3A_1920 = arith.index_cast %mul3A_211 : i32 to index
    %get3A_1921 = arith.constant 4480 : index
    %get3A_1922 = vector.load %arg5[%get3A_1920, %get3A_1921] : memref<256x5120xf32, #tpu.memory_space<vmem>>, vector<256x128xf32>
    %lt3A_1923 = vector.broadcast %broadcast_in_dim3A_1517 : vector<256x1xf32> to vector<256x128xf32>
    %lt3A_1924 = arith.cmpf olt, %get3A_1922, %lt3A_1923 : vector<256x128xf32>
    %convert_element_type3A_1925 = arith.extui %lt3A_1924 : vector<256x128xi1> to vector<256x128xi32>
    %add3A_1926 = arith.addi %add3A_1915, %convert_element_type3A_1925 : vector<256x128xi32>
    %eq3A_1927 = vector.broadcast %broadcast_in_dim3A_1517 : vector<256x1xf32> to vector<256x128xf32>
    %eq3A_1928 = arith.cmpf oeq, %get3A_1922, %eq3A_1927 : vector<256x128xf32>
    %convert_element_type3A_1929 = arith.extui %eq3A_1928 : vector<256x128xi1> to vector<256x128xi32>
    %add3A_1930 = arith.addi %add3A_1919, %convert_element_type3A_1929 : vector<256x128xi32>
    %get3A_1931 = arith.index_cast %mul3A_211 : i32 to index
    %get3A_1932 = arith.constant 4608 : index
    %get3A_1933 = vector.load %arg5[%get3A_1931, %get3A_1932] : memref<256x5120xf32, #tpu.memory_space<vmem>>, vector<256x128xf32>
    %lt3A_1934 = vector.broadcast %broadcast_in_dim3A_1517 : vector<256x1xf32> to vector<256x128xf32>
    %lt3A_1935 = arith.cmpf olt, %get3A_1933, %lt3A_1934 : vector<256x128xf32>
    %convert_element_type3A_1936 = arith.extui %lt3A_1935 : vector<256x128xi1> to vector<256x128xi32>
    %add3A_1937 = arith.addi %add3A_1926, %convert_element_type3A_1936 : vector<256x128xi32>
    %eq3A_1938 = vector.broadcast %broadcast_in_dim3A_1517 : vector<256x1xf32> to vector<256x128xf32>
    %eq3A_1939 = arith.cmpf oeq, %get3A_1933, %eq3A_1938 : vector<256x128xf32>
    %convert_element_type3A_1940 = arith.extui %eq3A_1939 : vector<256x128xi1> to vector<256x128xi32>
    %add3A_1941 = arith.addi %add3A_1930, %convert_element_type3A_1940 : vector<256x128xi32>
    %get3A_1942 = arith.index_cast %mul3A_211 : i32 to index
    %get3A_1943 = arith.constant 4736 : index
    %get3A_1944 = vector.load %arg5[%get3A_1942, %get3A_1943] : memref<256x5120xf32, #tpu.memory_space<vmem>>, vector<256x128xf32>
    %lt3A_1945 = vector.broadcast %broadcast_in_dim3A_1517 : vector<256x1xf32> to vector<256x128xf32>
    %lt3A_1946 = arith.cmpf olt, %get3A_1944, %lt3A_1945 : vector<256x128xf32>
    %convert_element_type3A_1947 = arith.extui %lt3A_1946 : vector<256x128xi1> to vector<256x128xi32>
    %add3A_1948 = arith.addi %add3A_1937, %convert_element_type3A_1947 : vector<256x128xi32>
    %eq3A_1949 = vector.broadcast %broadcast_in_dim3A_1517 : vector<256x1xf32> to vector<256x128xf32>
    %eq3A_1950 = arith.cmpf oeq, %get3A_1944, %eq3A_1949 : vector<256x128xf32>
    %convert_element_type3A_1951 = arith.extui %eq3A_1950 : vector<256x128xi1> to vector<256x128xi32>
    %add3A_1952 = arith.addi %add3A_1941, %convert_element_type3A_1951 : vector<256x128xi32>
    %get3A_1953 = arith.index_cast %mul3A_211 : i32 to index
    %get3A_1954 = arith.constant 4864 : index
    %get3A_1955 = vector.load %arg5[%get3A_1953, %get3A_1954] : memref<256x5120xf32, #tpu.memory_space<vmem>>, vector<256x128xf32>
    %lt3A_1956 = vector.broadcast %broadcast_in_dim3A_1517 : vector<256x1xf32> to vector<256x128xf32>
    %lt3A_1957 = arith.cmpf olt, %get3A_1955, %lt3A_1956 : vector<256x128xf32>
    %convert_element_type3A_1958 = arith.extui %lt3A_1957 : vector<256x128xi1> to vector<256x128xi32>
    %add3A_1959 = arith.addi %add3A_1948, %convert_element_type3A_1958 : vector<256x128xi32>
    %eq3A_1960 = vector.broadcast %broadcast_in_dim3A_1517 : vector<256x1xf32> to vector<256x128xf32>
    %eq3A_1961 = arith.cmpf oeq, %get3A_1955, %eq3A_1960 : vector<256x128xf32>
    %convert_element_type3A_1962 = arith.extui %eq3A_1961 : vector<256x128xi1> to vector<256x128xi32>
    %add3A_1963 = arith.addi %add3A_1952, %convert_element_type3A_1962 : vector<256x128xi32>
    %get3A_1964 = arith.index_cast %mul3A_211 : i32 to index
    %get3A_1965 = arith.constant 4992 : index
    %get3A_1966 = vector.load %arg5[%get3A_1964, %get3A_1965] : memref<256x5120xf32, #tpu.memory_space<vmem>>, vector<256x128xf32>
    %lt3A_1967 = vector.broadcast %broadcast_in_dim3A_1517 : vector<256x1xf32> to vector<256x128xf32>
    %lt3A_1968 = arith.cmpf olt, %get3A_1966, %lt3A_1967 : vector<256x128xf32>
    %convert_element_type3A_1969 = arith.extui %lt3A_1968 : vector<256x128xi1> to vector<256x128xi32>
    %add3A_1970 = arith.addi %add3A_1959, %convert_element_type3A_1969 : vector<256x128xi32>
    %eq3A_1971 = vector.broadcast %broadcast_in_dim3A_1517 : vector<256x1xf32> to vector<256x128xf32>
    %eq3A_1972 = arith.cmpf oeq, %get3A_1966, %eq3A_1971 : vector<256x128xf32>
    %convert_element_type3A_1973 = arith.extui %eq3A_1972 : vector<256x128xi1> to vector<256x128xi32>
    %add3A_1974 = arith.addi %add3A_1963, %convert_element_type3A_1973 : vector<256x128xi32>
    %reduce_sum3A_1975 = arith.constant dense<0> : vector<256xi32>
    %reduce_sum3A_1976 = vector.multi_reduction <add>, %add3A_1970, %reduce_sum3A_1975 [1] : vector<256x128xi32> to vector<256xi32>
    %broadcast_in_dim3A_1977 = vector.shape_cast %reduce_sum3A_1976 : vector<256xi32> to vector<256x1xi32>
    %reduce_sum3A_1978 = arith.constant dense<0> : vector<256xi32>
    %reduce_sum3A_1979 = vector.multi_reduction <add>, %add3A_1974, %reduce_sum3A_1978 [1] : vector<256x128xi32> to vector<256xi32>
    %broadcast_in_dim3A_1980 = vector.shape_cast %reduce_sum3A_1979 : vector<256xi32> to vector<256x1xi32>
    %sub3A_1981 = arith.constant 15 : i32
    %sub3A_1982 = vector.broadcast %sub3A_1981 : i32 to vector<256x1xi32>
    %sub3A_1983 = arith.subi %broadcast_in_dim3A_1977, %sub3A_1982 : vector<256x1xi32>
    %abs3A = math.absi %sub3A_1983 : vector<256x1xi32>
    %sub3A_1984 = arith.constant 1 : i32
    %sub3A_1985 = vector.broadcast %sub3A_1984 : i32 to vector<256x1xi32>
    %sub3A_1986 = arith.subi %broadcast_in_dim3A_1980, %sub3A_1985 : vector<256x1xi32>
    %abs3A_1987 = math.absi %sub3A_1986 : vector<256x1xi32>
    %add3A_1988 = arith.addi %abs3A, %abs3A_1987 : vector<256x1xi32>
    %reduce_max3A = vector.shape_cast %add3A_1988 : vector<256x1xi32> to vector<1x256x1xi32>
    %reduce_max3A_1989 = arith.constant dense<-2147483648> : vector<1xi32>
    %reduce_max3A_1990 = vector.multi_reduction <maxsi>, %reduce_max3A, %reduce_max3A_1989 [1, 2] : vector<1x256x1xi32> to vector<1xi32>
    %reduce_max3A_1991 = vector.shape_cast %reduce_max3A_1990 : vector<1xi32> to vector<1x1x1xi32>
    %reduce_max3A_1992 = vector.extract %reduce_max3A_1991[0, 0, 0] : i32 from vector<1x1x1xi32>
    %gt3A = arith.constant 0 : i32
    %gt3A_1993 = arith.cmpi sgt, %reduce_max3A_1992, %gt3A : i32
    %convert_element_type3A_1994 = arith.extui %gt3A_1993 : i1 to i32
    %cond3A = arith.constant 0x7F800000 : f32
    %cond3A_1995 = arith.constant 0 : i32
    %cond3A_1996 = arith.cmpi ne, %convert_element_type3A_1994, %cond3A_1995 : i32
    scf.if %cond3A_1996 {
      %get3A_2012 = arith.index_cast %mul3A_211 : i32 to index
      %get3A_2013 = arith.constant 0 : index
      %get3A_2014 = vector.load %arg5[%get3A_2012, %get3A_2013] : memref<256x5120xf32, #tpu.memory_space<vmem>>, vector<256x5120xf32>
      %iota3A_2015 = tpu.iota {dimensions = array<i32: 1>} : vector<256x5120xi32>
      %reduce_min3A_2016 = arith.constant dense<0x7F800000> : vector<256xf32>
      %reduce_min3A_2017 = vector.multi_reduction <minimumf>, %get3A_2014, %reduce_min3A_2016 [1] : vector<256x5120xf32> to vector<256xf32>
      %broadcast_in_dim3A_2018 = vector.shape_cast %reduce_min3A_2017 : vector<256xf32> to vector<256x1xf32>
      %eq3A_2019 = vector.broadcast %broadcast_in_dim3A_2018 : vector<256x1xf32> to vector<256x5120xf32>
      %eq3A_2020 = arith.cmpf oeq, %get3A_2014, %eq3A_2019 : vector<256x5120xf32>
      %jit3A_2021 = arith.constant 5120 : i32
      %broadcast_in_dim3A_2022 = vector.broadcast %jit3A_2021 : i32 to vector<256x5120xi32>
      %select_n3A_2023 = arith.select %eq3A_2020, %iota3A_2015, %broadcast_in_dim3A_2022 : vector<256x5120xi1>, vector<256x5120xi32>
      %reduce_min3A_2024 = arith.constant dense<2147483647> : vector<256xi32>
      %reduce_min3A_2025 = vector.multi_reduction <minsi>, %select_n3A_2023, %reduce_min3A_2024 [1] : vector<256x5120xi32> to vector<256xi32>
      %broadcast_in_dim3A_2026 = vector.shape_cast %reduce_min3A_2025 : vector<256xi32> to vector<256x1xi32>
      %eq3A_2027 = vector.broadcast %broadcast_in_dim3A_2026 : vector<256x1xi32> to vector<256x5120xi32>
      %eq3A_2028 = arith.cmpi eq, %iota3A_2015, %eq3A_2027 : vector<256x5120xi32>
      %broadcast_in_dim3A_2029 = vector.broadcast %cond3A : f32 to vector<256x5120xf32>
      %select_n3A_2030 = arith.select %eq3A_2028, %broadcast_in_dim3A_2029, %get3A_2014 : vector<256x5120xi1>, vector<256x5120xf32>
      %reduce_min3A_2031 = arith.constant dense<0x7F800000> : vector<256xf32>
      %reduce_min3A_2032 = vector.multi_reduction <minimumf>, %select_n3A_2030, %reduce_min3A_2031 [1] : vector<256x5120xf32> to vector<256xf32>
      %broadcast_in_dim3A_2033 = vector.shape_cast %reduce_min3A_2032 : vector<256xf32> to vector<256x1xf32>
      %eq3A_2034 = vector.broadcast %broadcast_in_dim3A_2033 : vector<256x1xf32> to vector<256x5120xf32>
      %eq3A_2035 = arith.cmpf oeq, %select_n3A_2030, %eq3A_2034 : vector<256x5120xf32>
      %jit3A_2036 = arith.constant 5120 : i32
      %broadcast_in_dim3A_2037 = vector.broadcast %jit3A_2036 : i32 to vector<256x5120xi32>
      %select_n3A_2038 = arith.select %eq3A_2035, %iota3A_2015, %broadcast_in_dim3A_2037 : vector<256x5120xi1>, vector<256x5120xi32>
      %reduce_min3A_2039 = arith.constant dense<2147483647> : vector<256xi32>
      %reduce_min3A_2040 = vector.multi_reduction <minsi>, %select_n3A_2038, %reduce_min3A_2039 [1] : vector<256x5120xi32> to vector<256xi32>
      %broadcast_in_dim3A_2041 = vector.shape_cast %reduce_min3A_2040 : vector<256xi32> to vector<256x1xi32>
      %eq3A_2042 = vector.broadcast %broadcast_in_dim3A_2041 : vector<256x1xi32> to vector<256x5120xi32>
      %eq3A_2043 = arith.cmpi eq, %iota3A_2015, %eq3A_2042 : vector<256x5120xi32>
      %broadcast_in_dim3A_2044 = vector.broadcast %cond3A : f32 to vector<256x5120xf32>
      %select_n3A_2045 = arith.select %eq3A_2043, %broadcast_in_dim3A_2044, %select_n3A_2030 : vector<256x5120xi1>, vector<256x5120xf32>
      %reduce_min3A_2046 = arith.constant dense<0x7F800000> : vector<256xf32>
      %reduce_min3A_2047 = vector.multi_reduction <minimumf>, %select_n3A_2045, %reduce_min3A_2046 [1] : vector<256x5120xf32> to vector<256xf32>
      %broadcast_in_dim3A_2048 = vector.shape_cast %reduce_min3A_2047 : vector<256xf32> to vector<256x1xf32>
      %eq3A_2049 = vector.broadcast %broadcast_in_dim3A_2048 : vector<256x1xf32> to vector<256x5120xf32>
      %eq3A_2050 = arith.cmpf oeq, %select_n3A_2045, %eq3A_2049 : vector<256x5120xf32>
      %jit3A_2051 = arith.constant 5120 : i32
      %broadcast_in_dim3A_2052 = vector.broadcast %jit3A_2051 : i32 to vector<256x5120xi32>
      %select_n3A_2053 = arith.select %eq3A_2050, %iota3A_2015, %broadcast_in_dim3A_2052 : vector<256x5120xi1>, vector<256x5120xi32>
      %reduce_min3A_2054 = arith.constant dense<2147483647> : vector<256xi32>
      %reduce_min3A_2055 = vector.multi_reduction <minsi>, %select_n3A_2053, %reduce_min3A_2054 [1] : vector<256x5120xi32> to vector<256xi32>
      %broadcast_in_dim3A_2056 = vector.shape_cast %reduce_min3A_2055 : vector<256xi32> to vector<256x1xi32>
      %eq3A_2057 = vector.broadcast %broadcast_in_dim3A_2056 : vector<256x1xi32> to vector<256x5120xi32>
      %eq3A_2058 = arith.cmpi eq, %iota3A_2015, %eq3A_2057 : vector<256x5120xi32>
      %broadcast_in_dim3A_2059 = vector.broadcast %cond3A : f32 to vector<256x5120xf32>
      %select_n3A_2060 = arith.select %eq3A_2058, %broadcast_in_dim3A_2059, %select_n3A_2045 : vector<256x5120xi1>, vector<256x5120xf32>
      %reduce_min3A_2061 = arith.constant dense<0x7F800000> : vector<256xf32>
      %reduce_min3A_2062 = vector.multi_reduction <minimumf>, %select_n3A_2060, %reduce_min3A_2061 [1] : vector<256x5120xf32> to vector<256xf32>
      %broadcast_in_dim3A_2063 = vector.shape_cast %reduce_min3A_2062 : vector<256xf32> to vector<256x1xf32>
      %eq3A_2064 = vector.broadcast %broadcast_in_dim3A_2063 : vector<256x1xf32> to vector<256x5120xf32>
      %eq3A_2065 = arith.cmpf oeq, %select_n3A_2060, %eq3A_2064 : vector<256x5120xf32>
      %jit3A_2066 = arith.constant 5120 : i32
      %broadcast_in_dim3A_2067 = vector.broadcast %jit3A_2066 : i32 to vector<256x5120xi32>
      %select_n3A_2068 = arith.select %eq3A_2065, %iota3A_2015, %broadcast_in_dim3A_2067 : vector<256x5120xi1>, vector<256x5120xi32>
      %reduce_min3A_2069 = arith.constant dense<2147483647> : vector<256xi32>
      %reduce_min3A_2070 = vector.multi_reduction <minsi>, %select_n3A_2068, %reduce_min3A_2069 [1] : vector<256x5120xi32> to vector<256xi32>
      %broadcast_in_dim3A_2071 = vector.shape_cast %reduce_min3A_2070 : vector<256xi32> to vector<256x1xi32>
      %eq3A_2072 = vector.broadcast %broadcast_in_dim3A_2071 : vector<256x1xi32> to vector<256x5120xi32>
      %eq3A_2073 = arith.cmpi eq, %iota3A_2015, %eq3A_2072 : vector<256x5120xi32>
      %broadcast_in_dim3A_2074 = vector.broadcast %cond3A : f32 to vector<256x5120xf32>
      %select_n3A_2075 = arith.select %eq3A_2073, %broadcast_in_dim3A_2074, %select_n3A_2060 : vector<256x5120xi1>, vector<256x5120xf32>
      %reduce_min3A_2076 = arith.constant dense<0x7F800000> : vector<256xf32>
      %reduce_min3A_2077 = vector.multi_reduction <minimumf>, %select_n3A_2075, %reduce_min3A_2076 [1] : vector<256x5120xf32> to vector<256xf32>
      %broadcast_in_dim3A_2078 = vector.shape_cast %reduce_min3A_2077 : vector<256xf32> to vector<256x1xf32>
      %eq3A_2079 = vector.broadcast %broadcast_in_dim3A_2078 : vector<256x1xf32> to vector<256x5120xf32>
      %eq3A_2080 = arith.cmpf oeq, %select_n3A_2075, %eq3A_2079 : vector<256x5120xf32>
      %jit3A_2081 = arith.constant 5120 : i32
      %broadcast_in_dim3A_2082 = vector.broadcast %jit3A_2081 : i32 to vector<256x5120xi32>
      %select_n3A_2083 = arith.select %eq3A_2080, %iota3A_2015, %broadcast_in_dim3A_2082 : vector<256x5120xi1>, vector<256x5120xi32>
      %reduce_min3A_2084 = arith.constant dense<2147483647> : vector<256xi32>
      %reduce_min3A_2085 = vector.multi_reduction <minsi>, %select_n3A_2083, %reduce_min3A_2084 [1] : vector<256x5120xi32> to vector<256xi32>
      %broadcast_in_dim3A_2086 = vector.shape_cast %reduce_min3A_2085 : vector<256xi32> to vector<256x1xi32>
      %eq3A_2087 = vector.broadcast %broadcast_in_dim3A_2086 : vector<256x1xi32> to vector<256x5120xi32>
      %eq3A_2088 = arith.cmpi eq, %iota3A_2015, %eq3A_2087 : vector<256x5120xi32>
      %broadcast_in_dim3A_2089 = vector.broadcast %cond3A : f32 to vector<256x5120xf32>
      %select_n3A_2090 = arith.select %eq3A_2088, %broadcast_in_dim3A_2089, %select_n3A_2075 : vector<256x5120xi1>, vector<256x5120xf32>
      %reduce_min3A_2091 = arith.constant dense<0x7F800000> : vector<256xf32>
      %reduce_min3A_2092 = vector.multi_reduction <minimumf>, %select_n3A_2090, %reduce_min3A_2091 [1] : vector<256x5120xf32> to vector<256xf32>
      %broadcast_in_dim3A_2093 = vector.shape_cast %reduce_min3A_2092 : vector<256xf32> to vector<256x1xf32>
      %eq3A_2094 = vector.broadcast %broadcast_in_dim3A_2093 : vector<256x1xf32> to vector<256x5120xf32>
      %eq3A_2095 = arith.cmpf oeq, %select_n3A_2090, %eq3A_2094 : vector<256x5120xf32>
      %jit3A_2096 = arith.constant 5120 : i32
      %broadcast_in_dim3A_2097 = vector.broadcast %jit3A_2096 : i32 to vector<256x5120xi32>
      %select_n3A_2098 = arith.select %eq3A_2095, %iota3A_2015, %broadcast_in_dim3A_2097 : vector<256x5120xi1>, vector<256x5120xi32>
      %reduce_min3A_2099 = arith.constant dense<2147483647> : vector<256xi32>
      %reduce_min3A_2100 = vector.multi_reduction <minsi>, %select_n3A_2098, %reduce_min3A_2099 [1] : vector<256x5120xi32> to vector<256xi32>
      %broadcast_in_dim3A_2101 = vector.shape_cast %reduce_min3A_2100 : vector<256xi32> to vector<256x1xi32>
      %eq3A_2102 = vector.broadcast %broadcast_in_dim3A_2101 : vector<256x1xi32> to vector<256x5120xi32>
      %eq3A_2103 = arith.cmpi eq, %iota3A_2015, %eq3A_2102 : vector<256x5120xi32>
      %broadcast_in_dim3A_2104 = vector.broadcast %cond3A : f32 to vector<256x5120xf32>
      %select_n3A_2105 = arith.select %eq3A_2103, %broadcast_in_dim3A_2104, %select_n3A_2090 : vector<256x5120xi1>, vector<256x5120xf32>
      %reduce_min3A_2106 = arith.constant dense<0x7F800000> : vector<256xf32>
      %reduce_min3A_2107 = vector.multi_reduction <minimumf>, %select_n3A_2105, %reduce_min3A_2106 [1] : vector<256x5120xf32> to vector<256xf32>
      %broadcast_in_dim3A_2108 = vector.shape_cast %reduce_min3A_2107 : vector<256xf32> to vector<256x1xf32>
      %eq3A_2109 = vector.broadcast %broadcast_in_dim3A_2108 : vector<256x1xf32> to vector<256x5120xf32>
      %eq3A_2110 = arith.cmpf oeq, %select_n3A_2105, %eq3A_2109 : vector<256x5120xf32>
      %jit3A_2111 = arith.constant 5120 : i32
      %broadcast_in_dim3A_2112 = vector.broadcast %jit3A_2111 : i32 to vector<256x5120xi32>
      %select_n3A_2113 = arith.select %eq3A_2110, %iota3A_2015, %broadcast_in_dim3A_2112 : vector<256x5120xi1>, vector<256x5120xi32>
      %reduce_min3A_2114 = arith.constant dense<2147483647> : vector<256xi32>
      %reduce_min3A_2115 = vector.multi_reduction <minsi>, %select_n3A_2113, %reduce_min3A_2114 [1] : vector<256x5120xi32> to vector<256xi32>
      %broadcast_in_dim3A_2116 = vector.shape_cast %reduce_min3A_2115 : vector<256xi32> to vector<256x1xi32>
      %eq3A_2117 = vector.broadcast %broadcast_in_dim3A_2116 : vector<256x1xi32> to vector<256x5120xi32>
      %eq3A_2118 = arith.cmpi eq, %iota3A_2015, %eq3A_2117 : vector<256x5120xi32>
      %broadcast_in_dim3A_2119 = vector.broadcast %cond3A : f32 to vector<256x5120xf32>
      %select_n3A_2120 = arith.select %eq3A_2118, %broadcast_in_dim3A_2119, %select_n3A_2105 : vector<256x5120xi1>, vector<256x5120xf32>
      %reduce_min3A_2121 = arith.constant dense<0x7F800000> : vector<256xf32>
      %reduce_min3A_2122 = vector.multi_reduction <minimumf>, %select_n3A_2120, %reduce_min3A_2121 [1] : vector<256x5120xf32> to vector<256xf32>
      %broadcast_in_dim3A_2123 = vector.shape_cast %reduce_min3A_2122 : vector<256xf32> to vector<256x1xf32>
      %eq3A_2124 = vector.broadcast %broadcast_in_dim3A_2123 : vector<256x1xf32> to vector<256x5120xf32>
      %eq3A_2125 = arith.cmpf oeq, %select_n3A_2120, %eq3A_2124 : vector<256x5120xf32>
      %jit3A_2126 = arith.constant 5120 : i32
      %broadcast_in_dim3A_2127 = vector.broadcast %jit3A_2126 : i32 to vector<256x5120xi32>
      %select_n3A_2128 = arith.select %eq3A_2125, %iota3A_2015, %broadcast_in_dim3A_2127 : vector<256x5120xi1>, vector<256x5120xi32>
      %reduce_min3A_2129 = arith.constant dense<2147483647> : vector<256xi32>
      %reduce_min3A_2130 = vector.multi_reduction <minsi>, %select_n3A_2128, %reduce_min3A_2129 [1] : vector<256x5120xi32> to vector<256xi32>
      %broadcast_in_dim3A_2131 = vector.shape_cast %reduce_min3A_2130 : vector<256xi32> to vector<256x1xi32>
      %eq3A_2132 = vector.broadcast %broadcast_in_dim3A_2131 : vector<256x1xi32> to vector<256x5120xi32>
      %eq3A_2133 = arith.cmpi eq, %iota3A_2015, %eq3A_2132 : vector<256x5120xi32>
      %broadcast_in_dim3A_2134 = vector.broadcast %cond3A : f32 to vector<256x5120xf32>
      %select_n3A_2135 = arith.select %eq3A_2133, %broadcast_in_dim3A_2134, %select_n3A_2120 : vector<256x5120xi1>, vector<256x5120xf32>
      %reduce_min3A_2136 = arith.constant dense<0x7F800000> : vector<256xf32>
      %reduce_min3A_2137 = vector.multi_reduction <minimumf>, %select_n3A_2135, %reduce_min3A_2136 [1] : vector<256x5120xf32> to vector<256xf32>
      %broadcast_in_dim3A_2138 = vector.shape_cast %reduce_min3A_2137 : vector<256xf32> to vector<256x1xf32>
      %eq3A_2139 = vector.broadcast %broadcast_in_dim3A_2138 : vector<256x1xf32> to vector<256x5120xf32>
      %eq3A_2140 = arith.cmpf oeq, %select_n3A_2135, %eq3A_2139 : vector<256x5120xf32>
      %jit3A_2141 = arith.constant 5120 : i32
      %broadcast_in_dim3A_2142 = vector.broadcast %jit3A_2141 : i32 to vector<256x5120xi32>
      %select_n3A_2143 = arith.select %eq3A_2140, %iota3A_2015, %broadcast_in_dim3A_2142 : vector<256x5120xi1>, vector<256x5120xi32>
      %reduce_min3A_2144 = arith.constant dense<2147483647> : vector<256xi32>
      %reduce_min3A_2145 = vector.multi_reduction <minsi>, %select_n3A_2143, %reduce_min3A_2144 [1] : vector<256x5120xi32> to vector<256xi32>
      %broadcast_in_dim3A_2146 = vector.shape_cast %reduce_min3A_2145 : vector<256xi32> to vector<256x1xi32>
      %eq3A_2147 = vector.broadcast %broadcast_in_dim3A_2146 : vector<256x1xi32> to vector<256x5120xi32>
      %eq3A_2148 = arith.cmpi eq, %iota3A_2015, %eq3A_2147 : vector<256x5120xi32>
      %broadcast_in_dim3A_2149 = vector.broadcast %cond3A : f32 to vector<256x5120xf32>
      %select_n3A_2150 = arith.select %eq3A_2148, %broadcast_in_dim3A_2149, %select_n3A_2135 : vector<256x5120xi1>, vector<256x5120xf32>
      %reduce_min3A_2151 = arith.constant dense<0x7F800000> : vector<256xf32>
      %reduce_min3A_2152 = vector.multi_reduction <minimumf>, %select_n3A_2150, %reduce_min3A_2151 [1] : vector<256x5120xf32> to vector<256xf32>
      %broadcast_in_dim3A_2153 = vector.shape_cast %reduce_min3A_2152 : vector<256xf32> to vector<256x1xf32>
      %eq3A_2154 = vector.broadcast %broadcast_in_dim3A_2153 : vector<256x1xf32> to vector<256x5120xf32>
      %eq3A_2155 = arith.cmpf oeq, %select_n3A_2150, %eq3A_2154 : vector<256x5120xf32>
      %jit3A_2156 = arith.constant 5120 : i32
      %broadcast_in_dim3A_2157 = vector.broadcast %jit3A_2156 : i32 to vector<256x5120xi32>
      %select_n3A_2158 = arith.select %eq3A_2155, %iota3A_2015, %broadcast_in_dim3A_2157 : vector<256x5120xi1>, vector<256x5120xi32>
      %reduce_min3A_2159 = arith.constant dense<2147483647> : vector<256xi32>
      %reduce_min3A_2160 = vector.multi_reduction <minsi>, %select_n3A_2158, %reduce_min3A_2159 [1] : vector<256x5120xi32> to vector<256xi32>
      %broadcast_in_dim3A_2161 = vector.shape_cast %reduce_min3A_2160 : vector<256xi32> to vector<256x1xi32>
      %eq3A_2162 = vector.broadcast %broadcast_in_dim3A_2161 : vector<256x1xi32> to vector<256x5120xi32>
      %eq3A_2163 = arith.cmpi eq, %iota3A_2015, %eq3A_2162 : vector<256x5120xi32>
      %broadcast_in_dim3A_2164 = vector.broadcast %cond3A : f32 to vector<256x5120xf32>
      %select_n3A_2165 = arith.select %eq3A_2163, %broadcast_in_dim3A_2164, %select_n3A_2150 : vector<256x5120xi1>, vector<256x5120xf32>
      %reduce_min3A_2166 = arith.constant dense<0x7F800000> : vector<256xf32>
      %reduce_min3A_2167 = vector.multi_reduction <minimumf>, %select_n3A_2165, %reduce_min3A_2166 [1] : vector<256x5120xf32> to vector<256xf32>
      %broadcast_in_dim3A_2168 = vector.shape_cast %reduce_min3A_2167 : vector<256xf32> to vector<256x1xf32>
      %eq3A_2169 = vector.broadcast %broadcast_in_dim3A_2168 : vector<256x1xf32> to vector<256x5120xf32>
      %eq3A_2170 = arith.cmpf oeq, %select_n3A_2165, %eq3A_2169 : vector<256x5120xf32>
      %jit3A_2171 = arith.constant 5120 : i32
      %broadcast_in_dim3A_2172 = vector.broadcast %jit3A_2171 : i32 to vector<256x5120xi32>
      %select_n3A_2173 = arith.select %eq3A_2170, %iota3A_2015, %broadcast_in_dim3A_2172 : vector<256x5120xi1>, vector<256x5120xi32>
      %reduce_min3A_2174 = arith.constant dense<2147483647> : vector<256xi32>
      %reduce_min3A_2175 = vector.multi_reduction <minsi>, %select_n3A_2173, %reduce_min3A_2174 [1] : vector<256x5120xi32> to vector<256xi32>
      %broadcast_in_dim3A_2176 = vector.shape_cast %reduce_min3A_2175 : vector<256xi32> to vector<256x1xi32>
      %eq3A_2177 = vector.broadcast %broadcast_in_dim3A_2176 : vector<256x1xi32> to vector<256x5120xi32>
      %eq3A_2178 = arith.cmpi eq, %iota3A_2015, %eq3A_2177 : vector<256x5120xi32>
      %broadcast_in_dim3A_2179 = vector.broadcast %cond3A : f32 to vector<256x5120xf32>
      %select_n3A_2180 = arith.select %eq3A_2178, %broadcast_in_dim3A_2179, %select_n3A_2165 : vector<256x5120xi1>, vector<256x5120xf32>
      %reduce_min3A_2181 = arith.constant dense<0x7F800000> : vector<256xf32>
      %reduce_min3A_2182 = vector.multi_reduction <minimumf>, %select_n3A_2180, %reduce_min3A_2181 [1] : vector<256x5120xf32> to vector<256xf32>
      %broadcast_in_dim3A_2183 = vector.shape_cast %reduce_min3A_2182 : vector<256xf32> to vector<256x1xf32>
      %eq3A_2184 = vector.broadcast %broadcast_in_dim3A_2183 : vector<256x1xf32> to vector<256x5120xf32>
      %eq3A_2185 = arith.cmpf oeq, %select_n3A_2180, %eq3A_2184 : vector<256x5120xf32>
      %jit3A_2186 = arith.constant 5120 : i32
      %broadcast_in_dim3A_2187 = vector.broadcast %jit3A_2186 : i32 to vector<256x5120xi32>
      %select_n3A_2188 = arith.select %eq3A_2185, %iota3A_2015, %broadcast_in_dim3A_2187 : vector<256x5120xi1>, vector<256x5120xi32>
      %reduce_min3A_2189 = arith.constant dense<2147483647> : vector<256xi32>
      %reduce_min3A_2190 = vector.multi_reduction <minsi>, %select_n3A_2188, %reduce_min3A_2189 [1] : vector<256x5120xi32> to vector<256xi32>
      %broadcast_in_dim3A_2191 = vector.shape_cast %reduce_min3A_2190 : vector<256xi32> to vector<256x1xi32>
      %eq3A_2192 = vector.broadcast %broadcast_in_dim3A_2191 : vector<256x1xi32> to vector<256x5120xi32>
      %eq3A_2193 = arith.cmpi eq, %iota3A_2015, %eq3A_2192 : vector<256x5120xi32>
      %broadcast_in_dim3A_2194 = vector.broadcast %cond3A : f32 to vector<256x5120xf32>
      %select_n3A_2195 = arith.select %eq3A_2193, %broadcast_in_dim3A_2194, %select_n3A_2180 : vector<256x5120xi1>, vector<256x5120xf32>
      %reduce_min3A_2196 = arith.constant dense<0x7F800000> : vector<256xf32>
      %reduce_min3A_2197 = vector.multi_reduction <minimumf>, %select_n3A_2195, %reduce_min3A_2196 [1] : vector<256x5120xf32> to vector<256xf32>
      %broadcast_in_dim3A_2198 = vector.shape_cast %reduce_min3A_2197 : vector<256xf32> to vector<256x1xf32>
      %eq3A_2199 = vector.broadcast %broadcast_in_dim3A_2198 : vector<256x1xf32> to vector<256x5120xf32>
      %eq3A_2200 = arith.cmpf oeq, %select_n3A_2195, %eq3A_2199 : vector<256x5120xf32>
      %jit3A_2201 = arith.constant 5120 : i32
      %broadcast_in_dim3A_2202 = vector.broadcast %jit3A_2201 : i32 to vector<256x5120xi32>
      %select_n3A_2203 = arith.select %eq3A_2200, %iota3A_2015, %broadcast_in_dim3A_2202 : vector<256x5120xi1>, vector<256x5120xi32>
      %reduce_min3A_2204 = arith.constant dense<2147483647> : vector<256xi32>
      %reduce_min3A_2205 = vector.multi_reduction <minsi>, %select_n3A_2203, %reduce_min3A_2204 [1] : vector<256x5120xi32> to vector<256xi32>
      %broadcast_in_dim3A_2206 = vector.shape_cast %reduce_min3A_2205 : vector<256xi32> to vector<256x1xi32>
      %eq3A_2207 = vector.broadcast %broadcast_in_dim3A_2206 : vector<256x1xi32> to vector<256x5120xi32>
      %eq3A_2208 = arith.cmpi eq, %iota3A_2015, %eq3A_2207 : vector<256x5120xi32>
      %broadcast_in_dim3A_2209 = vector.broadcast %cond3A : f32 to vector<256x5120xf32>
      %select_n3A_2210 = arith.select %eq3A_2208, %broadcast_in_dim3A_2209, %select_n3A_2195 : vector<256x5120xi1>, vector<256x5120xf32>
      %reduce_min3A_2211 = arith.constant dense<0x7F800000> : vector<256xf32>
      %reduce_min3A_2212 = vector.multi_reduction <minimumf>, %select_n3A_2210, %reduce_min3A_2211 [1] : vector<256x5120xf32> to vector<256xf32>
      %broadcast_in_dim3A_2213 = vector.shape_cast %reduce_min3A_2212 : vector<256xf32> to vector<256x1xf32>
      %eq3A_2214 = vector.broadcast %broadcast_in_dim3A_2213 : vector<256x1xf32> to vector<256x5120xf32>
      %eq3A_2215 = arith.cmpf oeq, %select_n3A_2210, %eq3A_2214 : vector<256x5120xf32>
      %jit3A_2216 = arith.constant 5120 : i32
      %broadcast_in_dim3A_2217 = vector.broadcast %jit3A_2216 : i32 to vector<256x5120xi32>
      %select_n3A_2218 = arith.select %eq3A_2215, %iota3A_2015, %broadcast_in_dim3A_2217 : vector<256x5120xi1>, vector<256x5120xi32>
      %reduce_min3A_2219 = arith.constant dense<2147483647> : vector<256xi32>
      %reduce_min3A_2220 = vector.multi_reduction <minsi>, %select_n3A_2218, %reduce_min3A_2219 [1] : vector<256x5120xi32> to vector<256xi32>
      %broadcast_in_dim3A_2221 = vector.shape_cast %reduce_min3A_2220 : vector<256xi32> to vector<256x1xi32>
      %eq3A_2222 = vector.broadcast %broadcast_in_dim3A_2221 : vector<256x1xi32> to vector<256x5120xi32>
      %eq3A_2223 = arith.cmpi eq, %iota3A_2015, %eq3A_2222 : vector<256x5120xi32>
      %broadcast_in_dim3A_2224 = vector.broadcast %cond3A : f32 to vector<256x5120xf32>
      %select_n3A_2225 = arith.select %eq3A_2223, %broadcast_in_dim3A_2224, %select_n3A_2210 : vector<256x5120xi1>, vector<256x5120xf32>
      %reduce_min3A_2226 = arith.constant dense<0x7F800000> : vector<256xf32>
      %reduce_min3A_2227 = vector.multi_reduction <minimumf>, %select_n3A_2225, %reduce_min3A_2226 [1] : vector<256x5120xf32> to vector<256xf32>
      %broadcast_in_dim3A_2228 = vector.shape_cast %reduce_min3A_2227 : vector<256xf32> to vector<256x1xf32>
      %eq3A_2229 = vector.broadcast %broadcast_in_dim3A_2228 : vector<256x1xf32> to vector<256x5120xf32>
      %eq3A_2230 = arith.cmpf oeq, %select_n3A_2225, %eq3A_2229 : vector<256x5120xf32>
      %jit3A_2231 = arith.constant 5120 : i32
      %broadcast_in_dim3A_2232 = vector.broadcast %jit3A_2231 : i32 to vector<256x5120xi32>
      %select_n3A_2233 = arith.select %eq3A_2230, %iota3A_2015, %broadcast_in_dim3A_2232 : vector<256x5120xi1>, vector<256x5120xi32>
      %reduce_min3A_2234 = arith.constant dense<2147483647> : vector<256xi32>
      %reduce_min3A_2235 = vector.multi_reduction <minsi>, %select_n3A_2233, %reduce_min3A_2234 [1] : vector<256x5120xi32> to vector<256xi32>
      %broadcast_in_dim3A_2236 = vector.shape_cast %reduce_min3A_2235 : vector<256xi32> to vector<256x1xi32>
      %eq3A_2237 = vector.broadcast %broadcast_in_dim3A_2236 : vector<256x1xi32> to vector<256x5120xi32>
      %eq3A_2238 = arith.cmpi eq, %iota3A_2015, %eq3A_2237 : vector<256x5120xi32>
      %broadcast_in_dim3A_2239 = vector.broadcast %cond3A : f32 to vector<256x5120xf32>
      %select_n3A_2240 = arith.select %eq3A_2238, %broadcast_in_dim3A_2239, %select_n3A_2225 : vector<256x5120xi1>, vector<256x5120xf32>
      %reduce_min3A_2241 = arith.constant dense<0x7F800000> : vector<256xf32>
      %reduce_min3A_2242 = vector.multi_reduction <minimumf>, %select_n3A_2240, %reduce_min3A_2241 [1] : vector<256x5120xf32> to vector<256xf32>
      %broadcast_in_dim3A_2243 = vector.shape_cast %reduce_min3A_2242 : vector<256xf32> to vector<256x1xf32>
      %eq3A_2244 = vector.broadcast %broadcast_in_dim3A_2243 : vector<256x1xf32> to vector<256x5120xf32>
      %eq3A_2245 = arith.cmpf oeq, %select_n3A_2240, %eq3A_2244 : vector<256x5120xf32>
      %jit3A_2246 = arith.constant 5120 : i32
      %broadcast_in_dim3A_2247 = vector.broadcast %jit3A_2246 : i32 to vector<256x5120xi32>
      %select_n3A_2248 = arith.select %eq3A_2245, %iota3A_2015, %broadcast_in_dim3A_2247 : vector<256x5120xi1>, vector<256x5120xi32>
      %reduce_min3A_2249 = arith.constant dense<2147483647> : vector<256xi32>
      %reduce_min3A_2250 = vector.multi_reduction <minsi>, %select_n3A_2248, %reduce_min3A_2249 [1] : vector<256x5120xi32> to vector<256xi32>
      %broadcast_in_dim3A_2251 = vector.shape_cast %reduce_min3A_2250 : vector<256xi32> to vector<256x1xi32>
      %concatenate3A_2252 = tpu.concatenate %broadcast_in_dim3A_2026, %broadcast_in_dim3A_2041, %broadcast_in_dim3A_2056, %broadcast_in_dim3A_2071, %broadcast_in_dim3A_2086, %broadcast_in_dim3A_2101, %broadcast_in_dim3A_2116, %broadcast_in_dim3A_2131, %broadcast_in_dim3A_2146, %broadcast_in_dim3A_2161, %broadcast_in_dim3A_2176, %broadcast_in_dim3A_2191, %broadcast_in_dim3A_2206, %broadcast_in_dim3A_2221, %broadcast_in_dim3A_2236, %broadcast_in_dim3A_2251 in 1 : vector<256x1xi32>, vector<256x1xi32>, vector<256x1xi32>, vector<256x1xi32>, vector<256x1xi32>, vector<256x1xi32>, vector<256x1xi32>, vector<256x1xi32>, vector<256x1xi32>, vector<256x1xi32>, vector<256x1xi32>, vector<256x1xi32>, vector<256x1xi32>, vector<256x1xi32>, vector<256x1xi32>, vector<256x1xi32> -> vector<256x16xi32>
      %mul3A_2253 = arith.constant 2 : i32
      %mul3A_2254 = vector.broadcast %mul3A_2253 : i32 to vector<256x16xi32>
      %mul3A_2255 = arith.muli %concatenate3A_2252, %mul3A_2254 : vector<256x16xi32>
      %swap3A_2256 = arith.index_cast %mul3A_211 : i32 to index
      %swap3A_2257 = arith.constant 0 : index
      %swap3A_2258 = vector.load %arg2[%swap3A_2256, %swap3A_2257] : memref<256x16xi32, #tpu.memory_space<vmem>>, vector<256x16xi32>
      tpu.vector_store %arg2[%swap3A_2256, %swap3A_2257], %mul3A_2255 {strides = array<i32>} : memref<256x16xi32, #tpu.memory_space<vmem>>, vector<256x16xi32>,
    } else {
    }
    %scan3A_1997 = arith.constant 1 : i32
    %iota3A_1998 = tpu.iota {dimensions = array<i32: 0>} : vector<256x16xi32>
    %mul3A_1999 = arith.constant 256 : i32
    %mul3A_2000 = arith.muli %arg0, %mul3A_1999 : i32
    %add3A_2001 = vector.broadcast %mul3A_2000 : i32 to vector<256x16xi32>
    %add3A_2002 = arith.addi %add3A_2001, %iota3A_1998 : vector<256x16xi32>
    %mul3A_2003 = arith.constant 2 : i32
    %mul3A_2004 = vector.broadcast %mul3A_2003 : i32 to vector<256x16xi32>
    %mul3A_2005 = arith.muli %mul3A_2004, %add3A_2002 : vector<256x16xi32>
    %add3A_2006 = arith.constant 1 : i32
    %add3A_2007 = vector.broadcast %add3A_2006 : i32 to vector<256x16xi32>
    %add3A_2008 = arith.addi %mul3A_2005, %add3A_2007 : vector<256x16xi32>
    %swap3A_2009 = arith.constant 0 : index
    %swap3A_2010 = arith.constant 0 : index
    %swap3A_2011 = vector.load %arg3[%swap3A_2009, %swap3A_2010] : memref<256x16xi32, #tpu.memory_space<vmem>>, vector<256x16xi32>
    tpu.vector_store %arg3[%swap3A_2009, %swap3A_2010], %add3A_2008 {strides = array<i32>} : memref<256x16xi32, #tpu.memory_space<vmem>>, vector<256x16xi32>,
    return
  }
  func.func @transform_0(%arg0: i32) -> (i32, i32) {
    %c0_i32 = arith.constant 0 : i32
    %c0_i32_0 = arith.constant 0 : i32
    %c0_i32_1 = arith.constant 0 : i32
    return %c0_i32, %c0_i32_0 : i32, i32
  }
  func.func @transform_1(%arg0: i32) -> (i32, i32) {
    %c0_i32 = arith.constant 0 : i32
    %c0_i32_0 = arith.constant 0 : i32
    return %arg0, %c0_i32 : i32, i32
  }
  func.func @transform_2(%arg0: i32) -> (i32, i32) {
    %c0_i32 = arith.constant 0 : i32
    %c0_i32_0 = arith.constant 0 : i32
    return %arg0, %c0_i32 : i32, i32
  }
  func.func @transform_3(%arg0: i32) -> (i32, i32) {
    %c0_i32 = arith.constant 0 : i32
    %c0_i32_0 = arith.constant 0 : i32
    return %arg0, %c0_i32 : i32, i32
  }
}

</mosaic_0001>

<sc_bundles>
// kernel: kernel.4.cloned.1.call-start
scs
__scs_entry_jumppad:
0x0: {  	(pc) =	sbr.rel $0x88, $3  }
0x1: {  	(tag) =	ssettag $0x0;
	lr =	simm.s32 $0x1  }
0x2: {  	[smem:$0x3F9F] =	sst lr;
	_ =	strace $0xD0000000  }
0x3: {  	_ = 	snop  }
0x4: {  	_ = 	snop  }
0x5: {  	_ = 	snop  }
0x6: {  	_ = 	snop  }
0x7: {  	_ = 	snop  }
__scs_overlays_trampoline_lowered:
0x8: {  	[smem:$0x3FAE] =	sst s0  }
0x9: {  	[smem:$0x3FAF] =	sst s1  }
0xa: {  	[smem:$0x3FB0] =	sst s2  }
0xb: {  	[smem:$0x3FB1] =	sst s3  }
0xc: {  	[smem:$0x3FB2] =	sst s4  }
0xd: {  	[smem:$0x3FB3] =	sst s5  }
0xe: {  	[smem:$0x3FB4] =	sst s6  }
0xf: {  	[smem:$0x3FB5] =	sst s7  }
0x10: {  	[smem:$0x3FB6] =	sst s8  }
0x11: {  	[smem:$0x3FB7] =	sst s9;
	s0 =	simm.s32 @!p0 $0x0  }
0x12: {  	s1 =	sld [smem:$0x3F9D];
	s0 =	simm.s32 @p0 $0x1  }
0x13: {  	[smem:$0x3FB8] =	sst s0;
	s0 =	simm.s32 @!p1 $0x0  }
0x14: {  	s2 =	sld [smem:$0x3F9C];
	s0 =	simm.s32 @p1 $0x1  }
0x15: {  	[smem:$0x3FB9] =	sst s0;
	s0 =	simm.s32 @!p2 $0x0  }
0x16: {  	s3 =	sld [smem:$0x3FDB];
	s0 =	simm.s32 @p2 $0x1  }
0x17: {  	s4 =	simm.s32 $0x1BF5;
	[smem:$0x3FBB] =	sst s0  }
0x18: {  	s0 =	sld [smem:$0x3F9E];
	_ =	swait.ge [sflag:s4], $0x0  }
0x19: {  	s7 =	sld [smem:$0x3F9F]  }
0x1a: {  	s8 =	sadd.s32 $0xFFFFE003, lr  }
0x1b: {  	s9 =	sadd.s32 $0xFFFFFEF7, lr;
	s5 =	simm.s32 $0xFFFFFFFF;
	p2 =	slt.u32 s8, $0xFFFFF086  }
0x1c: {  	p1 =	slt.u32 s9, $0xF7A;
	s5 =	simm.s32 @!p2 $0x0  }
0x1d: {  	s5 =	simm.s32 @p1 $0x1;
	p0 =	seq.s32 s7, s2  }
0x1e: {  	s7 =	smul.u32 @!p0 $0xF7A, s2;
	p2 =	seq.s32 @!p0 s5, $0x0  }
0x1f: {  	s9 =	smul.u32 $0xF7A, s1;
	s8 =	simm.s32 @!p0 $0x1BF5;
	p2 =	por !p2, p0  }
0x20: {  	[sflag:s8] =	ssyncset.s32 @!p0 $0xFFFFF086;
	s6 =	sadd.s32 @!p0 s3, s7;
	s7 =	simm.s32 @!p0 $0x108  }
0x21: {  	s3 =	sadd.s32 s3, s9;
	s6 =	sadd.s32 @!p0 $0x88, s6;
	s7 =	simm.s32 @p2 $0x1082  }
0x22: {  	[simem:s7], [sflag:s8] =	dma.local @!p0 [hbm:s6], $0xF7A  }
0x23: {  	s9 =	sor.u32 $0xD0000000, s2;
	s6 =	simm.s32 $0x108;
	_ =	swait.ge @!p0 [sflag:s8], $0x0  }
0x24: {  	s3 =	sadd.s32 $0x88, s3;
	s6 =	simm.s32 @!p1 $0x1082;
	[sflag:s4] =	ssyncset.s32 $0xFFFFF086  }
0x25: {  	[simem:s6], [sflag:s4] =	dma.local [hbm:s3], $0xF7A  }
0x26: {  	[smem:$0x3F9F] =	sst s1;
	(tag) =	ssettag s2;
	_ =	strace s9  }
0x27: {  	s1 =	sld [smem:$0x3FAF]  }
0x28: {  	s2 =	sld [smem:$0x3FB0]  }
0x29: {  	s4 =	sld [smem:$0x3FB2]  }
0x2a: {  	p0 =	seq.s32 s5, $0x0;
	s5 =	sld [smem:$0x3FB3]  }
0x2b: {  	s6 =	sld [smem:$0x3FB4]  }
0x2c: {  	s7 =	sld [smem:$0x3FB5]  }
0x2d: {  	s3 =	simm.s32 $0x108;
	s8 =	sld [smem:$0x3FB6]  }
0x2e: {  	s3 =	simm.s32 @!p0 $0x1082;
	s9 =	sld [smem:$0x3FB7]  }
0x2f: {  	lr =	sadd.s32 s0, s3;
	s0 =	sld [smem:$0x3FAE]  }
0x30: {  	s3 =	sld [smem:$0x3FB1]  }
0x31: {  	[smem:$0x3FBA] =	sst s10  }
0x32: {  	s10 =	sld [smem:$0x3FB8];
	_ =	sdelay $0x3  }
0x33: {  	p0 =	seq.s32 s10, $0x1;
	s10 =	sld [smem:$0x3FBA];
	_ =	sdelay $0x3  }
0x34: {  	[smem:$0x3FBA] =	sst s10  }
0x35: {  	s10 =	sld [smem:$0x3FB9];
	_ =	sdelay $0x3  }
0x36: {  	p1 =	seq.s32 s10, $0x1;
	s10 =	sld [smem:$0x3FBA];
	_ =	sdelay $0x3  }
0x37: {  	[smem:$0x3FBA] =	sst s10  }
0x38: {  	s10 =	sld [smem:$0x3FBB]  }
0x39: {  	_ = 	snop;
	(pc) =	sbr.ind lr, $3  }
0x3a: {  	_ = 	snop  }
0x3b: {  	_ = 	snop  }
0x3c: {  	p2 =	seq.s32 s10, $0x1;
	s10 =	sld [smem:$0x3FBA]  }
0x3d: {  	_ =	shalt  }
0x3e: {  	_ =	shalt  }
0x3f: {  	_ =	shalt  }
0x40: {  	_ =	shalt  }
0x41: {  	_ =	shalt  }
0x42: {  	_ =	shalt  }
0x43: {  	_ =	shalt  }
0x44: {  	_ =	shalt  }
0x45: {  	_ =	shalt  }
0x46: {  	_ =	shalt  }
0x47: {  	_ =	shalt  }
0x48: {  	_ =	shalt  }
0x49: {  	_ =	shalt  }
0x4a: {  	_ =	shalt  }
0x4b: {  	_ =	shalt  }
0x4c: {  	_ =	shalt  }
0x4d: {  	_ =	shalt  }
0x4e: {  	_ =	shalt  }
0x4f: {  	_ =	shalt  }
0x50: {  	_ =	shalt  }
0x51: {  	_ =	shalt  }
0x52: {  	_ =	shalt  }
0x53: {  	_ =	shalt  }
0x54: {  	_ =	shalt  }
0x55: {  	_ =	shalt  }
0x56: {  	_ =	shalt  }
0x57: {  	_ =	shalt  }
0x58: {  	_ =	shalt  }
0x59: {  	_ =	shalt  }
0x5a: {  	_ =	shalt  }
0x5b: {  	_ =	shalt  }
0x5c: {  	_ =	shalt  }
0x5d: {  	_ =	shalt  }
0x5e: {  	_ =	shalt  }
0x5f: {  	_ =	shalt  }
0x60: {  	_ =	shalt  }
0x61: {  	_ =	shalt  }
0x62: {  	_ =	shalt  }
0x63: {  	_ =	shalt  }
0x64: {  	_ =	shalt  }
0x65: {  	_ =	shalt  }
0x66: {  	_ =	shalt  }
0x67: {  	_ =	shalt  }
0x68: {  	_ =	shalt  }
0x69: {  	_ =	shalt  }
0x6a: {  	_ =	shalt  }
0x6b: {  	_ =	shalt  }
0x6c: {  	_ =	shalt  }
0x6d: {  	_ =	shalt  }
0x6e: {  	_ =	shalt  }
0x6f: {  	_ =	shalt  }
0x70: {  	_ =	shalt  }
0x71: {  	_ =	shalt  }
0x72: {  	_ =	shalt  }
0x73: {  	_ =	shalt  }
0x74: {  	_ =	shalt  }
0x75: {  	_ =	shalt  }
0x76: {  	_ =	shalt  }
0x77: {  	_ =	shalt  }
0x78: {  	_ =	shalt  }
0x79: {  	_ =	shalt  }
0x7a: {  	_ =	shalt  }
0x7b: {  	_ =	shalt  }
0x7c: {  	_ =	shalt  }
0x7d: {  	_ =	shalt  }
0x7e: {  	_ =	shalt  }
0x7f: {  	_ =	shalt  }
0x80: {  	_ =	shalt  }
0x81: {  	_ =	shalt  }
0x82: {  	_ =	shalt  }
0x83: {  	_ =	shalt  }
0x84: {  	_ =	shalt  }
0x85: {  	_ =	shalt  }
0x86: {  	_ =	shalt  }
0x87: {  	_ =	shalt  }
.Lfunc_end0:
.L_simem_size_0:
called_computation_lowered:
.L_overlay_start_0:
0x88: {  	s2 =	sld [smem:$0x3FD9]  }
0x89: {  	s3 =	sld [smem:$0x3FFE];
	_ =	sdelay $0x1  }
0x8a: {  	s1 =	srdreg.scid  }
0x8b: {  	s0 =	sand.u32 $0x1, s1  }
0x8c: {  	s17 =	sshll.u32 s0, $0xA;
	s2 =	sadd.s32 s3, s2  }
0x8d: {  	s2 =	sadd.s32 s2, s17  }
0x8e: {  	[smem:$0x3FC6] =	sst s2  }
0x8f: {  	_ = 	snop  }
0x90: {  	s2 =	sld [smem:$0x3FC8];
	(tm) =	ssettm $0x1  }
0x91: {  	s18 =	sld [smem:$0x3FFB];
	_ =	sdelay $0x3  }
0x92: {  	_ =	strace s18  }
0x93: {  	s3 =	sld [smem:$0x3FFC];
	_ =	sdelay $0x3  }
0x94: {  	_ =	strace s3  }
0x95: {  	s3 =	sld [smem:$0x3FFD];
	_ =	sdelay $0x3  }
0x96: {  	_ =	strace s3  }
0x97: {  	_ =	strace $0x8FFFFFFF  }
0x98: {  	s19 =	sld [smem:$0x3FDB];
	_ =	sdelay $0x1  }
0x99: {  	s4 =	simm.s32 $_scs_section_size  }
0x9a: {  	s5 =	simm.s32 $_size__tile_overlayer_lowered;
	s6 =	simm.s32 $_tile_overlayer_lowered  }
0x9b: {  	s22 =	simm.s32 $0x1BFF;
	s21 =	sshll.u32 s6, $0x1;
	s3 =	sadd.s32 s4, s19  }
0x9c: {  	s7 =	simm.s32 $0x0;
	s20 =	sshll.u32 s5, $0x1;
	s5 =	sadd.s32 s21, s3  }
0x9d: {  	[timem:s7], [sflag:s22] =	dma.local [hbm:s5], s20  }
0x9e: {  	_ =	swait.ge [sflag:s22], s20  }
0x9f: {  	s4 =	ssub.s32 $0x0, s20;
	[sflag:s22] =	ssyncset.done $0x0  }
0xa0: {  	[sflag:s22] =	ssyncadd.s32 s4;
	_ =	sdelay $0x1  }
0xa1: {  	s23 =	simm.s32 $0x1B8B  }
0xa2: {  	_ =	swait.ge [sflag:s23], $0x1  }
0xa3: {  	[sflag:s23] =	ssyncset.done $0x0  }
0xa4: {  	s25 =	simm.s32 $0x1B8E;
	s24 =	sld [smem:$0x3FFE];
	[sflag:s23] =	ssyncadd.s32 $0xFFFFFFFF  }
0xa5: {  	s26 =	simm.s32 $execute0_lowered;
	[smem:$0x3FD2] =	sst s25  }
0xa6: {  	s5 =	sshll.u32 s26, $0x1;
	_ =	strace $0x80000046;
	[dreg:$0x1] =	wrdreg $0xFFFFFFFF  }
0xa7: {  	s28 =	simm.s32 $_size_execute0_lowered;
	s3 =	sadd.s32 s3, s5;
	[dreg:$0x0] =	wrdreg $0x0  }
0xa8: {  	s5 =	sshll.u32 s28, $0x1;
	[dreg:$0x2] =	wrdreg s3  }
0xa9: {  	[dreg:$0x3] =	wrdreg s5  }
0xaa: {  	[dreg:$0x4] =	wrdreg $0xC0  }
0xab: {  	_ =	task [dreg:s7], $0x5FFFF  }
0xac: {  	[dreg:$0x1] =	wrdreg $0xFFFFFFFF  }
0xad: {  	[dreg:$0x0] =	wrdreg $0x60  }
0xae: {  	[dreg:$0x2] =	wrdreg s2  }
0xaf: {  	[dreg:$0x3] =	wrdreg s24  }
0xb0: {  	[dreg:$0x4] =	wrdreg $0x9  }
0xb1: {  	_ =	task.clear_ibuf [dreg:s7], $0x5FFFF;
	_ =	strace $0x90000046  }
0xb2: {  	s29 =	simm.s32 $0x9;
	_ =	strace $0x80000048  }
0xb3: {  	_ =	swait.ge [sflag:s29], $0x1  }
0xb4: {  	[sflag:s29] =	ssyncadd.s32 $0xFFFFFFFF  }
0xb5: {  	_ =	strace $0x90000048  }
0xb6: {  	_ =	sfence  }
0xb7: {  	s30 =	sld [smem:$0x0];
	_ =	sdelay $0x2  }
0xb8: {  	s31 =	sshll.u32 s1, $0xD;
	s1 =	sshrl.u32 s1, $0x2  }
0xb9: {  	s3 =	sand.u32 $0x4000, s31;
	s1 =	sadd.s32 s1, s30  }
0xba: {  	s0 =	sor.u32 s3, s0;
	s1 =	sshll.u32 s1, $0x11  }
0xbb: {  	s0 =	sor.u32 s1, s0  }
0xbc: {  	s0 =	sadd.s32 $0x8F2B, s0  }
0xbd: {  	[sflag:s0] =	ssyncadd.remote.s32 $0x1  }
0xbe: {  	_ =	sfence.sel $0xFFFF  }
0xbf: {  	[dreg:$0x0] =	wrdreg $0xFFFFFFFF;
	(pc) =	sbr.abs _section_cstart, $3  }
0xc0: {  	[dreg:$0x1] =	wrdreg $0xFFFFFFFF  }
0xc1: {  	_ =	task.clear_ibuf [dreg:s7], $0x2FFFF;
	_ =	strace $0x9FFFFFFF  }
0xc2: {  	(tm) =	ssettm $0x7FFFFFFF  }
0xc3: {  	_ =	shalt  }
tec
execute0_lowered:
.L_overlay_start_1:
0x0: {  	(tag) =	ssettag $0x1  }
0x1: {  	s1 =	srdreg.scid;
	s0 =	stileid.u32  }
0x2: {  	s4 =	sand.u32 $0x1, s1;
	s21 =	sshll.u32 s0, $0x1  }
0x3: {  	s5 =	sor.u32 s4, s21  }
0x4: {  	s6 =	smul.u32 $0xA0, s5;
	_ =	sdelay $0x1  }
0x5: {  	v8 =	vlaneseq.u32;
	v0 =	vmov s6  }
0x6: {  	v7 =	vmul.u32 $0x2, v8;
	s22 =	sor.u32 $0x10, s6;
	s23 =	sadd.s32 $0x20, s6;
	s24 =	sadd.s32 $0x30, s6;
	v0 =	vshll.u32 v0, $0x1  }
0x7: {  	s25 =	sadd.s32 $0x40, s6;
	s2 =	sadd.s32 $0x50, s6;
	s26 =	sadd.s32 $0x60, s6;
	v1 =	vmov s22;
	v2 =	vmov s23;
	v3 =	vmov s24  }
0x8: {  	s8 =	sadd.s32 $0x70, s6;
	s31 =	sadd.s32 $0x90, s6;
	v4 =	vmov s25;
	v5 =	vmov s2;
	v6 =	vmov s26  }
0x9: {  	v9 =	vmov s8;
	v11 =	vmov s31;
	v0 =	vor.u32 v7, v0  }
0xa: {  	v1 =	vshll.u32 v1, $0x1;
	v2 =	vshll.u32 v2, $0x1;
	v3 =	vshll.u32 v3, $0x1  }
0xb: {  	v4 =	vshll.u32 v4, $0x1;
	v5 =	vshll.u32 v5, $0x1;
	v6 =	vshll.u32 v6, $0x1  }
0xc: {  	v9 =	vshll.u32 v9, $0x1;
	v0 =	vmin.u32 v0, $0x270E;
	v1 =	vor.u32 v7, v1  }
0xd: {  	s9 =	sadd.s32 $0x80, s6;
	v2 =	vor.u32 v7, v2;
	v3 =	vor.u32 v7, v3;
	v4 =	vor.u32 v7, v4  }
0xe: {  	v5 =	vor.u32 v7, v5;
	v10 =	vor.u32 v7, v9;
	v9 =	vmov s9  }
0xf: {  	s7 =	rddreg [dreg:$0x1];
	s3 =	simm.s32 $0x0;
	v6 =	vor.u32 v7, v6;
	vm0 =	vlt.s32 v1, $0x270E;
	v9 =	vshll.u32 v9, $0x1  }
0x10: {  	s10 =	simm.s32 $0x2100;
	s11 =	simm.s32 $0x2900;
	s12 =	simm.s32 $0x3100;
	v1 =	vnsel vm0, $0x270E, v1;
	vm0 =	vlt.s32 v2, $0x270E;
	v12 =	vor.u32 v7, v9  }
0x11: {  	s13 =	simm.s32 $0x3900;
	s14 =	simm.s32 $0x4100;
	s15 =	simm.s32 $0x4900;
	v9 =	vshll.u32 v11, $0x1;
	v11 =	vshll.u32 v0, $0x1;
	v2 =	vnsel vm0, $0x270E, v2  }
0x12: {  	s16 =	simm.s32 $0x5100;
	s17 =	simm.s32 $0x5900;
	s18 =	simm.s32 $0x6100;
	vm0 =	vlt.s32 v3, $0x270E;
	v13 =	vor.u32 v7, v9;
	v7 =	vand.u32 $0x6, v0  }
0x13: {  	s19 =	simm.s32 $0x6900;
	s20 =	simm.s32 $0x7100;
	s28 =	simm.s32 $0x2;
	v9 =	vand.u32 $0x7FF0, v11;
	vm1 =	vlt.s32 v12, $0x270E;
	v3 =	vnsel vm0, $0x270E, v3  }
0x14: {  	s1 =	rddreg [dreg:$0x0];
	s4 =	ssub.s32 $0x2, s4;
	s5 =	smul.u32 $0x1400, s5;
	vm0 =	vlt.s32 v4, $0x270E;
	vm2 =	vlt.s32 v13, $0x270E;
	v11 =	vor.u32 v7, v9  }
0x15: {  	[smem:$0x7FF] =	sst s3;
	s21 =	simm.s32 $0x7900;
	s29 =	sshrl.u32 s4, $0x1;
	v7 =	vand.u32 $0x7, v8;
	v9 =	vshrl.u32 v8, $0x3;
	v8 =	vor.u32 $0x8, v8  }
0x16: {  	s30 =	ssub.s32 s4, s29;
	s5 =	sadd.s32 s5, s7;
	s6 =	simm.s32 $0x100;
	v4 =	vnsel vm0, $0x270E, v4;
	vm0 =	vlt.s32 v5, $0x270E;
	v14 =	vperm.xlane v11, v7  }
0x17: {  	s7 =	simm.s32 $0x900;
	s2 =	rddreg [dreg:$0x2];
	_ =	strace $0x80000047;
	v9 =	vmul.u32 $0x8, v9;
	v15 =	vperm.xlane v11, v8;
	v11 =	vnsel vm1, $0x270E, v12  }
0x18: {  	s4 =	sadd.s32 $0x800, s5;
	s5 =	smax.u32 s30, $0x1;
	s8 =	simm.s32 $0x1100;
	v12 =	vnsel vm2, $0x270E, v13;
	v5 =	vnsel vm0, $0x270E, v5;
	vm0 =	vlt.s32 v6, $0x270E  }
0x19: {  	s22 =	simm.s32 $0x8100;
	s23 =	simm.s32 $0x8900;
	s24 =	simm.s32 $0x9100;
	v6 =	vnsel vm0, $0x270E, v6;
	vm0 =	vlt.s32 v10, $0x270E;
	v13 =	vadd.s32 v9, v14  }
0x1a: {  	s25 =	simm.s32 $0x9900;
	s26 =	simm.s32 $0x1;
	s9 =	simm.s32 $0x1900;
	v14 =	vadd.s32 v9, v15;
	v10 =	vnsel vm0, $0x270E, v10;
	vm0 =	vmmov $0xffff  }
.LBB2_1:
0x1b: {  	[tilespmem:$0x0] =	vst v0  }
0x1c: {  	[tilespmem:$0x10] =	vst v1  }
0x1d: {  	[tilespmem:$0x20] =	vst v2  }
0x1e: {  	[tilespmem:$0x30] =	vst v3  }
0x1f: {  	[tilespmem:$0x40] =	vst v4  }
0x20: {  	[tilespmem:$0x50] =	vst v5  }
0x21: {  	[tilespmem:$0x60] =	vst v6  }
0x22: {  	[tilespmem:$0x70] =	vst v10  }
0x23: {  	[tilespmem:$0x80] =	vst v11  }
0x24: {  	[tilespmem:$0x90] =	vst v12  }
0x25: {  	[tilespmem:s6], [sflag:$0x1] =	stream.indirect_vreg.gather [hbm4b:s1+s3], $0x80, v13, vm0, $0xb8;
	[tilespmem:$0xA100] =	vst v63  }
0x26: {  	_ = 	snop  }
0x27: {  	[tilespmem:s7], [sflag:$0x1] =	stream.indirect_vreg.gather [hbm4b:s1+s3], $0x80, v14, vm0, $0xb8;
	[tilespmem:$0xA100] =	vst v63  }
0x28: {  	v15 =	vld [tilespmem:$0x10];
	_ =	sdelay $0x4  }
0x29: {  	v16 =	vshll.u32 v15, $0x1  }
0x2a: {  	v15 =	vand.u32 $0x7, v15;
	v16 =	vand.u32 $0xFFFFFFF0, v16  }
0x2b: {  	v15 =	vor.u32 v15, v16  }
0x2c: {  	v16 =	vperm.xlane v15, v7;
	_ =	sdelay $0x1  }
0x2d: {  	v15 =	vperm.xlane v15, v8;
	v16 =	vadd.s32 v9, v16;
	_ =	sdelay $0x1  }
0x2e: {  	v15 =	vadd.s32 v9, v15;
	_ =	sdelay $0x2  }
0x2f: {  	[tilespmem:s8], [sflag:$0x1] =	stream.indirect_vreg.gather [hbm4b:s1+s3], $0x80, v16, vm0, $0xb8;
	[tilespmem:$0xA100] =	vst v63  }
0x30: {  	_ = 	snop  }
0x31: {  	[tilespmem:s9], [sflag:$0x1] =	stream.indirect_vreg.gather [hbm4b:s1+s3], $0x80, v15, vm0, $0xb8;
	[tilespmem:$0xA100] =	vst v63  }
0x32: {  	v15 =	vld [tilespmem:$0x20];
	_ =	sdelay $0x4  }
0x33: {  	v56 =	vshll.u32 v15, $0x1  }
0x34: {  	v15 =	vand.u32 $0x7, v15;
	v16 =	vand.u32 $0xFFFFFFF0, v56  }
0x35: {  	v15 =	vor.u32 v15, v16  }
0x36: {  	v16 =	vperm.xlane v15, v7;
	_ =	sdelay $0x1  }
0x37: {  	v15 =	vperm.xlane v15, v8;
	v16 =	vadd.s32 v9, v16;
	_ =	sdelay $0x1  }
0x38: {  	v15 =	vadd.s32 v9, v15;
	_ =	sdelay $0x2  }
0x39: {  	[tilespmem:s10], [sflag:$0x1] =	stream.indirect_vreg.gather [hbm4b:s1+s3], $0x80, v16, vm0, $0xb8;
	[tilespmem:$0xA100] =	vst v63  }
0x3a: {  	_ = 	snop  }
0x3b: {  	[tilespmem:s11], [sflag:$0x1] =	stream.indirect_vreg.gather [hbm4b:s1+s3], $0x80, v15, vm0, $0xb8;
	[tilespmem:$0xA100] =	vst v63  }
0x3c: {  	v15 =	vld [tilespmem:$0x30];
	_ =	sdelay $0x4  }
0x3d: {  	v57 =	vshll.u32 v15, $0x1  }
0x3e: {  	v15 =	vand.u32 $0x7, v15;
	v16 =	vand.u32 $0xFFFFFFF0, v57  }
0x3f: {  	v15 =	vor.u32 v15, v16  }
0x40: {  	v16 =	vperm.xlane v15, v7;
	_ =	sdelay $0x1  }
0x41: {  	v15 =	vperm.xlane v15, v8;
	v16 =	vadd.s32 v9, v16;
	_ =	sdelay $0x1  }
0x42: {  	v15 =	vadd.s32 v9, v15;
	_ =	sdelay $0x2  }
0x43: {  	[tilespmem:s12], [sflag:$0x1] =	stream.indirect_vreg.gather [hbm4b:s1+s3], $0x80, v16, vm0, $0xb8;
	[tilespmem:$0xA100] =	vst v63  }
0x44: {  	_ = 	snop  }
0x45: {  	[tilespmem:s13], [sflag:$0x1] =	stream.indirect_vreg.gather [hbm4b:s1+s3], $0x80, v15, vm0, $0xb8;
	[tilespmem:$0xA100] =	vst v63  }
0x46: {  	v15 =	vld [tilespmem:$0x40];
	_ =	sdelay $0x4  }
0x47: {  	v58 =	vshll.u32 v15, $0x1  }
0x48: {  	v15 =	vand.u32 $0x7, v15;
	v16 =	vand.u32 $0xFFFFFFF0, v58  }
0x49: {  	v15 =	vor.u32 v15, v16  }
0x4a: {  	v16 =	vperm.xlane v15, v7;
	_ =	sdelay $0x1  }
0x4b: {  	v15 =	vperm.xlane v15, v8;
	v16 =	vadd.s32 v9, v16;
	_ =	sdelay $0x1  }
0x4c: {  	v15 =	vadd.s32 v9, v15;
	_ =	sdelay $0x2  }
0x4d: {  	[tilespmem:s14], [sflag:$0x1] =	stream.indirect_vreg.gather [hbm4b:s1+s3], $0x80, v16, vm0, $0xb8;
	[tilespmem:$0xA100] =	vst v63  }
0x4e: {  	_ = 	snop  }
0x4f: {  	[tilespmem:s15], [sflag:$0x1] =	stream.indirect_vreg.gather [hbm4b:s1+s3], $0x80, v15, vm0, $0xb8;
	[tilespmem:$0xA100] =	vst v63  }
0x50: {  	v15 =	vld [tilespmem:$0x50];
	_ =	sdelay $0x4  }
0x51: {  	v59 =	vshll.u32 v15, $0x1  }
0x52: {  	v15 =	vand.u32 $0x7, v15;
	v16 =	vand.u32 $0xFFFFFFF0, v59  }
0x53: {  	v15 =	vor.u32 v15, v16  }
0x54: {  	v16 =	vperm.xlane v15, v7;
	_ =	sdelay $0x1  }
0x55: {  	v15 =	vperm.xlane v15, v8;
	v16 =	vadd.s32 v9, v16;
	_ =	sdelay $0x1  }
0x56: {  	v15 =	vadd.s32 v9, v15;
	_ =	sdelay $0x2  }
0x57: {  	[tilespmem:s16], [sflag:$0x1] =	stream.indirect_vreg.gather [hbm4b:s1+s3], $0x80, v16, vm0, $0xb8;
	[tilespmem:$0xA100] =	vst v63  }
0x58: {  	_ = 	snop  }
0x59: {  	[tilespmem:s17], [sflag:$0x1] =	stream.indirect_vreg.gather [hbm4b:s1+s3], $0x80, v15, vm0, $0xb8;
	[tilespmem:$0xA100] =	vst v63  }
0x5a: {  	v15 =	vld [tilespmem:$0x60];
	_ =	sdelay $0x4  }
0x5b: {  	v60 =	vshll.u32 v15, $0x1  }
0x5c: {  	v15 =	vand.u32 $0x7, v15;
	v16 =	vand.u32 $0xFFFFFFF0, v60  }
0x5d: {  	v15 =	vor.u32 v15, v16  }
0x5e: {  	v16 =	vperm.xlane v15, v7;
	_ =	sdelay $0x1  }
0x5f: {  	v15 =	vperm.xlane v15, v8;
	v16 =	vadd.s32 v9, v16;
	_ =	sdelay $0x1  }
0x60: {  	v15 =	vadd.s32 v9, v15;
	_ =	sdelay $0x2  }
0x61: {  	[tilespmem:s18], [sflag:$0x1] =	stream.indirect_vreg.gather [hbm4b:s1+s3], $0x80, v16, vm0, $0xb8;
	[tilespmem:$0xA100] =	vst v63  }
0x62: {  	_ = 	snop  }
0x63: {  	[tilespmem:s19], [sflag:$0x1] =	stream.indirect_vreg.gather [hbm4b:s1+s3], $0x80, v15, vm0, $0xb8;
	[tilespmem:$0xA100] =	vst v63  }
0x64: {  	v15 =	vld [tilespmem:$0x70];
	_ =	sdelay $0x4  }
0x65: {  	v61 =	vshll.u32 v15, $0x1  }
0x66: {  	v15 =	vand.u32 $0x7, v15;
	v16 =	vand.u32 $0xFFFFFFF0, v61  }
0x67: {  	v15 =	vor.u32 v15, v16  }
0x68: {  	v16 =	vperm.xlane v15, v7;
	_ =	sdelay $0x1  }
0x69: {  	v15 =	vperm.xlane v15, v8;
	v16 =	vadd.s32 v9, v16;
	_ =	sdelay $0x1  }
0x6a: {  	v15 =	vadd.s32 v9, v15;
	_ =	sdelay $0x2  }
0x6b: {  	[tilespmem:s20], [sflag:$0x1] =	stream.indirect_vreg.gather [hbm4b:s1+s3], $0x80, v16, vm0, $0xb8;
	[tilespmem:$0xA100] =	vst v63  }
0x6c: {  	_ = 	snop  }
0x6d: {  	[tilespmem:s21], [sflag:$0x1] =	stream.indirect_vreg.gather [hbm4b:s1+s3], $0x80, v15, vm0, $0xb8;
	[tilespmem:$0xA100] =	vst v63  }
0x6e: {  	v15 =	vld [tilespmem:$0x80];
	_ =	sdelay $0x4  }
0x6f: {  	v62 =	vshll.u32 v15, $0x1  }
0x70: {  	v15 =	vand.u32 $0x7, v15;
	v16 =	vand.u32 $0xFFFFFFF0, v62  }
0x71: {  	v15 =	vor.u32 v15, v16  }
0x72: {  	v16 =	vperm.xlane v15, v7;
	_ =	sdelay $0x1  }
0x73: {  	v15 =	vperm.xlane v15, v8;
	v16 =	vadd.s32 v9, v16;
	_ =	sdelay $0x1  }
0x74: {  	v15 =	vadd.s32 v9, v15;
	_ =	sdelay $0x2  }
0x75: {  	[tilespmem:s22], [sflag:$0x1] =	stream.indirect_vreg.gather [hbm4b:s1+s3], $0x80, v16, vm0, $0xb8;
	[tilespmem:$0xA100] =	vst v63  }
0x76: {  	_ = 	snop  }
0x77: {  	[tilespmem:s23], [sflag:$0x1] =	stream.indirect_vreg.gather [hbm4b:s1+s3], $0x80, v15, vm0, $0xb8;
	[tilespmem:$0xA100] =	vst v63  }
0x78: {  	v15 =	vld [tilespmem:$0x90];
	_ =	sdelay $0x4  }
0x79: {  	v63 =	vshll.u32 v15, $0x1  }
0x7a: {  	v15 =	vand.u32 $0x7, v15;
	v16 =	vand.u32 $0xFFFFFFF0, v63  }
0x7b: {  	v15 =	vor.u32 v15, v16  }
0x7c: {  	v16 =	vperm.xlane v15, v7;
	_ =	sdelay $0x1  }
0x7d: {  	v15 =	vperm.xlane v15, v8;
	v16 =	vadd.s32 v9, v16;
	_ =	sdelay $0x1  }
0x7e: {  	v15 =	vadd.s32 v9, v15;
	_ =	sdelay $0x2  }
0x7f: {  	[tilespmem:s24], [sflag:$0x1] =	stream.indirect_vreg.gather [hbm4b:s1+s3], $0x80, v16, vm0, $0xb8;
	[tilespmem:$0xA100] =	vst v63  }
0x80: {  	_ = 	snop  }
0x81: {  	[tilespmem:s25], [sflag:$0x1] =	stream.indirect_vreg.gather [hbm4b:s1+s3], $0x80, v15, vm0, $0xb8;
	[tilespmem:$0xA100] =	vst v63  }
0x82: {  	_ =	swait.ge [sflag:s26], $0xA000  }
0x83: {  	p0 =	sne.s32 s5, $0x1;
	[sflag:s26] =	ssyncset.done $0x0  }
.Ltmp0:
0x84: {  	[sflag:s26] =	ssyncadd.s32 $0xFFFF6000;
	(pc) =	sbr.rel @p0 .LBB2_1-.Ltmp0, $4  }
0x85: {  	[hbm4b:s4+s3] =	stream.linear.scatter [tilespmem:s6], [sflag:$0x2], $0xA000, $0x38;
	[tilespmem:$0xA100] =	vst v63  }
0x86: {  	_ =	swait.ge [sflag:s28], $0xA000  }
0x87: {  	[sflag:s28] =	ssyncset.done $0x0  }
0x88: {  	s5 =	sadd.s32 $0xFFFFFFFF, s5;
	[sflag:s28] =	ssyncadd.s32 $0xFFFF6000  }
0x89: {  	_ =	sfence.sel $0x180000  }
0x8a: {  	[bflag:$0x0] =	sbarrier.arrive $0xFFFF  }
0x8b: {  	p0 =	sne.s32 s0, $0x0;
	_ =	strace $0x90000047  }
0x8c: {  	s0 =	sadd.s32 @!p0 $0x100000, s2;
	[bflag:$0x2] =	sbarrier.arrive $0xFFFF  }
0x8d: {  	[sflag:s0] =	ssyncadd.tile.s32 @!p0 $0x1;
	_ =	shalt  }
.Lfunc_end2:
_tile_overlayer_lowered:
.L_overlay_start_2:
0x8e: {  	(tag) =	ssettag $0x2  }
0x8f: {  	s0 =	rddreg [dreg:$0x0];
	s2 =	stileid.u32  }
0x90: {  	s1 =	rddreg [dreg:$0x1];
	p0 =	sne.s32 s2, $0x0  }
0x91: {  	s3 =	rddreg [dreg:$0x2];
	[bflag:$0x3] =	sbarrier.arrive $0xFFFF;
	s2 =	simm.s32 @!p0 $0x1C02  }
0x92: {  	[timem:s3], [sflag:s2] =	dma.local @!p0 [hbm:s0], s1  }
0x93: {  	s0 =	simm.s32 @!p0 $0x2  }
0x94: {  	_ =	swait.ge @!p0 [sflag:s0], s1  }
0x95: {  	s1 =	ssub.s32 @!p0 $0x0, s1;
	[sflag:s0] =	ssyncset.done @!p0 $0x0  }
0x96: {  	[sflag:s0] =	ssyncadd.s32 @!p0 s1  }
0x97: {  	[bflag:$0x3] =	sbarrier.arrive $0xFFFF  }
0x98: {  	_ =	shalt  }

</sc_bundles>
